<compile_context>
chip_gen: v7x
topology: tpu7x:2x2x1
jax: 0.10.2.dev20260603
libtpu: 0.0.44.dev20260713+nightly
codegen_flags: <defaults>
</compile_context>

<pallas_src>
import functools

import jax
import jax.numpy as jnp
from jax import lax
from jax.experimental import pallas as pl
from jax.experimental.pallas import tpu as pltpu
from jax.experimental.pallas import tpu_sc as plsc

N = 10000
E = 320000
D_IN = 128
D_EDGE = 16
D_MID = 128
D_OUT = 128

NC = 2
NS = 16
NW = NC * NS
C = 64
NCH = 160
NCH0 = 288
NCH1 = 32
EPT = NCH * C
EP = NW * EPT
NPAD = 10112
DUMMY = NPAD - 1
RPT = NPAD // NS
DPT = NPAD // NS

_sc_mesh = plsc.VectorSubcoreMesh(core_axis_name="c", subcore_axis_name="s")


@functools.partial(
    pl.kernel,
    out_type=jax.ShapeDtypeStruct((NC, NPAD, D_MID), jnp.float32),
    mesh=_sc_mesh,
    scratch_types=[
        [pltpu.VMEM((C,), jnp.int32)] * 2,
        [pltpu.VMEM((C,), jnp.int32)] * 2,
        [pltpu.VMEM((C,), jnp.int32)] * 2,
        [pltpu.VMEM((C, D_MID), jnp.float32)] * 2,
        [pltpu.VMEM((C // 8, 8 * D_MID), jnp.float32)] * 2,
        pltpu.VMEM_SHARED((NPAD, D_MID), jnp.float32),
        [pltpu.SemaphoreType.DMA] * 2,
        [pltpu.SemaphoreType.DMA] * 2,
        [pltpu.SemaphoreType.DMA] * 2,
        [pltpu.SemaphoreType.DMA] * 2,
    ],
)
def _sc_edge_kernel(xa, eb, col1d, row1d, zseg,
                    seg_out,
                    colv, rowv, srow, gbuf, ebuf, acc_seg,
                    sem_i, sem_g, sem_e, sem_s):
    c = lax.axis_index("c")
    s = lax.axis_index("s")

    pltpu.sync_copy(zseg, acc_seg.at[pl.ds(s * RPT, RPT)])
    nch = jnp.where(c == 0, NCH0, NCH1)
    ch0 = jnp.where(c == 0, s * NCH0, NS * NCH0 + s * NCH1)
    plsc.subcore_barrier()

    def issue_idx(p, k):
        base = (ch0 + k) * C
        pltpu.async_copy(col1d.at[pl.ds(base, C)], colv[p], sem_i[p])
        pltpu.async_copy(row1d.at[pl.ds(base, C)], rowv[p], sem_i[p])

    def wait_idx(p):
        pltpu.make_async_copy(col1d.at[pl.ds(0, C)], colv[p], sem_i[p]).wait()
        pltpu.make_async_copy(row1d.at[pl.ds(0, C)], rowv[p], sem_i[p]).wait()

    def issue_data(p, k):
        base8 = (ch0 + k) * (C // 8)
        pltpu.async_copy(eb.at[pl.ds(base8, C // 8)], ebuf[p], sem_e[p])
        pltpu.async_copy(xa.at[colv[p]], gbuf[p], sem_g[p])

    def wait_data(p):
        pltpu.make_async_copy(eb.at[pl.ds(0, C // 8)], ebuf[p], sem_e[p]).wait()
        pltpu.make_async_copy(xa.at[colv[p]], gbuf[p], sem_g[p]).wait()

    def issue_scatter(p):
        pltpu.async_copy(gbuf[p], acc_seg.at[srow[p]], sem_s[p], add=True)

    def wait_scatter(p):
        pltpu.make_async_copy(gbuf[p], acc_seg.at[srow[p]], sem_s[p]).wait()

    def compute(p):
        @plsc.parallel_loop(0, C // 16, unroll=2)
        def _grp(t):
            sl = pl.ds(t * 16, 16)
            srow[p][sl] = rowv[p][sl]

        @plsc.parallel_loop(0, C, unroll=4)
        def _edge(i):
            er = i >> 3
            ec = (i & 7) * D_MID
            for j in range(D_MID // 16):
                sl = pl.ds(j * 16, 16)
                gbuf[p][i, sl] = jnp.maximum(
                    gbuf[p][i, sl] + ebuf[p][er, pl.ds(ec + j * 16, 16)], 0.0)

    issue_idx(0, 0)
    issue_idx(1, 1)
    wait_idx(0)
    issue_data(0, 0)
    nch_half = nch // 2

    @pl.loop(0, nch_half)
    def _pipe(g):
        not_last = g < nch_half - 1
        for p in (0, 1):
            m = 2 * g + p
            q = 1 - p

            if p == 0:
                @pl.when(g > 0)
                def _():
                    wait_scatter(q)

                wait_idx(q)
                issue_data(q, m + 1)
            else:
                wait_scatter(q)

                @pl.when(not_last)
                def _():
                    wait_idx(q)
                    issue_data(q, m + 1)

            wait_data(p)
            compute(p)
            issue_scatter(p)

            @pl.when(not_last)
            def _():
                issue_idx(p, m + 2)

    wait_scatter(1)
    plsc.subcore_barrier()
    r0 = s * DPT
    pltpu.sync_copy(acc_seg.at[pl.ds(r0, DPT)], seg_out.at[c, pl.ds(r0, DPT)])


@functools.partial(
    pl.kernel,
    out_type=jax.ShapeDtypeStruct((NC, NPAD, D_MID), jnp.float32),
    mesh=_sc_mesh,
    scratch_types=[
        [pltpu.VMEM((C,), jnp.int32)] * 2,
        [pltpu.VMEM((C,), jnp.int32)] * 2,
        pltpu.VMEM((C, D_MID), jnp.float32),
        pltpu.VMEM_SHARED((NPAD, D_MID), jnp.float32),
        [pltpu.SemaphoreType.DMA] * 2,
        [pltpu.SemaphoreType.DMA] * 2,
    ],
)
def _sc_count_kernel(row1d, zcnt, ones_in, cnt_out,
                     rowv, srow, onesv, acc_cnt, sem_i, sem_s):
    c = lax.axis_index("c")
    s = lax.axis_index("s")
    wid = c * NS + s

    pltpu.sync_copy(zcnt, acc_cnt.at[pl.ds(s * RPT, RPT)])
    pltpu.sync_copy(ones_in, onesv)
    ch0 = wid * NCH
    plsc.subcore_barrier()

    def issue_idx(p, k):
        base = (ch0 + k) * C
        pltpu.async_copy(row1d.at[pl.ds(base, C)], rowv[p], sem_i[p])

    def wait_idx(p):
        pltpu.make_async_copy(row1d.at[pl.ds(0, C)], rowv[p], sem_i[p]).wait()

    def wait_scatter(p):
        pltpu.make_async_copy(onesv, acc_cnt.at[srow[p]], sem_s[p]).wait()

    issue_idx(0, 0)
    issue_idx(1, 1)

    @pl.loop(0, NCH // 2)
    def _pipe(g):
        not_last = g < NCH // 2 - 1
        for p in (0, 1):
            m = 2 * g + p
            wait_idx(p)

            @pl.when(g > 0)
            def _():
                wait_scatter(p)

            @plsc.parallel_loop(0, C // 16, unroll=2)
            def _cp(t):
                sl = pl.ds(t * 16, 16)
                srow[p][sl] = rowv[p][sl]

            pltpu.async_copy(onesv, acc_cnt.at[srow[p]], sem_s[p], add=True)

            @pl.when(not_last)
            def _():
                issue_idx(p, m + 2)

    wait_scatter(0)
    wait_scatter(1)
    plsc.subcore_barrier()
    r0 = s * DPT
    pltpu.sync_copy(acc_cnt.at[pl.ds(r0, DPT)], cnt_out.at[c, pl.ds(r0, DPT)])


def _xa_kernel(x_ref, w_ref, o_ref):
    o_ref[...] = jnp.dot(x_ref[...], w_ref[...],
                         preferred_element_type=jnp.float32)


def _eb_kernel(ea_ref, w_ref, b_ref, o_ref):
    o_ref[...] = jnp.dot(ea_ref[...], w_ref[...],
                         preferred_element_type=jnp.float32) + b_ref[...]


RB = 2000


def _final_kernel(sp_ref, cp_ref, w2, b2, w3, b3, w4, b4, o_ref):
    seg = sp_ref[0] + sp_ref[1]
    cnt = cp_ref[0, :, 0:1] + cp_ref[1, :, 0:1]
    svec = jnp.dot(seg, w2[...], preferred_element_type=jnp.float32)
    svec = svec + cnt * b2[...]
    mean = svec / jnp.maximum(cnt, 1.0)
    h = jnp.maximum(
        jnp.dot(mean, w3[...], preferred_element_type=jnp.float32) + b3[...],
        0.0)
    o_ref[...] = jnp.dot(h, w4[...],
                         preferred_element_type=jnp.float32) + b4[...]


def kernel(x, edge_index, edge_attr, batch, W1, b1, W2, b2, W3, b3, W4, b4):
    del batch
    row = edge_index[0]
    col = edge_index[1]
    npad = EP - E
    col_p = jnp.concatenate([col, jnp.zeros((npad,), jnp.int32)])
    pad_rows = N + jnp.arange(npad, dtype=jnp.int32) % (NPAD - N)
    row_p = jnp.concatenate([row, pad_rows])

    zcnt = jnp.zeros((RPT, D_MID), jnp.float32)
    ones_in = jnp.zeros((C, D_MID), jnp.float32).at[:, 0].set(1.0)
    cnt_p = _sc_count_kernel(row_p, zcnt, ones_in)

    xa = pl.pallas_call(
        _xa_kernel,
        out_shape=jax.ShapeDtypeStruct((N, D_MID), jnp.float32),
    )(x, W1[:D_IN])

    ea_packed = edge_attr.reshape(E // 8, 8 * D_EDGE)
    w_exp = jnp.kron(jnp.eye(8, dtype=jnp.float32), W1[D_IN:])
    b1_tiled = jnp.tile(b1.reshape(1, D_MID), (1, 8))
    ebv = pl.pallas_call(
        _eb_kernel,
        grid=(EP // 8 // 320,),
        in_specs=[
            pl.BlockSpec((320, 8 * D_EDGE),
                         lambda i: (jnp.minimum(i, E // 8 // 320 - 1), 0)),
            pl.BlockSpec((8 * D_EDGE, 8 * D_MID), lambda i: (0, 0)),
            pl.BlockSpec((1, 8 * D_MID), lambda i: (0, 0)),
        ],
        out_specs=pl.BlockSpec((320, 8 * D_MID), lambda i: (i, 0)),
        out_shape=jax.ShapeDtypeStruct((EP // 8, 8 * D_MID), jnp.float32),
    )(ea_packed, w_exp, b1_tiled)

    zseg = jnp.zeros((RPT, D_MID), jnp.float32)
    seg_p = _sc_edge_kernel(xa, ebv, col_p, row_p, zseg)

    out = pl.pallas_call(
        _final_kernel,
        grid=(N // RB,),
        in_specs=[
            pl.BlockSpec((NC, RB, D_MID), lambda i: (0, i, 0)),
            pl.BlockSpec((NC, RB, D_MID), lambda i: (0, i, 0)),
            pl.BlockSpec((D_MID, D_MID), lambda i: (0, 0)),
            pl.BlockSpec((1, D_MID), lambda i: (0, 0)),
            pl.BlockSpec((D_MID, D_MID), lambda i: (0, 0)),
            pl.BlockSpec((1, D_MID), lambda i: (0, 0)),
            pl.BlockSpec((D_MID, D_OUT), lambda i: (0, 0)),
            pl.BlockSpec((1, D_OUT), lambda i: (0, 0)),
        ],
        out_specs=pl.BlockSpec((RB, D_OUT), lambda i: (i, 0)),
        out_shape=jax.ShapeDtypeStruct((N, D_OUT), jnp.float32),
    )(seg_p, cnt_p, W2, b2.reshape(1, D_MID), W3, b3.reshape(1, D_MID),
      W4, b4.reshape(1, D_OUT))
    return out

# --- scband reference (transcript-rebuilt; emitter-appended) ---
"""Pipeline reference for scband-my-layer-12180527251595 (READ-ONLY COPY).

The authoritative reference and input builder live on the scoring server;
editing this copy changes nothing except your own understanding.
"""

import jax, jax.numpy as jnp
import numpy as np

N = 10000
E = 320000
D_IN = 128
D_EDGE = 16
D_MID = 128
D_OUT = 128


def setup_inputs(seed: int = 0) -> dict:
    key = jax.random.key(seed)
    ks = jax.random.split(key, 12)
    x = jax.random.normal(ks[0], (N, D_IN), dtype=jnp.float32)
    edge_index = jax.random.randint(ks[1], (2, E), 0, N, dtype=jnp.int32)
    edge_attr = jax.random.normal(ks[2], (E, D_EDGE), dtype=jnp.float32)
    batch = jnp.zeros((N,), dtype=jnp.int32)
    s1 = 1.0 / np.sqrt(D_IN + D_EDGE)
    s2 = 1.0 / np.sqrt(D_MID)
    W1 = jax.random.uniform(ks[3], (D_IN + D_EDGE, D_MID), jnp.float32, -s1, s1)
    b1 = jax.random.uniform(ks[4], (D_MID,), jnp.float32, -s1, s1)
    W2 = jax.random.uniform(ks[5], (D_MID, D_MID), jnp.float32, -s2, s2)
    b2 = jax.random.uniform(ks[6], (D_MID,), jnp.float32, -s2, s2)
    W3 = jax.random.uniform(ks[7], (D_MID, D_MID), jnp.float32, -s2, s2)
    b3 = jax.random.uniform(ks[8], (D_MID,), jnp.float32, -s2, s2)
    W4 = jax.random.uniform(ks[9], (D_MID, D_OUT), jnp.float32, -s2, s2)
    b4 = jax.random.uniform(ks[10], (D_OUT,), jnp.float32, -s2, s2)
    return {"x": x, "edge_index": edge_index, "edge_attr": edge_attr, "batch": batch,
            "W1": W1, "b1": b1, "W2": W2, "b2": b2, "W3": W3, "b3": b3, "W4": W4, "b4": b4}


def reference(x, edge_index, edge_attr, batch, W1, b1, W2, b2, W3, b3, W4, b4):
    # edge_model is identity on edge_attr; node_model below.
    row = edge_index[0]
    col = edge_index[1]
    # gather destination-side node features and concat with edge attrs
    h = jnp.concatenate([x[col], edge_attr], axis=1)
    # node_mlp_1: Lin -> ReLU -> Lin
    h = jnp.maximum(h @ W1 + b1, 0.0) @ W2 + b2
    # scatter_mean over row with dim_size = N
    s = jax.ops.segment_sum(h, row, num_segments=x.shape[0])
    cnt = jax.ops.segment_sum(jnp.ones((row.shape[0],), dtype=h.dtype), row, num_segments=x.shape[0])
    mean = s / jnp.clip(cnt, 1.0)[:, None]
    # node_mlp_2: Lin -> ReLU -> Lin
    out = jnp.maximum(mean @ W3 + b3, 0.0) @ W4 + b4
    return out

if __name__ == "__main__":
    import jax
    _d = setup_inputs()
    print(jax.jit(kernel)(*tuple(_d.values())))

</pallas_src>

<mosaic_0001>
#map = affine_map<(d0, d1) -> (0)>
#map1 = affine_map<(d0, d1) -> (0, 0)>
#map2 = affine_map<(d0, d1) -> (0, 0, 0)>
module attributes {stable_mosaic.version = 14 : i64} {
  func.func @_sc_count_kernel(%arg0: i32, %arg1: i32, %arg2: memref<327680xi32, #tpu.memory_space<hbm>>, %arg3: memref<632x128xf32, #tpu.memory_space<hbm>>, %arg4: memref<64x128xf32, #tpu.memory_space<hbm>>, %arg5: memref<2x10112x128xf32, #tpu.memory_space<hbm>>, %arg6: memref<64xi32, #tpu.memory_space<vmem>>, %arg7: memref<64xi32, #tpu.memory_space<vmem>>, %arg8: memref<64xi32, #tpu.memory_space<vmem>>, %arg9: memref<64xi32, #tpu.memory_space<vmem>>, %arg10: memref<64x128xf32, #tpu.memory_space<vmem>>, %arg11: memref<10112x128xf32, #tpu.memory_space<vmem_shared>>, %arg12: memref<!tpu.dma_semaphore, #tpu.memory_space<semaphore_mem>>, %arg13: memref<!tpu.dma_semaphore, #tpu.memory_space<semaphore_mem>>, %arg14: memref<!tpu.dma_semaphore, #tpu.memory_space<semaphore_mem>>, %arg15: memref<!tpu.dma_semaphore, #tpu.memory_space<semaphore_mem>>) attributes {dimension_semantics = [#tpu.dimension_semantics<core_parallel>, #tpu.dimension_semantics<subcore_parallel>], iteration_bounds = array<i64: 2, 16>, scalar_prefetch = 0 : i64, scratch_operands = 10 : i64, tpu.core_type = #tpu.core_type<sc_vector_subcore>, window_params = [{transform_indices = #map}, {transform_indices = #map1}, {transform_indices = #map1}, {transform_indices = #map2}]} {
    %mul3A = arith.constant 16 : i32
    %mul3A_0 = arith.muli %arg0, %mul3A : i32
    %add3A = arith.addi %mul3A_0, %arg1 : i32
    %mul3A_1 = arith.constant 632 : i32
    %mul3A_2 = arith.muli %arg1, %mul3A_1 : i32
    "tpu.region"() ({
      %run_scoped3A = tpu.sem_alloc : memref<!tpu.dma_semaphore, #tpu.memory_space<semaphore_mem>>
      %dma_start3A_28 = arith.constant 0 : i32
      %dma_start3A_29 = tpu.memref_slice %arg11[%mul3A_2, %dma_start3A_28] : memref<10112x128xf32, #tpu.memory_space<vmem_shared>> -> memref<632x128xf32, #tpu.memory_space<vmem_shared>>
      tpu.enqueue_dma source(%arg3 : memref<632x128xf32, #tpu.memory_space<hbm>>) target(%dma_start3A_29 : memref<632x128xf32, #tpu.memory_space<vmem_shared>>) target_semaphore(%run_scoped3A : memref<!tpu.dma_semaphore, #tpu.memory_space<semaphore_mem>>)
      %dma_wait3A_30 = arith.constant 0 : i32
      %dma_wait3A_31 = tpu.memref_slice %arg11[%mul3A_2, %dma_wait3A_30] : memref<10112x128xf32, #tpu.memory_space<vmem_shared>> -> memref<632x128xf32, #tpu.memory_space<vmem_shared>>
      tpu.wait_dma2 semaphore(%run_scoped3A : memref<!tpu.dma_semaphore, #tpu.memory_space<semaphore_mem>>) src(%arg3 : memref<632x128xf32, #tpu.memory_space<hbm>>) dst(%dma_wait3A_31 : memref<632x128xf32, #tpu.memory_space<vmem_shared>>)
      tpu.yield
    }) : () -> ()
    "tpu.region"() ({
      %run_scoped3A = tpu.sem_alloc : memref<!tpu.dma_semaphore, #tpu.memory_space<semaphore_mem>>
      tpu.enqueue_dma source(%arg4 : memref<64x128xf32, #tpu.memory_space<hbm>>) target(%arg10 : memref<64x128xf32, #tpu.memory_space<vmem>>) target_semaphore(%run_scoped3A : memref<!tpu.dma_semaphore, #tpu.memory_space<semaphore_mem>>)
      tpu.wait_dma2 semaphore(%run_scoped3A : memref<!tpu.dma_semaphore, #tpu.memory_space<semaphore_mem>>) src(%arg4 : memref<64x128xf32, #tpu.memory_space<hbm>>) dst(%arg10 : memref<64x128xf32, #tpu.memory_space<vmem>>)
      tpu.yield
    }) : () -> ()
    %mul3A_3 = arith.constant 160 : i32
    %mul3A_4 = arith.muli %add3A, %mul3A_3 : i32
    %barrier3A = arith.constant 0 : index
    tpu.barrier barrier_id(%barrier3A)
    %add3A_5 = arith.constant 0 : i32
    %add3A_6 = arith.addi %mul3A_4, %add3A_5 : i32
    %mul3A_7 = arith.constant 64 : i32
    %mul3A_8 = arith.muli %add3A_6, %mul3A_7 : i32
    %dma_start3A = tpu.memref_slice %arg2[%mul3A_8] : memref<327680xi32, #tpu.memory_space<hbm>> -> memref<64xi32, #tpu.memory_space<hbm>>
    %dma_start3A_9 = tpu.memref_slice %arg2[%mul3A_8] : memref<327680xi32, #tpu.memory_space<hbm>> -> memref<64xi32, #tpu.memory_space<hbm>>
    tpu.enqueue_dma source(%dma_start3A_9 : memref<64xi32, #tpu.memory_space<hbm>>) target(%arg6 : memref<64xi32, #tpu.memory_space<vmem>>) target_semaphore(%arg12 : memref<!tpu.dma_semaphore, #tpu.memory_space<semaphore_mem>>)
    %add3A_10 = arith.constant 1 : i32
    %add3A_11 = arith.addi %mul3A_4, %add3A_10 : i32
    %mul3A_12 = arith.constant 64 : i32
    %mul3A_13 = arith.muli %add3A_11, %mul3A_12 : i32
    %dma_start3A_14 = tpu.memref_slice %arg2[%mul3A_13] : memref<327680xi32, #tpu.memory_space<hbm>> -> memref<64xi32, #tpu.memory_space<hbm>>
    %dma_start3A_15 = tpu.memref_slice %arg2[%mul3A_13] : memref<327680xi32, #tpu.memory_space<hbm>> -> memref<64xi32, #tpu.memory_space<hbm>>
    tpu.enqueue_dma source(%dma_start3A_15 : memref<64xi32, #tpu.memory_space<hbm>>) target(%arg7 : memref<64xi32, #tpu.memory_space<vmem>>) target_semaphore(%arg13 : memref<!tpu.dma_semaphore, #tpu.memory_space<semaphore_mem>>)
    %scan3A = arith.constant 0 : i32
    %scan3A_16 = arith.constant 80 : i32
    %scan3A_17 = arith.addi %scan3A, %scan3A_16 : i32
    %scan3A_18 = arith.constant 1 : i32
    scf.for %scan3A_28 = %scan3A to %scan3A_17 step %scan3A_18  : i32 {
      %mul3A_29 = arith.constant 1 : i32
      %mul3A_30 = arith.muli %scan3A_28, %mul3A_29 : i32
      %add3A_31 = arith.constant 0 : i32
      %add3A_32 = arith.addi %add3A_31, %mul3A_30 : i32
      %lt3A = arith.constant 79 : i32
      %lt3A_33 = arith.cmpi slt, %add3A_32, %lt3A : i32
      %mul3A_34 = arith.constant 2 : i32
      %mul3A_35 = arith.muli %mul3A_34, %add3A_32 : i32
      %add3A_36 = arith.constant 0 : i32
      %add3A_37 = arith.addi %mul3A_35, %add3A_36 : i32
      %dma_wait3A_38 = arith.constant 0 : i32
      %dma_wait3A_39 = tpu.memref_slice %arg2[%dma_wait3A_38] : memref<327680xi32, #tpu.memory_space<hbm>> -> memref<64xi32, #tpu.memory_space<hbm>>
      %dma_wait3A_40 = arith.constant 0 : i32
      %dma_wait3A_41 = tpu.memref_slice %arg2[%dma_wait3A_40] : memref<327680xi32, #tpu.memory_space<hbm>> -> memref<64xi32, #tpu.memory_space<hbm>>
      tpu.wait_dma2 semaphore(%arg12 : memref<!tpu.dma_semaphore, #tpu.memory_space<semaphore_mem>>) src(%dma_wait3A_41 : memref<64xi32, #tpu.memory_space<hbm>>) dst(%arg6 : memref<64xi32, #tpu.memory_space<vmem>>)
      %gt3A = arith.constant 0 : i32
      %gt3A_42 = arith.cmpi sgt, %add3A_32, %gt3A : i32
      %convert_element_type3A = arith.extui %gt3A_42 : i1 to i32
      %cond3A = arith.constant 0 : i32
      %cond3A_43 = arith.cmpi ne, %convert_element_type3A, %cond3A : i32
      scf.if %cond3A_43 {
        %dma_wait3A_74 = arith.constant 0 : i32
        %dma_wait3A_75 = arith.constant 0 : i32
        %dma_wait3A_76 = tpu.memref_slice %arg11[%dma_wait3A_74, %dma_wait3A_75] : memref<10112x128xf32, #tpu.memory_space<vmem_shared>> -> memref<10112x128xf32, #tpu.memory_space<vmem_shared>>
        tpu.wait_indirect_dma semaphore(%arg14 : memref<!tpu.dma_semaphore, #tpu.memory_space<semaphore_mem>>) src(%arg10 : memref<64x128xf32, #tpu.memory_space<vmem>>) dst(%dma_wait3A_76 : memref<10112x128xf32, #tpu.memory_space<vmem_shared>>)
      } else {
      }
      %parallel_loop3A = arith.constant 0 : i32
      %parallel_loop3A_44 = arith.constant 4 : i32
      %parallel_loop3A_45 = arith.constant 1 : i32
      scf.for %parallel_loop3A_74 = %parallel_loop3A to %parallel_loop3A_44 step %parallel_loop3A_45  : i32 {
        %parallel_loop3A_75 = arith.constant 16 : i32
        %parallel_loop3A_76 = arith.muli %parallel_loop3A_74, %parallel_loop3A_75 : i32
        %parallel_loop3A_77 = arith.index_cast %parallel_loop3A_76 : i32 to index
        %parallel_loop3A_78 = tpu.vector_load %arg6[%parallel_loop3A_77] {strides = array<i32>} : memref<64xi32, #tpu.memory_space<vmem>>, vector<16xi32>,
        %parallel_loop3A_79 = vector.shape_cast %parallel_loop3A_78 : vector<16xi32> to vector<16xi32>
        %parallel_loop3A_80 = arith.index_cast %parallel_loop3A_76 : i32 to index
        %parallel_loop3A_81 = tpu.vector_load %arg8[%parallel_loop3A_80] {strides = array<i32>} : memref<64xi32, #tpu.memory_space<vmem>>, vector<16xi32>,
        %parallel_loop3A_82 = vector.shape_cast %parallel_loop3A_81 : vector<16xi32> to vector<16xi32>
        %parallel_loop3A_83 = vector.shape_cast %parallel_loop3A_79 : vector<16xi32> to vector<16xi32>
        tpu.vector_store %arg8[%parallel_loop3A_80], %parallel_loop3A_83 {strides = array<i32>} : memref<64xi32, #tpu.memory_space<vmem>>, vector<16xi32>,
      } {sc.loop_unroll_factor = 2 : i64, sc.parallel_access}
      %dma_start3A_46 = arith.constant 0 : i32
      %dma_start3A_47 = arith.constant 0 : i32
      %dma_start3A_48 = tpu.memref_slice %arg11[%dma_start3A_46, %dma_start3A_47] : memref<10112x128xf32, #tpu.memory_space<vmem_shared>> -> memref<10112x128xf32, #tpu.memory_space<vmem_shared>>
      tpu.enqueue_indirect_dma source(%arg10 : memref<64x128xf32, #tpu.memory_space<vmem>>) target(%dma_start3A_48 : memref<10112x128xf32, #tpu.memory_space<vmem_shared>>) offsets(%arg8 : memref<64xi32, #tpu.memory_space<vmem>>) semaphore(%arg14 : memref<!tpu.dma_semaphore, #tpu.memory_space<semaphore_mem>>) {add = true}
      %convert_element_type3A_49 = arith.extui %lt3A_33 : i1 to i32
      %cond3A_50 = arith.constant 0 : i32
      %cond3A_51 = arith.cmpi ne, %convert_element_type3A_49, %cond3A_50 : i32
      scf.if %cond3A_51 {
        %add3A_74 = arith.constant 2 : i32
        %add3A_75 = arith.addi %add3A_37, %add3A_74 : i32
        %add3A_76 = arith.addi %mul3A_4, %add3A_75 : i32
        %mul3A_77 = arith.constant 64 : i32
        %mul3A_78 = arith.muli %add3A_76, %mul3A_77 : i32
        %dma_start3A_79 = tpu.memref_slice %arg2[%mul3A_78] : memref<327680xi32, #tpu.memory_space<hbm>> -> memref<64xi32, #tpu.memory_space<hbm>>
        %dma_start3A_80 = tpu.memref_slice %arg2[%mul3A_78] : memref<327680xi32, #tpu.memory_space<hbm>> -> memref<64xi32, #tpu.memory_space<hbm>>
        tpu.enqueue_dma source(%dma_start3A_80 : memref<64xi32, #tpu.memory_space<hbm>>) target(%arg6 : memref<64xi32, #tpu.memory_space<vmem>>) target_semaphore(%arg12 : memref<!tpu.dma_semaphore, #tpu.memory_space<semaphore_mem>>)
      } else {
      }
      %mul3A_52 = arith.constant 2 : i32
      %mul3A_53 = arith.muli %mul3A_52, %add3A_32 : i32
      %add3A_54 = arith.constant 1 : i32
      %add3A_55 = arith.addi %mul3A_53, %add3A_54 : i32
      %dma_wait3A_56 = arith.constant 0 : i32
      %dma_wait3A_57 = tpu.memref_slice %arg2[%dma_wait3A_56] : memref<327680xi32, #tpu.memory_space<hbm>> -> memref<64xi32, #tpu.memory_space<hbm>>
      %dma_wait3A_58 = arith.constant 0 : i32
      %dma_wait3A_59 = tpu.memref_slice %arg2[%dma_wait3A_58] : memref<327680xi32, #tpu.memory_space<hbm>> -> memref<64xi32, #tpu.memory_space<hbm>>
      tpu.wait_dma2 semaphore(%arg13 : memref<!tpu.dma_semaphore, #tpu.memory_space<semaphore_mem>>) src(%dma_wait3A_59 : memref<64xi32, #tpu.memory_space<hbm>>) dst(%arg7 : memref<64xi32, #tpu.memory_space<vmem>>)
      %gt3A_60 = arith.constant 0 : i32
      %gt3A_61 = arith.cmpi sgt, %add3A_32, %gt3A_60 : i32
      %convert_element_type3A_62 = arith.extui %gt3A_61 : i1 to i32
      %cond3A_63 = arith.constant 0 : i32
      %cond3A_64 = arith.cmpi ne, %convert_element_type3A_62, %cond3A_63 : i32
      scf.if %cond3A_64 {
        %dma_wait3A_74 = arith.constant 0 : i32
        %dma_wait3A_75 = arith.constant 0 : i32
        %dma_wait3A_76 = tpu.memref_slice %arg11[%dma_wait3A_74, %dma_wait3A_75] : memref<10112x128xf32, #tpu.memory_space<vmem_shared>> -> memref<10112x128xf32, #tpu.memory_space<vmem_shared>>
        tpu.wait_indirect_dma semaphore(%arg15 : memref<!tpu.dma_semaphore, #tpu.memory_space<semaphore_mem>>) src(%arg10 : memref<64x128xf32, #tpu.memory_space<vmem>>) dst(%dma_wait3A_76 : memref<10112x128xf32, #tpu.memory_space<vmem_shared>>)
      } else {
      }
      %parallel_loop3A_65 = arith.constant 0 : i32
      %parallel_loop3A_66 = arith.constant 4 : i32
      %parallel_loop3A_67 = arith.constant 1 : i32
      scf.for %parallel_loop3A_74 = %parallel_loop3A_65 to %parallel_loop3A_66 step %parallel_loop3A_67  : i32 {
        %parallel_loop3A_75 = arith.constant 16 : i32
        %parallel_loop3A_76 = arith.muli %parallel_loop3A_74, %parallel_loop3A_75 : i32
        %parallel_loop3A_77 = arith.index_cast %parallel_loop3A_76 : i32 to index
        %parallel_loop3A_78 = tpu.vector_load %arg7[%parallel_loop3A_77] {strides = array<i32>} : memref<64xi32, #tpu.memory_space<vmem>>, vector<16xi32>,
        %parallel_loop3A_79 = vector.shape_cast %parallel_loop3A_78 : vector<16xi32> to vector<16xi32>
        %parallel_loop3A_80 = arith.index_cast %parallel_loop3A_76 : i32 to index
        %parallel_loop3A_81 = tpu.vector_load %arg9[%parallel_loop3A_80] {strides = array<i32>} : memref<64xi32, #tpu.memory_space<vmem>>, vector<16xi32>,
        %parallel_loop3A_82 = vector.shape_cast %parallel_loop3A_81 : vector<16xi32> to vector<16xi32>
        %parallel_loop3A_83 = vector.shape_cast %parallel_loop3A_79 : vector<16xi32> to vector<16xi32>
        tpu.vector_store %arg9[%parallel_loop3A_80], %parallel_loop3A_83 {strides = array<i32>} : memref<64xi32, #tpu.memory_space<vmem>>, vector<16xi32>,
      } {sc.loop_unroll_factor = 2 : i64, sc.parallel_access}
      %dma_start3A_68 = arith.constant 0 : i32
      %dma_start3A_69 = arith.constant 0 : i32
      %dma_start3A_70 = tpu.memref_slice %arg11[%dma_start3A_68, %dma_start3A_69] : memref<10112x128xf32, #tpu.memory_space<vmem_shared>> -> memref<10112x128xf32, #tpu.memory_space<vmem_shared>>
      tpu.enqueue_indirect_dma source(%arg10 : memref<64x128xf32, #tpu.memory_space<vmem>>) target(%dma_start3A_70 : memref<10112x128xf32, #tpu.memory_space<vmem_shared>>) offsets(%arg9 : memref<64xi32, #tpu.memory_space<vmem>>) semaphore(%arg15 : memref<!tpu.dma_semaphore, #tpu.memory_space<semaphore_mem>>) {add = true}
      %convert_element_type3A_71 = arith.extui %lt3A_33 : i1 to i32
      %cond3A_72 = arith.constant 0 : i32
      %cond3A_73 = arith.cmpi ne, %convert_element_type3A_71, %cond3A_72 : i32
      scf.if %cond3A_73 {
        %add3A_74 = arith.constant 2 : i32
        %add3A_75 = arith.addi %add3A_55, %add3A_74 : i32
        %add3A_76 = arith.addi %mul3A_4, %add3A_75 : i32
        %mul3A_77 = arith.constant 64 : i32
        %mul3A_78 = arith.muli %add3A_76, %mul3A_77 : i32
        %dma_start3A_79 = tpu.memref_slice %arg2[%mul3A_78] : memref<327680xi32, #tpu.memory_space<hbm>> -> memref<64xi32, #tpu.memory_space<hbm>>
        %dma_start3A_80 = tpu.memref_slice %arg2[%mul3A_78] : memref<327680xi32, #tpu.memory_space<hbm>> -> memref<64xi32, #tpu.memory_space<hbm>>
        tpu.enqueue_dma source(%dma_start3A_80 : memref<64xi32, #tpu.memory_space<hbm>>) target(%arg7 : memref<64xi32, #tpu.memory_space<vmem>>) target_semaphore(%arg13 : memref<!tpu.dma_semaphore, #tpu.memory_space<semaphore_mem>>)
      } else {
      }
    }
    %scan3A_19 = arith.constant 80 : i32
    %dma_wait3A = arith.constant 0 : i32
    %dma_wait3A_20 = arith.constant 0 : i32
    %dma_wait3A_21 = tpu.memref_slice %arg11[%dma_wait3A, %dma_wait3A_20] : memref<10112x128xf32, #tpu.memory_space<vmem_shared>> -> memref<10112x128xf32, #tpu.memory_space<vmem_shared>>
    tpu.wait_indirect_dma semaphore(%arg14 : memref<!tpu.dma_semaphore, #tpu.memory_space<semaphore_mem>>) src(%arg10 : memref<64x128xf32, #tpu.memory_space<vmem>>) dst(%dma_wait3A_21 : memref<10112x128xf32, #tpu.memory_space<vmem_shared>>)
    %dma_wait3A_22 = arith.constant 0 : i32
    %dma_wait3A_23 = arith.constant 0 : i32
    %dma_wait3A_24 = tpu.memref_slice %arg11[%dma_wait3A_22, %dma_wait3A_23] : memref<10112x128xf32, #tpu.memory_space<vmem_shared>> -> memref<10112x128xf32, #tpu.memory_space<vmem_shared>>
    tpu.wait_indirect_dma semaphore(%arg15 : memref<!tpu.dma_semaphore, #tpu.memory_space<semaphore_mem>>) src(%arg10 : memref<64x128xf32, #tpu.memory_space<vmem>>) dst(%dma_wait3A_24 : memref<10112x128xf32, #tpu.memory_space<vmem_shared>>)
    %barrier3A_25 = arith.constant 0 : index
    tpu.barrier barrier_id(%barrier3A_25)
    %mul3A_26 = arith.constant 632 : i32
    %mul3A_27 = arith.muli %arg1, %mul3A_26 : i32
    "tpu.region"() ({
      %run_scoped3A = tpu.sem_alloc : memref<!tpu.dma_semaphore, #tpu.memory_space<semaphore_mem>>
      %dma_start3A_28 = arith.constant 0 : i32
      %dma_start3A_29 = tpu.memref_slice %arg5[%arg0, %mul3A_27, %dma_start3A_28] : memref<2x10112x128xf32, #tpu.memory_space<hbm>> -> memref<1x632x128xf32, #tpu.memory_space<hbm>>
      %dma_start3A_30 = tpu.memref_squeeze %dma_start3A_29 : memref<1x632x128xf32, #tpu.memory_space<hbm>> -> memref<632x128xf32, #tpu.memory_space<hbm>>
      %dma_start3A_31 = arith.constant 0 : i32
      %dma_start3A_32 = tpu.memref_slice %arg11[%mul3A_27, %dma_start3A_31] : memref<10112x128xf32, #tpu.memory_space<vmem_shared>> -> memref<632x128xf32, #tpu.memory_space<vmem_shared>>
      tpu.enqueue_dma source(%dma_start3A_32 : memref<632x128xf32, #tpu.memory_space<vmem_shared>>) target(%dma_start3A_30 : memref<632x128xf32, #tpu.memory_space<hbm>>) target_semaphore(%run_scoped3A : memref<!tpu.dma_semaphore, #tpu.memory_space<semaphore_mem>>)
      %dma_wait3A_33 = arith.constant 0 : i32
      %dma_wait3A_34 = tpu.memref_slice %arg5[%arg0, %mul3A_27, %dma_wait3A_33] : memref<2x10112x128xf32, #tpu.memory_space<hbm>> -> memref<1x632x128xf32, #tpu.memory_space<hbm>>
      %dma_wait3A_35 = tpu.memref_squeeze %dma_wait3A_34 : memref<1x632x128xf32, #tpu.memory_space<hbm>> -> memref<632x128xf32, #tpu.memory_space<hbm>>
      %dma_wait3A_36 = arith.constant 0 : i32
      %dma_wait3A_37 = tpu.memref_slice %arg11[%mul3A_27, %dma_wait3A_36] : memref<10112x128xf32, #tpu.memory_space<vmem_shared>> -> memref<632x128xf32, #tpu.memory_space<vmem_shared>>
      tpu.wait_dma2 semaphore(%run_scoped3A : memref<!tpu.dma_semaphore, #tpu.memory_space<semaphore_mem>>) src(%dma_wait3A_37 : memref<632x128xf32, #tpu.memory_space<vmem_shared>>) dst(%dma_wait3A_35 : memref<632x128xf32, #tpu.memory_space<hbm>>)
      tpu.yield
    }) : () -> ()
    return
  }
}

#map = affine_map<(d0, d1) -> (0, 0)>
#map1 = affine_map<(d0, d1) -> (0)>
#map2 = affine_map<(d0, d1) -> (0, 0, 0)>
module attributes {stable_mosaic.version = 14 : i64} {
  func.func @_sc_edge_kernel(%arg0: i32, %arg1: i32, %arg2: memref<10000x128xf32, #tpu.memory_space<hbm>>, %arg3: memref<40960x1024xf32, #tpu.memory_space<hbm>>, %arg4: memref<327680xi32, #tpu.memory_space<hbm>>, %arg5: memref<327680xi32, #tpu.memory_space<hbm>>, %arg6: memref<632x128xf32, #tpu.memory_space<hbm>>, %arg7: memref<2x10112x128xf32, #tpu.memory_space<hbm>>, %arg8: memref<64xi32, #tpu.memory_space<vmem>>, %arg9: memref<64xi32, #tpu.memory_space<vmem>>, %arg10: memref<64xi32, #tpu.memory_space<vmem>>, %arg11: memref<64xi32, #tpu.memory_space<vmem>>, %arg12: memref<64xi32, #tpu.memory_space<vmem>>, %arg13: memref<64xi32, #tpu.memory_space<vmem>>, %arg14: memref<64x128xf32, #tpu.memory_space<vmem>>, %arg15: memref<64x128xf32, #tpu.memory_space<vmem>>, %arg16: memref<8x1024xf32, #tpu.memory_space<vmem>>, %arg17: memref<8x1024xf32, #tpu.memory_space<vmem>>, %arg18: memref<10112x128xf32, #tpu.memory_space<vmem_shared>>, %arg19: memref<!tpu.dma_semaphore, #tpu.memory_space<semaphore_mem>>, %arg20: memref<!tpu.dma_semaphore, #tpu.memory_space<semaphore_mem>>, %arg21: memref<!tpu.dma_semaphore, #tpu.memory_space<semaphore_mem>>, %arg22: memref<!tpu.dma_semaphore, #tpu.memory_space<semaphore_mem>>, %arg23: memref<!tpu.dma_semaphore, #tpu.memory_space<semaphore_mem>>, %arg24: memref<!tpu.dma_semaphore, #tpu.memory_space<semaphore_mem>>, %arg25: memref<!tpu.dma_semaphore, #tpu.memory_space<semaphore_mem>>, %arg26: memref<!tpu.dma_semaphore, #tpu.memory_space<semaphore_mem>>) attributes {dimension_semantics = [#tpu.dimension_semantics<core_parallel>, #tpu.dimension_semantics<subcore_parallel>], iteration_bounds = array<i64: 2, 16>, scalar_prefetch = 0 : i64, scratch_operands = 19 : i64, tpu.core_type = #tpu.core_type<sc_vector_subcore>, window_params = [{transform_indices = #map}, {transform_indices = #map}, {transform_indices = #map1}, {transform_indices = #map1}, {transform_indices = #map}, {transform_indices = #map2}]} {
    %mul3A = arith.constant 632 : i32
    %mul3A_0 = arith.muli %arg1, %mul3A : i32
    "tpu.region"() ({
      %run_scoped3A = tpu.sem_alloc : memref<!tpu.dma_semaphore, #tpu.memory_space<semaphore_mem>>
      %dma_start3A_86 = arith.constant 0 : i32
      %dma_start3A_87 = tpu.memref_slice %arg18[%mul3A_0, %dma_start3A_86] : memref<10112x128xf32, #tpu.memory_space<vmem_shared>> -> memref<632x128xf32, #tpu.memory_space<vmem_shared>>
      tpu.enqueue_dma source(%arg6 : memref<632x128xf32, #tpu.memory_space<hbm>>) target(%dma_start3A_87 : memref<632x128xf32, #tpu.memory_space<vmem_shared>>) target_semaphore(%run_scoped3A : memref<!tpu.dma_semaphore, #tpu.memory_space<semaphore_mem>>)
      %dma_wait3A_88 = arith.constant 0 : i32
      %dma_wait3A_89 = tpu.memref_slice %arg18[%mul3A_0, %dma_wait3A_88] : memref<10112x128xf32, #tpu.memory_space<vmem_shared>> -> memref<632x128xf32, #tpu.memory_space<vmem_shared>>
      tpu.wait_dma2 semaphore(%run_scoped3A : memref<!tpu.dma_semaphore, #tpu.memory_space<semaphore_mem>>) src(%arg6 : memref<632x128xf32, #tpu.memory_space<hbm>>) dst(%dma_wait3A_89 : memref<632x128xf32, #tpu.memory_space<vmem_shared>>)
      tpu.yield
    }) : () -> ()
    %eq3A = arith.constant 0 : i32
    %eq3A_1 = arith.cmpi eq, %arg0, %eq3A : i32
    %jit3A = arith.constant 288 : i32
    %jit3A_2 = arith.constant 32 : i32
    %select_n3A = arith.select %eq3A_1, %jit3A, %jit3A_2 : i32
    %eq3A_3 = arith.constant 0 : i32
    %eq3A_4 = arith.cmpi eq, %arg0, %eq3A_3 : i32
    %mul3A_5 = arith.constant 288 : i32
    %mul3A_6 = arith.muli %arg1, %mul3A_5 : i32
    %mul3A_7 = arith.constant 32 : i32
    %mul3A_8 = arith.muli %arg1, %mul3A_7 : i32
    %add3A = arith.constant 4608 : i32
    %add3A_9 = arith.addi %add3A, %mul3A_8 : i32
    %select_n3A_10 = arith.select %eq3A_4, %mul3A_6, %add3A_9 : i32
    %barrier3A = arith.constant 0 : index
    tpu.barrier barrier_id(%barrier3A)
    %add3A_11 = arith.constant 0 : i32
    %add3A_12 = arith.addi %select_n3A_10, %add3A_11 : i32
    %mul3A_13 = arith.constant 64 : i32
    %mul3A_14 = arith.muli %add3A_12, %mul3A_13 : i32
    %dma_start3A = tpu.memref_slice %arg4[%mul3A_14] : memref<327680xi32, #tpu.memory_space<hbm>> -> memref<64xi32, #tpu.memory_space<hbm>>
    %dma_start3A_15 = tpu.memref_slice %arg4[%mul3A_14] : memref<327680xi32, #tpu.memory_space<hbm>> -> memref<64xi32, #tpu.memory_space<hbm>>
    tpu.enqueue_dma source(%dma_start3A_15 : memref<64xi32, #tpu.memory_space<hbm>>) target(%arg8 : memref<64xi32, #tpu.memory_space<vmem>>) target_semaphore(%arg19 : memref<!tpu.dma_semaphore, #tpu.memory_space<semaphore_mem>>)
    %dma_start3A_16 = tpu.memref_slice %arg5[%mul3A_14] : memref<327680xi32, #tpu.memory_space<hbm>> -> memref<64xi32, #tpu.memory_space<hbm>>
    %dma_start3A_17 = tpu.memref_slice %arg5[%mul3A_14] : memref<327680xi32, #tpu.memory_space<hbm>> -> memref<64xi32, #tpu.memory_space<hbm>>
    tpu.enqueue_dma source(%dma_start3A_17 : memref<64xi32, #tpu.memory_space<hbm>>) target(%arg10 : memref<64xi32, #tpu.memory_space<vmem>>) target_semaphore(%arg19 : memref<!tpu.dma_semaphore, #tpu.memory_space<semaphore_mem>>)
    %add3A_18 = arith.constant 1 : i32
    %add3A_19 = arith.addi %select_n3A_10, %add3A_18 : i32
    %mul3A_20 = arith.constant 64 : i32
    %mul3A_21 = arith.muli %add3A_19, %mul3A_20 : i32
    %dma_start3A_22 = tpu.memref_slice %arg4[%mul3A_21] : memref<327680xi32, #tpu.memory_space<hbm>> -> memref<64xi32, #tpu.memory_space<hbm>>
    %dma_start3A_23 = tpu.memref_slice %arg4[%mul3A_21] : memref<327680xi32, #tpu.memory_space<hbm>> -> memref<64xi32, #tpu.memory_space<hbm>>
    tpu.enqueue_dma source(%dma_start3A_23 : memref<64xi32, #tpu.memory_space<hbm>>) target(%arg9 : memref<64xi32, #tpu.memory_space<vmem>>) target_semaphore(%arg20 : memref<!tpu.dma_semaphore, #tpu.memory_space<semaphore_mem>>)
    %dma_start3A_24 = tpu.memref_slice %arg5[%mul3A_21] : memref<327680xi32, #tpu.memory_space<hbm>> -> memref<64xi32, #tpu.memory_space<hbm>>
    %dma_start3A_25 = tpu.memref_slice %arg5[%mul3A_21] : memref<327680xi32, #tpu.memory_space<hbm>> -> memref<64xi32, #tpu.memory_space<hbm>>
    tpu.enqueue_dma source(%dma_start3A_25 : memref<64xi32, #tpu.memory_space<hbm>>) target(%arg11 : memref<64xi32, #tpu.memory_space<vmem>>) target_semaphore(%arg20 : memref<!tpu.dma_semaphore, #tpu.memory_space<semaphore_mem>>)
    %dma_wait3A = arith.constant 0 : i32
    %dma_wait3A_26 = tpu.memref_slice %arg4[%dma_wait3A] : memref<327680xi32, #tpu.memory_space<hbm>> -> memref<64xi32, #tpu.memory_space<hbm>>
    %dma_wait3A_27 = arith.constant 0 : i32
    %dma_wait3A_28 = tpu.memref_slice %arg4[%dma_wait3A_27] : memref<327680xi32, #tpu.memory_space<hbm>> -> memref<64xi32, #tpu.memory_space<hbm>>
    tpu.wait_dma2 semaphore(%arg19 : memref<!tpu.dma_semaphore, #tpu.memory_space<semaphore_mem>>) src(%dma_wait3A_28 : memref<64xi32, #tpu.memory_space<hbm>>) dst(%arg8 : memref<64xi32, #tpu.memory_space<vmem>>)
    %dma_wait3A_29 = arith.constant 0 : i32
    %dma_wait3A_30 = tpu.memref_slice %arg5[%dma_wait3A_29] : memref<327680xi32, #tpu.memory_space<hbm>> -> memref<64xi32, #tpu.memory_space<hbm>>
    %dma_wait3A_31 = arith.constant 0 : i32
    %dma_wait3A_32 = tpu.memref_slice %arg5[%dma_wait3A_31] : memref<327680xi32, #tpu.memory_space<hbm>> -> memref<64xi32, #tpu.memory_space<hbm>>
    tpu.wait_dma2 semaphore(%arg19 : memref<!tpu.dma_semaphore, #tpu.memory_space<semaphore_mem>>) src(%dma_wait3A_32 : memref<64xi32, #tpu.memory_space<hbm>>) dst(%arg10 : memref<64xi32, #tpu.memory_space<vmem>>)
    %add3A_33 = arith.constant 0 : i32
    %add3A_34 = arith.addi %select_n3A_10, %add3A_33 : i32
    %mul3A_35 = arith.constant 8 : i32
    %mul3A_36 = arith.muli %add3A_34, %mul3A_35 : i32
    %dma_start3A_37 = arith.constant 0 : i32
    %dma_start3A_38 = tpu.memref_slice %arg3[%mul3A_36, %dma_start3A_37] : memref<40960x1024xf32, #tpu.memory_space<hbm>> -> memref<8x1024xf32, #tpu.memory_space<hbm>>
    %dma_start3A_39 = arith.constant 0 : i32
    %dma_start3A_40 = tpu.memref_slice %arg3[%mul3A_36, %dma_start3A_39] : memref<40960x1024xf32, #tpu.memory_space<hbm>> -> memref<8x1024xf32, #tpu.memory_space<hbm>>
    tpu.enqueue_dma source(%dma_start3A_40 : memref<8x1024xf32, #tpu.memory_space<hbm>>) target(%arg16 : memref<8x1024xf32, #tpu.memory_space<vmem>>) target_semaphore(%arg23 : memref<!tpu.dma_semaphore, #tpu.memory_space<semaphore_mem>>)
    %dma_start3A_41 = arith.constant 0 : i32
    %dma_start3A_42 = arith.constant 0 : i32
    %dma_start3A_43 = tpu.memref_slice %arg2[%dma_start3A_41, %dma_start3A_42] : memref<10000x128xf32, #tpu.memory_space<hbm>> -> memref<10000x128xf32, #tpu.memory_space<hbm>>
    tpu.enqueue_indirect_dma source(%dma_start3A_43 : memref<10000x128xf32, #tpu.memory_space<hbm>>) target(%arg14 : memref<64x128xf32, #tpu.memory_space<vmem>>) offsets(%arg8 : memref<64xi32, #tpu.memory_space<vmem>>) semaphore(%arg21 : memref<!tpu.dma_semaphore, #tpu.memory_space<semaphore_mem>>)
    %jit3A_44 = arith.constant 2 : i32
    %div3A = arith.divsi %select_n3A, %jit3A_44 : i32
    %sign3A = arith.constant 0 : i32
    %sign3A_45 = arith.cmpi sgt, %select_n3A, %sign3A : i32
    %sign3A_46 = arith.extui %sign3A_45 : i1 to i32
    %sign3A_47 = arith.constant 0 : i32
    %sign3A_48 = arith.cmpi slt, %select_n3A, %sign3A_47 : i32
    %sign3A_49 = arith.extui %sign3A_48 : i1 to i32
    %sign3A_50 = arith.subi %sign3A_46, %sign3A_49 : i32
    %sign3A_51 = arith.constant 0 : i32
    %sign3A_52 = arith.cmpi sgt, %jit3A_44, %sign3A_51 : i32
    %sign3A_53 = arith.extui %sign3A_52 : i1 to i32
    %sign3A_54 = arith.constant 0 : i32
    %sign3A_55 = arith.cmpi slt, %jit3A_44, %sign3A_54 : i32
    %sign3A_56 = arith.extui %sign3A_55 : i1 to i32
    %sign3A_57 = arith.subi %sign3A_53, %sign3A_56 : i32
    %ne3A = arith.cmpi ne, %sign3A_50, %sign3A_57 : i32
    %rem3A = arith.remsi %select_n3A, %jit3A_44 : i32
    %ne3A_58 = arith.constant 0 : i32
    %ne3A_59 = arith.cmpi ne, %rem3A, %ne3A_58 : i32
    %and3A = arith.andi %ne3A, %ne3A_59 : i1
    %sub3A = arith.constant 1 : i32
    %sub3A_60 = arith.subi %div3A, %sub3A : i32
    %select_n3A_61 = arith.select %and3A, %sub3A_60, %div3A : i32
    %sub3A_62 = arith.constant 0 : i32
    %sub3A_63 = arith.subi %select_n3A_61, %sub3A_62 : i32
    %sub3A_64 = arith.constant 1 : i32
    %sub3A_65 = arith.constant 1 : i32
    %sub3A_66 = arith.subi %sub3A_64, %sub3A_65 : i32
    %add3A_67 = arith.addi %sub3A_63, %sub3A_66 : i32
    %div3A_68 = arith.constant 1 : i32
    %div3A_69 = arith.divsi %add3A_67, %div3A_68 : i32
    %while3A = arith.constant 1 : i32
    %while3A_70 = arith.constant 0 : i32
    %while3A_71 = arith.constant 0 : i32
    %while3A_72 = arith.subi %div3A_69, %while3A_71 : i32
    %while3A_73 = arith.addi %while3A_71, %while3A_72 : i32
    %while3A_74 = arith.constant 1 : i32
    %while3A_75 = arith.divsi %while3A_72, %while3A_74 : i32
    %while3A_76 = arith.muli %while3A_75, %while3A_74 : i32
    %while3A_77 = arith.addi %while3A_71, %while3A_76 : i32
    %while3A_78 = arith.constant 1 : i32
    scf.for %while3A_86 = %while3A_71 to %while3A_77 step %while3A_78  : i32 {
      %mul3A_87 = arith.muli %while3A_86, %while3A : i32
      %add3A_88 = arith.addi %while3A_70, %mul3A_87 : i32
      %sub3A_89 = arith.constant 1 : i32
      %sub3A_90 = arith.subi %select_n3A_61, %sub3A_89 : i32
      %lt3A = arith.cmpi slt, %add3A_88, %sub3A_90 : i32
      %mul3A_91 = arith.constant 2 : i32
      %mul3A_92 = arith.muli %mul3A_91, %add3A_88 : i32
      %add3A_93 = arith.constant 0 : i32
      %add3A_94 = arith.addi %mul3A_92, %add3A_93 : i32
      %gt3A = arith.constant 0 : i32
      %gt3A_95 = arith.cmpi sgt, %add3A_88, %gt3A : i32
      %convert_element_type3A = arith.extui %gt3A_95 : i1 to i32
      %cond3A = arith.constant 0 : i32
      %cond3A_96 = arith.cmpi ne, %convert_element_type3A, %cond3A : i32
      scf.if %cond3A_96 {
        %dma_wait3A_168 = arith.constant 0 : i32
        %dma_wait3A_169 = arith.constant 0 : i32
        %dma_wait3A_170 = tpu.memref_slice %arg18[%dma_wait3A_168, %dma_wait3A_169] : memref<10112x128xf32, #tpu.memory_space<vmem_shared>> -> memref<10112x128xf32, #tpu.memory_space<vmem_shared>>
        tpu.wait_indirect_dma semaphore(%arg26 : memref<!tpu.dma_semaphore, #tpu.memory_space<semaphore_mem>>) src(%arg15 : memref<64x128xf32, #tpu.memory_space<vmem>>) dst(%dma_wait3A_170 : memref<10112x128xf32, #tpu.memory_space<vmem_shared>>)
      } else {
      }
      %dma_wait3A_97 = arith.constant 0 : i32
      %dma_wait3A_98 = tpu.memref_slice %arg4[%dma_wait3A_97] : memref<327680xi32, #tpu.memory_space<hbm>> -> memref<64xi32, #tpu.memory_space<hbm>>
      %dma_wait3A_99 = arith.constant 0 : i32
      %dma_wait3A_100 = tpu.memref_slice %arg4[%dma_wait3A_99] : memref<327680xi32, #tpu.memory_space<hbm>> -> memref<64xi32, #tpu.memory_space<hbm>>
      tpu.wait_dma2 semaphore(%arg20 : memref<!tpu.dma_semaphore, #tpu.memory_space<semaphore_mem>>) src(%dma_wait3A_100 : memref<64xi32, #tpu.memory_space<hbm>>) dst(%arg9 : memref<64xi32, #tpu.memory_space<vmem>>)
      %dma_wait3A_101 = arith.constant 0 : i32
      %dma_wait3A_102 = tpu.memref_slice %arg5[%dma_wait3A_101] : memref<327680xi32, #tpu.memory_space<hbm>> -> memref<64xi32, #tpu.memory_space<hbm>>
      %dma_wait3A_103 = arith.constant 0 : i32
      %dma_wait3A_104 = tpu.memref_slice %arg5[%dma_wait3A_103] : memref<327680xi32, #tpu.memory_space<hbm>> -> memref<64xi32, #tpu.memory_space<hbm>>
      tpu.wait_dma2 semaphore(%arg20 : memref<!tpu.dma_semaphore, #tpu.memory_space<semaphore_mem>>) src(%dma_wait3A_104 : memref<64xi32, #tpu.memory_space<hbm>>) dst(%arg11 : memref<64xi32, #tpu.memory_space<vmem>>)
      %add3A_105 = arith.constant 1 : i32
      %add3A_106 = arith.addi %add3A_94, %add3A_105 : i32
      %add3A_107 = arith.addi %select_n3A_10, %add3A_106 : i32
      %mul3A_108 = arith.constant 8 : i32
      %mul3A_109 = arith.muli %add3A_107, %mul3A_108 : i32
      %dma_start3A_110 = arith.constant 0 : i32
      %dma_start3A_111 = tpu.memref_slice %arg3[%mul3A_109, %dma_start3A_110] : memref<40960x1024xf32, #tpu.memory_space<hbm>> -> memref<8x1024xf32, #tpu.memory_space<hbm>>
      %dma_start3A_112 = arith.constant 0 : i32
      %dma_start3A_113 = tpu.memref_slice %arg3[%mul3A_109, %dma_start3A_112] : memref<40960x1024xf32, #tpu.memory_space<hbm>> -> memref<8x1024xf32, #tpu.memory_space<hbm>>
      tpu.enqueue_dma source(%dma_start3A_113 : memref<8x1024xf32, #tpu.memory_space<hbm>>) target(%arg17 : memref<8x1024xf32, #tpu.memory_space<vmem>>) target_semaphore(%arg24 : memref<!tpu.dma_semaphore, #tpu.memory_space<semaphore_mem>>)
      %dma_start3A_114 = arith.constant 0 : i32
      %dma_start3A_115 = arith.constant 0 : i32
      %dma_start3A_116 = tpu.memref_slice %arg2[%dma_start3A_114, %dma_start3A_115] : memref<10000x128xf32, #tpu.memory_space<hbm>> -> memref<10000x128xf32, #tpu.memory_space<hbm>>
      tpu.enqueue_indirect_dma source(%dma_start3A_116 : memref<10000x128xf32, #tpu.memory_space<hbm>>) target(%arg15 : memref<64x128xf32, #tpu.memory_space<vmem>>) offsets(%arg9 : memref<64xi32, #tpu.memory_space<vmem>>) semaphore(%arg22 : memref<!tpu.dma_semaphore, #tpu.memory_space<semaphore_mem>>)
      %dma_wait3A_117 = arith.constant 0 : i32
      %dma_wait3A_118 = arith.constant 0 : i32
      %dma_wait3A_119 = tpu.memref_slice %arg3[%dma_wait3A_117, %dma_wait3A_118] : memref<40960x1024xf32, #tpu.memory_space<hbm>> -> memref<8x1024xf32, #tpu.memory_space<hbm>>
      %dma_wait3A_120 = arith.constant 0 : i32
      %dma_wait3A_121 = arith.constant 0 : i32
      %dma_wait3A_122 = tpu.memref_slice %arg3[%dma_wait3A_120, %dma_wait3A_121] : memref<40960x1024xf32, #tpu.memory_space<hbm>> -> memref<8x1024xf32, #tpu.memory_space<hbm>>
      tpu.wait_dma2 semaphore(%arg23 : memref<!tpu.dma_semaphore, #tpu.memory_space<semaphore_mem>>) src(%dma_wait3A_122 : memref<8x1024xf32, #tpu.memory_space<hbm>>) dst(%arg16 : memref<8x1024xf32, #tpu.memory_space<vmem>>)
      %dma_wait3A_123 = arith.constant 0 : i32
      %dma_wait3A_124 = arith.constant 0 : i32
      %dma_wait3A_125 = tpu.memref_slice %arg2[%dma_wait3A_123, %dma_wait3A_124] : memref<10000x128xf32, #tpu.memory_space<hbm>> -> memref<10000x128xf32, #tpu.memory_space<hbm>>
      tpu.wait_indirect_dma semaphore(%arg21 : memref<!tpu.dma_semaphore, #tpu.memory_space<semaphore_mem>>) src(%dma_wait3A_125 : memref<10000x128xf32, #tpu.memory_space<hbm>>) dst(%arg14 : memref<64x128xf32, #tpu.memory_space<vmem>>)
      %parallel_loop3A = arith.constant 0 : i32
      %parallel_loop3A_126 = arith.constant 4 : i32
      %parallel_loop3A_127 = arith.constant 1 : i32
      scf.for %parallel_loop3A_168 = %parallel_loop3A to %parallel_loop3A_126 step %parallel_loop3A_127  : i32 {
        %parallel_loop3A_169 = arith.constant 16 : i32
        %parallel_loop3A_170 = arith.muli %parallel_loop3A_168, %parallel_loop3A_169 : i32
        %parallel_loop3A_171 = arith.index_cast %parallel_loop3A_170 : i32 to index
        %parallel_loop3A_172 = tpu.vector_load %arg10[%parallel_loop3A_171] {strides = array<i32>} : memref<64xi32, #tpu.memory_space<vmem>>, vector<16xi32>,
        %parallel_loop3A_173 = vector.shape_cast %parallel_loop3A_172 : vector<16xi32> to vector<16xi32>
        %parallel_loop3A_174 = arith.index_cast %parallel_loop3A_170 : i32 to index
        %parallel_loop3A_175 = tpu.vector_load %arg12[%parallel_loop3A_174] {strides = array<i32>} : memref<64xi32, #tpu.memory_space<vmem>>, vector<16xi32>,
        %parallel_loop3A_176 = vector.shape_cast %parallel_loop3A_175 : vector<16xi32> to vector<16xi32>
        %parallel_loop3A_177 = vector.shape_cast %parallel_loop3A_173 : vector<16xi32> to vector<16xi32>
        tpu.vector_store %arg12[%parallel_loop3A_174], %parallel_loop3A_177 {strides = array<i32>} : memref<64xi32, #tpu.memory_space<vmem>>, vector<16xi32>,
      } {sc.loop_unroll_factor = 2 : i64, sc.parallel_access}
      %parallel_loop3A_128 = arith.constant 0 : i32
      %parallel_loop3A_129 = arith.constant 64 : i32
      %parallel_loop3A_130 = arith.constant 1 : i32
      scf.for %parallel_loop3A_168 = %parallel_loop3A_128 to %parallel_loop3A_129 step %parallel_loop3A_130  : i32 {
        %parallel_loop3A_169 = arith.constant 3 : i32
        %parallel_loop3A_170 = arith.shrsi %parallel_loop3A_168, %parallel_loop3A_169 : i32
        %parallel_loop3A_171 = arith.constant 7 : i32
        %parallel_loop3A_172 = arith.andi %parallel_loop3A_168, %parallel_loop3A_171 : i32
        %parallel_loop3A_173 = arith.constant 128 : i32
        %parallel_loop3A_174 = arith.muli %parallel_loop3A_172, %parallel_loop3A_173 : i32
        %parallel_loop3A_175 = arith.index_cast %parallel_loop3A_168 : i32 to index
        %parallel_loop3A_176 = arith.constant 0 : index
        %parallel_loop3A_177 = tpu.vector_load %arg14[%parallel_loop3A_175, %parallel_loop3A_176] {strides = array<i32>} : memref<64x128xf32, #tpu.memory_space<vmem>>, vector<1x16xf32>,
        %parallel_loop3A_178 = vector.shape_cast %parallel_loop3A_177 : vector<1x16xf32> to vector<16xf32>
        %parallel_loop3A_179 = arith.constant 0 : i32
        %parallel_loop3A_180 = arith.addi %parallel_loop3A_174, %parallel_loop3A_179 : i32
        %parallel_loop3A_181 = arith.index_cast %parallel_loop3A_170 : i32 to index
        %parallel_loop3A_182 = arith.index_cast %parallel_loop3A_180 : i32 to index
        %parallel_loop3A_183 = tpu.vector_load %arg16[%parallel_loop3A_181, %parallel_loop3A_182] {strides = array<i32>} : memref<8x1024xf32, #tpu.memory_space<vmem>>, vector<1x16xf32>,
        %parallel_loop3A_184 = vector.shape_cast %parallel_loop3A_183 : vector<1x16xf32> to vector<16xf32>
        %parallel_loop3A_185 = arith.addf %parallel_loop3A_178, %parallel_loop3A_184 : vector<16xf32>
        %parallel_loop3A_186 = arith.constant 0.000000e+00 : f32
        %parallel_loop3A_187 = vector.broadcast %parallel_loop3A_186 : f32 to vector<16xf32>
        %parallel_loop3A_188 = arith.maximumf %parallel_loop3A_185, %parallel_loop3A_187 : vector<16xf32>
        %parallel_loop3A_189 = arith.index_cast %parallel_loop3A_168 : i32 to index
        %parallel_loop3A_190 = arith.constant 0 : index
        %parallel_loop3A_191 = tpu.vector_load %arg14[%parallel_loop3A_189, %parallel_loop3A_190] {strides = array<i32>} : memref<64x128xf32, #tpu.memory_space<vmem>>, vector<1x16xf32>,
        %parallel_loop3A_192 = vector.shape_cast %parallel_loop3A_191 : vector<1x16xf32> to vector<16xf32>
        %parallel_loop3A_193 = vector.shape_cast %parallel_loop3A_188 : vector<16xf32> to vector<1x16xf32>
        tpu.vector_store %arg14[%parallel_loop3A_189, %parallel_loop3A_190], %parallel_loop3A_193 {strides = array<i32>} : memref<64x128xf32, #tpu.memory_space<vmem>>, vector<1x16xf32>,
        %parallel_loop3A_194 = arith.index_cast %parallel_loop3A_168 : i32 to index
        %parallel_loop3A_195 = arith.constant 16 : index
        %parallel_loop3A_196 = tpu.vector_load %arg14[%parallel_loop3A_194, %parallel_loop3A_195] {strides = array<i32>} : memref<64x128xf32, #tpu.memory_space<vmem>>, vector<1x16xf32>,
        %parallel_loop3A_197 = vector.shape_cast %parallel_loop3A_196 : vector<1x16xf32> to vector<16xf32>
        %parallel_loop3A_198 = arith.constant 16 : i32
        %parallel_loop3A_199 = arith.addi %parallel_loop3A_174, %parallel_loop3A_198 : i32
        %parallel_loop3A_200 = arith.index_cast %parallel_loop3A_170 : i32 to index
        %parallel_loop3A_201 = arith.index_cast %parallel_loop3A_199 : i32 to index
        %parallel_loop3A_202 = tpu.vector_load %arg16[%parallel_loop3A_200, %parallel_loop3A_201] {strides = array<i32>} : memref<8x1024xf32, #tpu.memory_space<vmem>>, vector<1x16xf32>,
        %parallel_loop3A_203 = vector.shape_cast %parallel_loop3A_202 : vector<1x16xf32> to vector<16xf32>
        %parallel_loop3A_204 = arith.addf %parallel_loop3A_197, %parallel_loop3A_203 : vector<16xf32>
        %parallel_loop3A_205 = arith.constant 0.000000e+00 : f32
        %parallel_loop3A_206 = vector.broadcast %parallel_loop3A_205 : f32 to vector<16xf32>
        %parallel_loop3A_207 = arith.maximumf %parallel_loop3A_204, %parallel_loop3A_206 : vector<16xf32>
        %parallel_loop3A_208 = arith.index_cast %parallel_loop3A_168 : i32 to index
        %parallel_loop3A_209 = arith.constant 16 : index
        %parallel_loop3A_210 = tpu.vector_load %arg14[%parallel_loop3A_208, %parallel_loop3A_209] {strides = array<i32>} : memref<64x128xf32, #tpu.memory_space<vmem>>, vector<1x16xf32>,
        %parallel_loop3A_211 = vector.shape_cast %parallel_loop3A_210 : vector<1x16xf32> to vector<16xf32>
        %parallel_loop3A_212 = vector.shape_cast %parallel_loop3A_207 : vector<16xf32> to vector<1x16xf32>
        tpu.vector_store %arg14[%parallel_loop3A_208, %parallel_loop3A_209], %parallel_loop3A_212 {strides = array<i32>} : memref<64x128xf32, #tpu.memory_space<vmem>>, vector<1x16xf32>,
        %parallel_loop3A_213 = arith.index_cast %parallel_loop3A_168 : i32 to index
        %parallel_loop3A_214 = arith.constant 32 : index
        %parallel_loop3A_215 = tpu.vector_load %arg14[%parallel_loop3A_213, %parallel_loop3A_214] {strides = array<i32>} : memref<64x128xf32, #tpu.memory_space<vmem>>, vector<1x16xf32>,
        %parallel_loop3A_216 = vector.shape_cast %parallel_loop3A_215 : vector<1x16xf32> to vector<16xf32>
        %parallel_loop3A_217 = arith.constant 32 : i32
        %parallel_loop3A_218 = arith.addi %parallel_loop3A_174, %parallel_loop3A_217 : i32
        %parallel_loop3A_219 = arith.index_cast %parallel_loop3A_170 : i32 to index
        %parallel_loop3A_220 = arith.index_cast %parallel_loop3A_218 : i32 to index
        %parallel_loop3A_221 = tpu.vector_load %arg16[%parallel_loop3A_219, %parallel_loop3A_220] {strides = array<i32>} : memref<8x1024xf32, #tpu.memory_space<vmem>>, vector<1x16xf32>,
        %parallel_loop3A_222 = vector.shape_cast %parallel_loop3A_221 : vector<1x16xf32> to vector<16xf32>
        %parallel_loop3A_223 = arith.addf %parallel_loop3A_216, %parallel_loop3A_222 : vector<16xf32>
        %parallel_loop3A_224 = arith.constant 0.000000e+00 : f32
        %parallel_loop3A_225 = vector.broadcast %parallel_loop3A_224 : f32 to vector<16xf32>
        %parallel_loop3A_226 = arith.maximumf %parallel_loop3A_223, %parallel_loop3A_225 : vector<16xf32>
        %parallel_loop3A_227 = arith.index_cast %parallel_loop3A_168 : i32 to index
        %parallel_loop3A_228 = arith.constant 32 : index
        %parallel_loop3A_229 = tpu.vector_load %arg14[%parallel_loop3A_227, %parallel_loop3A_228] {strides = array<i32>} : memref<64x128xf32, #tpu.memory_space<vmem>>, vector<1x16xf32>,
        %parallel_loop3A_230 = vector.shape_cast %parallel_loop3A_229 : vector<1x16xf32> to vector<16xf32>
        %parallel_loop3A_231 = vector.shape_cast %parallel_loop3A_226 : vector<16xf32> to vector<1x16xf32>
        tpu.vector_store %arg14[%parallel_loop3A_227, %parallel_loop3A_228], %parallel_loop3A_231 {strides = array<i32>} : memref<64x128xf32, #tpu.memory_space<vmem>>, vector<1x16xf32>,
        %parallel_loop3A_232 = arith.index_cast %parallel_loop3A_168 : i32 to index
        %parallel_loop3A_233 = arith.constant 48 : index
        %parallel_loop3A_234 = tpu.vector_load %arg14[%parallel_loop3A_232, %parallel_loop3A_233] {strides = array<i32>} : memref<64x128xf32, #tpu.memory_space<vmem>>, vector<1x16xf32>,
        %parallel_loop3A_235 = vector.shape_cast %parallel_loop3A_234 : vector<1x16xf32> to vector<16xf32>
        %parallel_loop3A_236 = arith.constant 48 : i32
        %parallel_loop3A_237 = arith.addi %parallel_loop3A_174, %parallel_loop3A_236 : i32
        %parallel_loop3A_238 = arith.index_cast %parallel_loop3A_170 : i32 to index
        %parallel_loop3A_239 = arith.index_cast %parallel_loop3A_237 : i32 to index
        %parallel_loop3A_240 = tpu.vector_load %arg16[%parallel_loop3A_238, %parallel_loop3A_239] {strides = array<i32>} : memref<8x1024xf32, #tpu.memory_space<vmem>>, vector<1x16xf32>,
        %parallel_loop3A_241 = vector.shape_cast %parallel_loop3A_240 : vector<1x16xf32> to vector<16xf32>
        %parallel_loop3A_242 = arith.addf %parallel_loop3A_235, %parallel_loop3A_241 : vector<16xf32>
        %parallel_loop3A_243 = arith.constant 0.000000e+00 : f32
        %parallel_loop3A_244 = vector.broadcast %parallel_loop3A_243 : f32 to vector<16xf32>
        %parallel_loop3A_245 = arith.maximumf %parallel_loop3A_242, %parallel_loop3A_244 : vector<16xf32>
        %parallel_loop3A_246 = arith.index_cast %parallel_loop3A_168 : i32 to index
        %parallel_loop3A_247 = arith.constant 48 : index
        %parallel_loop3A_248 = tpu.vector_load %arg14[%parallel_loop3A_246, %parallel_loop3A_247] {strides = array<i32>} : memref<64x128xf32, #tpu.memory_space<vmem>>, vector<1x16xf32>,
        %parallel_loop3A_249 = vector.shape_cast %parallel_loop3A_248 : vector<1x16xf32> to vector<16xf32>
        %parallel_loop3A_250 = vector.shape_cast %parallel_loop3A_245 : vector<16xf32> to vector<1x16xf32>
        tpu.vector_store %arg14[%parallel_loop3A_246, %parallel_loop3A_247], %parallel_loop3A_250 {strides = array<i32>} : memref<64x128xf32, #tpu.memory_space<vmem>>, vector<1x16xf32>,
        %parallel_loop3A_251 = arith.index_cast %parallel_loop3A_168 : i32 to index
        %parallel_loop3A_252 = arith.constant 64 : index
        %parallel_loop3A_253 = tpu.vector_load %arg14[%parallel_loop3A_251, %parallel_loop3A_252] {strides = array<i32>} : memref<64x128xf32, #tpu.memory_space<vmem>>, vector<1x16xf32>,
        %parallel_loop3A_254 = vector.shape_cast %parallel_loop3A_253 : vector<1x16xf32> to vector<16xf32>
        %parallel_loop3A_255 = arith.constant 64 : i32
        %parallel_loop3A_256 = arith.addi %parallel_loop3A_174, %parallel_loop3A_255 : i32
        %parallel_loop3A_257 = arith.index_cast %parallel_loop3A_170 : i32 to index
        %parallel_loop3A_258 = arith.index_cast %parallel_loop3A_256 : i32 to index
        %parallel_loop3A_259 = tpu.vector_load %arg16[%parallel_loop3A_257, %parallel_loop3A_258] {strides = array<i32>} : memref<8x1024xf32, #tpu.memory_space<vmem>>, vector<1x16xf32>,
        %parallel_loop3A_260 = vector.shape_cast %parallel_loop3A_259 : vector<1x16xf32> to vector<16xf32>
        %parallel_loop3A_261 = arith.addf %parallel_loop3A_254, %parallel_loop3A_260 : vector<16xf32>
        %parallel_loop3A_262 = arith.constant 0.000000e+00 : f32
        %parallel_loop3A_263 = vector.broadcast %parallel_loop3A_262 : f32 to vector<16xf32>
        %parallel_loop3A_264 = arith.maximumf %parallel_loop3A_261, %parallel_loop3A_263 : vector<16xf32>
        %parallel_loop3A_265 = arith.index_cast %parallel_loop3A_168 : i32 to index
        %parallel_loop3A_266 = arith.constant 64 : index
        %parallel_loop3A_267 = tpu.vector_load %arg14[%parallel_loop3A_265, %parallel_loop3A_266] {strides = array<i32>} : memref<64x128xf32, #tpu.memory_space<vmem>>, vector<1x16xf32>,
        %parallel_loop3A_268 = vector.shape_cast %parallel_loop3A_267 : vector<1x16xf32> to vector<16xf32>
        %parallel_loop3A_269 = vector.shape_cast %parallel_loop3A_264 : vector<16xf32> to vector<1x16xf32>
        tpu.vector_store %arg14[%parallel_loop3A_265, %parallel_loop3A_266], %parallel_loop3A_269 {strides = array<i32>} : memref<64x128xf32, #tpu.memory_space<vmem>>, vector<1x16xf32>,
        %parallel_loop3A_270 = arith.index_cast %parallel_loop3A_168 : i32 to index
        %parallel_loop3A_271 = arith.constant 80 : index
        %parallel_loop3A_272 = tpu.vector_load %arg14[%parallel_loop3A_270, %parallel_loop3A_271] {strides = array<i32>} : memref<64x128xf32, #tpu.memory_space<vmem>>, vector<1x16xf32>,
        %parallel_loop3A_273 = vector.shape_cast %parallel_loop3A_272 : vector<1x16xf32> to vector<16xf32>
        %parallel_loop3A_274 = arith.constant 80 : i32
        %parallel_loop3A_275 = arith.addi %parallel_loop3A_174, %parallel_loop3A_274 : i32
        %parallel_loop3A_276 = arith.index_cast %parallel_loop3A_170 : i32 to index
        %parallel_loop3A_277 = arith.index_cast %parallel_loop3A_275 : i32 to index
        %parallel_loop3A_278 = tpu.vector_load %arg16[%parallel_loop3A_276, %parallel_loop3A_277] {strides = array<i32>} : memref<8x1024xf32, #tpu.memory_space<vmem>>, vector<1x16xf32>,
        %parallel_loop3A_279 = vector.shape_cast %parallel_loop3A_278 : vector<1x16xf32> to vector<16xf32>
        %parallel_loop3A_280 = arith.addf %parallel_loop3A_273, %parallel_loop3A_279 : vector<16xf32>
        %parallel_loop3A_281 = arith.constant 0.000000e+00 : f32
        %parallel_loop3A_282 = vector.broadcast %parallel_loop3A_281 : f32 to vector<16xf32>
        %parallel_loop3A_283 = arith.maximumf %parallel_loop3A_280, %parallel_loop3A_282 : vector<16xf32>
        %parallel_loop3A_284 = arith.index_cast %parallel_loop3A_168 : i32 to index
        %parallel_loop3A_285 = arith.constant 80 : index
        %parallel_loop3A_286 = tpu.vector_load %arg14[%parallel_loop3A_284, %parallel_loop3A_285] {strides = array<i32>} : memref<64x128xf32, #tpu.memory_space<vmem>>, vector<1x16xf32>,
        %parallel_loop3A_287 = vector.shape_cast %parallel_loop3A_286 : vector<1x16xf32> to vector<16xf32>
        %parallel_loop3A_288 = vector.shape_cast %parallel_loop3A_283 : vector<16xf32> to vector<1x16xf32>
        tpu.vector_store %arg14[%parallel_loop3A_284, %parallel_loop3A_285], %parallel_loop3A_288 {strides = array<i32>} : memref<64x128xf32, #tpu.memory_space<vmem>>, vector<1x16xf32>,
        %parallel_loop3A_289 = arith.index_cast %parallel_loop3A_168 : i32 to index
        %parallel_loop3A_290 = arith.constant 96 : index
        %parallel_loop3A_291 = tpu.vector_load %arg14[%parallel_loop3A_289, %parallel_loop3A_290] {strides = array<i32>} : memref<64x128xf32, #tpu.memory_space<vmem>>, vector<1x16xf32>,
        %parallel_loop3A_292 = vector.shape_cast %parallel_loop3A_291 : vector<1x16xf32> to vector<16xf32>
        %parallel_loop3A_293 = arith.constant 96 : i32
        %parallel_loop3A_294 = arith.addi %parallel_loop3A_174, %parallel_loop3A_293 : i32
        %parallel_loop3A_295 = arith.index_cast %parallel_loop3A_170 : i32 to index
        %parallel_loop3A_296 = arith.index_cast %parallel_loop3A_294 : i32 to index
        %parallel_loop3A_297 = tpu.vector_load %arg16[%parallel_loop3A_295, %parallel_loop3A_296] {strides = array<i32>} : memref<8x1024xf32, #tpu.memory_space<vmem>>, vector<1x16xf32>,
        %parallel_loop3A_298 = vector.shape_cast %parallel_loop3A_297 : vector<1x16xf32> to vector<16xf32>
        %parallel_loop3A_299 = arith.addf %parallel_loop3A_292, %parallel_loop3A_298 : vector<16xf32>
        %parallel_loop3A_300 = arith.constant 0.000000e+00 : f32
        %parallel_loop3A_301 = vector.broadcast %parallel_loop3A_300 : f32 to vector<16xf32>
        %parallel_loop3A_302 = arith.maximumf %parallel_loop3A_299, %parallel_loop3A_301 : vector<16xf32>
        %parallel_loop3A_303 = arith.index_cast %parallel_loop3A_168 : i32 to index
        %parallel_loop3A_304 = arith.constant 96 : index
        %parallel_loop3A_305 = tpu.vector_load %arg14[%parallel_loop3A_303, %parallel_loop3A_304] {strides = array<i32>} : memref<64x128xf32, #tpu.memory_space<vmem>>, vector<1x16xf32>,
        %parallel_loop3A_306 = vector.shape_cast %parallel_loop3A_305 : vector<1x16xf32> to vector<16xf32>
        %parallel_loop3A_307 = vector.shape_cast %parallel_loop3A_302 : vector<16xf32> to vector<1x16xf32>
        tpu.vector_store %arg14[%parallel_loop3A_303, %parallel_loop3A_304], %parallel_loop3A_307 {strides = array<i32>} : memref<64x128xf32, #tpu.memory_space<vmem>>, vector<1x16xf32>,
        %parallel_loop3A_308 = arith.index_cast %parallel_loop3A_168 : i32 to index
        %parallel_loop3A_309 = arith.constant 112 : index
        %parallel_loop3A_310 = tpu.vector_load %arg14[%parallel_loop3A_308, %parallel_loop3A_309] {strides = array<i32>} : memref<64x128xf32, #tpu.memory_space<vmem>>, vector<1x16xf32>,
        %parallel_loop3A_311 = vector.shape_cast %parallel_loop3A_310 : vector<1x16xf32> to vector<16xf32>
        %parallel_loop3A_312 = arith.constant 112 : i32
        %parallel_loop3A_313 = arith.addi %parallel_loop3A_174, %parallel_loop3A_312 : i32
        %parallel_loop3A_314 = arith.index_cast %parallel_loop3A_170 : i32 to index
        %parallel_loop3A_315 = arith.index_cast %parallel_loop3A_313 : i32 to index
        %parallel_loop3A_316 = tpu.vector_load %arg16[%parallel_loop3A_314, %parallel_loop3A_315] {strides = array<i32>} : memref<8x1024xf32, #tpu.memory_space<vmem>>, vector<1x16xf32>,
        %parallel_loop3A_317 = vector.shape_cast %parallel_loop3A_316 : vector<1x16xf32> to vector<16xf32>
        %parallel_loop3A_318 = arith.addf %parallel_loop3A_311, %parallel_loop3A_317 : vector<16xf32>
        %parallel_loop3A_319 = arith.constant 0.000000e+00 : f32
        %parallel_loop3A_320 = vector.broadcast %parallel_loop3A_319 : f32 to vector<16xf32>
        %parallel_loop3A_321 = arith.maximumf %parallel_loop3A_318, %parallel_loop3A_320 : vector<16xf32>
        %parallel_loop3A_322 = arith.index_cast %parallel_loop3A_168 : i32 to index
        %parallel_loop3A_323 = arith.constant 112 : index
        %parallel_loop3A_324 = tpu.vector_load %arg14[%parallel_loop3A_322, %parallel_loop3A_323] {strides = array<i32>} : memref<64x128xf32, #tpu.memory_space<vmem>>, vector<1x16xf32>,
        %parallel_loop3A_325 = vector.shape_cast %parallel_loop3A_324 : vector<1x16xf32> to vector<16xf32>
        %parallel_loop3A_326 = vector.shape_cast %parallel_loop3A_321 : vector<16xf32> to vector<1x16xf32>
        tpu.vector_store %arg14[%parallel_loop3A_322, %parallel_loop3A_323], %parallel_loop3A_326 {strides = array<i32>} : memref<64x128xf32, #tpu.memory_space<vmem>>, vector<1x16xf32>,
      } {sc.loop_unroll_factor = 4 : i64, sc.parallel_access}
      %dma_start3A_131 = arith.constant 0 : i32
      %dma_start3A_132 = arith.constant 0 : i32
      %dma_start3A_133 = tpu.memref_slice %arg18[%dma_start3A_131, %dma_start3A_132] : memref<10112x128xf32, #tpu.memory_space<vmem_shared>> -> memref<10112x128xf32, #tpu.memory_space<vmem_shared>>
      tpu.enqueue_indirect_dma source(%arg14 : memref<64x128xf32, #tpu.memory_space<vmem>>) target(%dma_start3A_133 : memref<10112x128xf32, #tpu.memory_space<vmem_shared>>) offsets(%arg12 : memref<64xi32, #tpu.memory_space<vmem>>) semaphore(%arg25 : memref<!tpu.dma_semaphore, #tpu.memory_space<semaphore_mem>>) {add = true}
      %convert_element_type3A_134 = arith.extui %lt3A : i1 to i32
      %cond3A_135 = arith.constant 0 : i32
      %cond3A_136 = arith.cmpi ne, %convert_element_type3A_134, %cond3A_135 : i32
      scf.if %cond3A_136 {
        %add3A_168 = arith.constant 2 : i32
        %add3A_169 = arith.addi %add3A_94, %add3A_168 : i32
        %add3A_170 = arith.addi %select_n3A_10, %add3A_169 : i32
        %mul3A_171 = arith.constant 64 : i32
        %mul3A_172 = arith.muli %add3A_170, %mul3A_171 : i32
        %dma_start3A_173 = tpu.memref_slice %arg4[%mul3A_172] : memref<327680xi32, #tpu.memory_space<hbm>> -> memref<64xi32, #tpu.memory_space<hbm>>
        %dma_start3A_174 = tpu.memref_slice %arg4[%mul3A_172] : memref<327680xi32, #tpu.memory_space<hbm>> -> memref<64xi32, #tpu.memory_space<hbm>>
        tpu.enqueue_dma source(%dma_start3A_174 : memref<64xi32, #tpu.memory_space<hbm>>) target(%arg8 : memref<64xi32, #tpu.memory_space<vmem>>) target_semaphore(%arg19 : memref<!tpu.dma_semaphore, #tpu.memory_space<semaphore_mem>>)
        %dma_start3A_175 = tpu.memref_slice %arg5[%mul3A_172] : memref<327680xi32, #tpu.memory_space<hbm>> -> memref<64xi32, #tpu.memory_space<hbm>>
        %dma_start3A_176 = tpu.memref_slice %arg5[%mul3A_172] : memref<327680xi32, #tpu.memory_space<hbm>> -> memref<64xi32, #tpu.memory_space<hbm>>
        tpu.enqueue_dma source(%dma_start3A_176 : memref<64xi32, #tpu.memory_space<hbm>>) target(%arg10 : memref<64xi32, #tpu.memory_space<vmem>>) target_semaphore(%arg19 : memref<!tpu.dma_semaphore, #tpu.memory_space<semaphore_mem>>)
      } else {
      }
      %mul3A_137 = arith.constant 2 : i32
      %mul3A_138 = arith.muli %mul3A_137, %add3A_88 : i32
      %add3A_139 = arith.constant 1 : i32
      %add3A_140 = arith.addi %mul3A_138, %add3A_139 : i32
      %dma_wait3A_141 = arith.constant 0 : i32
      %dma_wait3A_142 = arith.constant 0 : i32
      %dma_wait3A_143 = tpu.memref_slice %arg18[%dma_wait3A_141, %dma_wait3A_142] : memref<10112x128xf32, #tpu.memory_space<vmem_shared>> -> memref<10112x128xf32, #tpu.memory_space<vmem_shared>>
      tpu.wait_indirect_dma semaphore(%arg25 : memref<!tpu.dma_semaphore, #tpu.memory_space<semaphore_mem>>) src(%arg14 : memref<64x128xf32, #tpu.memory_space<vmem>>) dst(%dma_wait3A_143 : memref<10112x128xf32, #tpu.memory_space<vmem_shared>>)
      %convert_element_type3A_144 = arith.extui %lt3A : i1 to i32
      %cond3A_145 = arith.constant 0 : i32
      %cond3A_146 = arith.cmpi ne, %convert_element_type3A_144, %cond3A_145 : i32
      scf.if %cond3A_146 {
        %dma_wait3A_168 = arith.constant 0 : i32
        %dma_wait3A_169 = tpu.memref_slice %arg4[%dma_wait3A_168] : memref<327680xi32, #tpu.memory_space<hbm>> -> memref<64xi32, #tpu.memory_space<hbm>>
        %dma_wait3A_170 = arith.constant 0 : i32
        %dma_wait3A_171 = tpu.memref_slice %arg4[%dma_wait3A_170] : memref<327680xi32, #tpu.memory_space<hbm>> -> memref<64xi32, #tpu.memory_space<hbm>>
        tpu.wait_dma2 semaphore(%arg19 : memref<!tpu.dma_semaphore, #tpu.memory_space<semaphore_mem>>) src(%dma_wait3A_171 : memref<64xi32, #tpu.memory_space<hbm>>) dst(%arg8 : memref<64xi32, #tpu.memory_space<vmem>>)
        %dma_wait3A_172 = arith.constant 0 : i32
        %dma_wait3A_173 = tpu.memref_slice %arg5[%dma_wait3A_172] : memref<327680xi32, #tpu.memory_space<hbm>> -> memref<64xi32, #tpu.memory_space<hbm>>
        %dma_wait3A_174 = arith.constant 0 : i32
        %dma_wait3A_175 = tpu.memref_slice %arg5[%dma_wait3A_174] : memref<327680xi32, #tpu.memory_space<hbm>> -> memref<64xi32, #tpu.memory_space<hbm>>
        tpu.wait_dma2 semaphore(%arg19 : memref<!tpu.dma_semaphore, #tpu.memory_space<semaphore_mem>>) src(%dma_wait3A_175 : memref<64xi32, #tpu.memory_space<hbm>>) dst(%arg10 : memref<64xi32, #tpu.memory_space<vmem>>)
        %add3A_176 = arith.constant 1 : i32
        %add3A_177 = arith.addi %add3A_140, %add3A_176 : i32
        %add3A_178 = arith.addi %select_n3A_10, %add3A_177 : i32
        %mul3A_179 = arith.constant 8 : i32
        %mul3A_180 = arith.muli %add3A_178, %mul3A_179 : i32
        %dma_start3A_181 = arith.constant 0 : i32
        %dma_start3A_182 = tpu.memref_slice %arg3[%mul3A_180, %dma_start3A_181] : memref<40960x1024xf32, #tpu.memory_space<hbm>> -> memref<8x1024xf32, #tpu.memory_space<hbm>>
        %dma_start3A_183 = arith.constant 0 : i32
        %dma_start3A_184 = tpu.memref_slice %arg3[%mul3A_180, %dma_start3A_183] : memref<40960x1024xf32, #tpu.memory_space<hbm>> -> memref<8x1024xf32, #tpu.memory_space<hbm>>
        tpu.enqueue_dma source(%dma_start3A_184 : memref<8x1024xf32, #tpu.memory_space<hbm>>) target(%arg16 : memref<8x1024xf32, #tpu.memory_space<vmem>>) target_semaphore(%arg23 : memref<!tpu.dma_semaphore, #tpu.memory_space<semaphore_mem>>)
        %dma_start3A_185 = arith.constant 0 : i32
        %dma_start3A_186 = arith.constant 0 : i32
        %dma_start3A_187 = tpu.memref_slice %arg2[%dma_start3A_185, %dma_start3A_186] : memref<10000x128xf32, #tpu.memory_space<hbm>> -> memref<10000x128xf32, #tpu.memory_space<hbm>>
        tpu.enqueue_indirect_dma source(%dma_start3A_187 : memref<10000x128xf32, #tpu.memory_space<hbm>>) target(%arg14 : memref<64x128xf32, #tpu.memory_space<vmem>>) offsets(%arg8 : memref<64xi32, #tpu.memory_space<vmem>>) semaphore(%arg21 : memref<!tpu.dma_semaphore, #tpu.memory_space<semaphore_mem>>)
      } else {
      }
      %dma_wait3A_147 = arith.constant 0 : i32
      %dma_wait3A_148 = arith.constant 0 : i32
      %dma_wait3A_149 = tpu.memref_slice %arg3[%dma_wait3A_147, %dma_wait3A_148] : memref<40960x1024xf32, #tpu.memory_space<hbm>> -> memref<8x1024xf32, #tpu.memory_space<hbm>>
      %dma_wait3A_150 = arith.constant 0 : i32
      %dma_wait3A_151 = arith.constant 0 : i32
      %dma_wait3A_152 = tpu.memref_slice %arg3[%dma_wait3A_150, %dma_wait3A_151] : memref<40960x1024xf32, #tpu.memory_space<hbm>> -> memref<8x1024xf32, #tpu.memory_space<hbm>>
      tpu.wait_dma2 semaphore(%arg24 : memref<!tpu.dma_semaphore, #tpu.memory_space<semaphore_mem>>) src(%dma_wait3A_152 : memref<8x1024xf32, #tpu.memory_space<hbm>>) dst(%arg17 : memref<8x1024xf32, #tpu.memory_space<vmem>>)
      %dma_wait3A_153 = arith.constant 0 : i32
      %dma_wait3A_154 = arith.constant 0 : i32
      %dma_wait3A_155 = tpu.memref_slice %arg2[%dma_wait3A_153, %dma_wait3A_154] : memref<10000x128xf32, #tpu.memory_space<hbm>> -> memref<10000x128xf32, #tpu.memory_space<hbm>>
      tpu.wait_indirect_dma semaphore(%arg22 : memref<!tpu.dma_semaphore, #tpu.memory_space<semaphore_mem>>) src(%dma_wait3A_155 : memref<10000x128xf32, #tpu.memory_space<hbm>>) dst(%arg15 : memref<64x128xf32, #tpu.memory_space<vmem>>)
      %parallel_loop3A_156 = arith.constant 0 : i32
      %parallel_loop3A_157 = arith.constant 4 : i32
      %parallel_loop3A_158 = arith.constant 1 : i32
      scf.for %parallel_loop3A_168 = %parallel_loop3A_156 to %parallel_loop3A_157 step %parallel_loop3A_158  : i32 {
        %parallel_loop3A_169 = arith.constant 16 : i32
        %parallel_loop3A_170 = arith.muli %parallel_loop3A_168, %parallel_loop3A_169 : i32
        %parallel_loop3A_171 = arith.index_cast %parallel_loop3A_170 : i32 to index
        %parallel_loop3A_172 = tpu.vector_load %arg11[%parallel_loop3A_171] {strides = array<i32>} : memref<64xi32, #tpu.memory_space<vmem>>, vector<16xi32>,
        %parallel_loop3A_173 = vector.shape_cast %parallel_loop3A_172 : vector<16xi32> to vector<16xi32>
        %parallel_loop3A_174 = arith.index_cast %parallel_loop3A_170 : i32 to index
        %parallel_loop3A_175 = tpu.vector_load %arg13[%parallel_loop3A_174] {strides = array<i32>} : memref<64xi32, #tpu.memory_space<vmem>>, vector<16xi32>,
        %parallel_loop3A_176 = vector.shape_cast %parallel_loop3A_175 : vector<16xi32> to vector<16xi32>
        %parallel_loop3A_177 = vector.shape_cast %parallel_loop3A_173 : vector<16xi32> to vector<16xi32>
        tpu.vector_store %arg13[%parallel_loop3A_174], %parallel_loop3A_177 {strides = array<i32>} : memref<64xi32, #tpu.memory_space<vmem>>, vector<16xi32>,
      } {sc.loop_unroll_factor = 2 : i64, sc.parallel_access}
      %parallel_loop3A_159 = arith.constant 0 : i32
      %parallel_loop3A_160 = arith.constant 64 : i32
      %parallel_loop3A_161 = arith.constant 1 : i32
      scf.for %parallel_loop3A_168 = %parallel_loop3A_159 to %parallel_loop3A_160 step %parallel_loop3A_161  : i32 {
        %parallel_loop3A_169 = arith.constant 3 : i32
        %parallel_loop3A_170 = arith.shrsi %parallel_loop3A_168, %parallel_loop3A_169 : i32
        %parallel_loop3A_171 = arith.constant 7 : i32
        %parallel_loop3A_172 = arith.andi %parallel_loop3A_168, %parallel_loop3A_171 : i32
        %parallel_loop3A_173 = arith.constant 128 : i32
        %parallel_loop3A_174 = arith.muli %parallel_loop3A_172, %parallel_loop3A_173 : i32
        %parallel_loop3A_175 = arith.index_cast %parallel_loop3A_168 : i32 to index
        %parallel_loop3A_176 = arith.constant 0 : index
        %parallel_loop3A_177 = tpu.vector_load %arg15[%parallel_loop3A_175, %parallel_loop3A_176] {strides = array<i32>} : memref<64x128xf32, #tpu.memory_space<vmem>>, vector<1x16xf32>,
        %parallel_loop3A_178 = vector.shape_cast %parallel_loop3A_177 : vector<1x16xf32> to vector<16xf32>
        %parallel_loop3A_179 = arith.constant 0 : i32
        %parallel_loop3A_180 = arith.addi %parallel_loop3A_174, %parallel_loop3A_179 : i32
        %parallel_loop3A_181 = arith.index_cast %parallel_loop3A_170 : i32 to index
        %parallel_loop3A_182 = arith.index_cast %parallel_loop3A_180 : i32 to index
        %parallel_loop3A_183 = tpu.vector_load %arg17[%parallel_loop3A_181, %parallel_loop3A_182] {strides = array<i32>} : memref<8x1024xf32, #tpu.memory_space<vmem>>, vector<1x16xf32>,
        %parallel_loop3A_184 = vector.shape_cast %parallel_loop3A_183 : vector<1x16xf32> to vector<16xf32>
        %parallel_loop3A_185 = arith.addf %parallel_loop3A_178, %parallel_loop3A_184 : vector<16xf32>
        %parallel_loop3A_186 = arith.constant 0.000000e+00 : f32
        %parallel_loop3A_187 = vector.broadcast %parallel_loop3A_186 : f32 to vector<16xf32>
        %parallel_loop3A_188 = arith.maximumf %parallel_loop3A_185, %parallel_loop3A_187 : vector<16xf32>
        %parallel_loop3A_189 = arith.index_cast %parallel_loop3A_168 : i32 to index
        %parallel_loop3A_190 = arith.constant 0 : index
        %parallel_loop3A_191 = tpu.vector_load %arg15[%parallel_loop3A_189, %parallel_loop3A_190] {strides = array<i32>} : memref<64x128xf32, #tpu.memory_space<vmem>>, vector<1x16xf32>,
        %parallel_loop3A_192 = vector.shape_cast %parallel_loop3A_191 : vector<1x16xf32> to vector<16xf32>
        %parallel_loop3A_193 = vector.shape_cast %parallel_loop3A_188 : vector<16xf32> to vector<1x16xf32>
        tpu.vector_store %arg15[%parallel_loop3A_189, %parallel_loop3A_190], %parallel_loop3A_193 {strides = array<i32>} : memref<64x128xf32, #tpu.memory_space<vmem>>, vector<1x16xf32>,
        %parallel_loop3A_194 = arith.index_cast %parallel_loop3A_168 : i32 to index
        %parallel_loop3A_195 = arith.constant 16 : index
        %parallel_loop3A_196 = tpu.vector_load %arg15[%parallel_loop3A_194, %parallel_loop3A_195] {strides = array<i32>} : memref<64x128xf32, #tpu.memory_space<vmem>>, vector<1x16xf32>,
        %parallel_loop3A_197 = vector.shape_cast %parallel_loop3A_196 : vector<1x16xf32> to vector<16xf32>
        %parallel_loop3A_198 = arith.constant 16 : i32
        %parallel_loop3A_199 = arith.addi %parallel_loop3A_174, %parallel_loop3A_198 : i32
        %parallel_loop3A_200 = arith.index_cast %parallel_loop3A_170 : i32 to index
        %parallel_loop3A_201 = arith.index_cast %parallel_loop3A_199 : i32 to index
        %parallel_loop3A_202 = tpu.vector_load %arg17[%parallel_loop3A_200, %parallel_loop3A_201] {strides = array<i32>} : memref<8x1024xf32, #tpu.memory_space<vmem>>, vector<1x16xf32>,
        %parallel_loop3A_203 = vector.shape_cast %parallel_loop3A_202 : vector<1x16xf32> to vector<16xf32>
        %parallel_loop3A_204 = arith.addf %parallel_loop3A_197, %parallel_loop3A_203 : vector<16xf32>
        %parallel_loop3A_205 = arith.constant 0.000000e+00 : f32
        %parallel_loop3A_206 = vector.broadcast %parallel_loop3A_205 : f32 to vector<16xf32>
        %parallel_loop3A_207 = arith.maximumf %parallel_loop3A_204, %parallel_loop3A_206 : vector<16xf32>
        %parallel_loop3A_208 = arith.index_cast %parallel_loop3A_168 : i32 to index
        %parallel_loop3A_209 = arith.constant 16 : index
        %parallel_loop3A_210 = tpu.vector_load %arg15[%parallel_loop3A_208, %parallel_loop3A_209] {strides = array<i32>} : memref<64x128xf32, #tpu.memory_space<vmem>>, vector<1x16xf32>,
        %parallel_loop3A_211 = vector.shape_cast %parallel_loop3A_210 : vector<1x16xf32> to vector<16xf32>
        %parallel_loop3A_212 = vector.shape_cast %parallel_loop3A_207 : vector<16xf32> to vector<1x16xf32>
        tpu.vector_store %arg15[%parallel_loop3A_208, %parallel_loop3A_209], %parallel_loop3A_212 {strides = array<i32>} : memref<64x128xf32, #tpu.memory_space<vmem>>, vector<1x16xf32>,
        %parallel_loop3A_213 = arith.index_cast %parallel_loop3A_168 : i32 to index
        %parallel_loop3A_214 = arith.constant 32 : index
        %parallel_loop3A_215 = tpu.vector_load %arg15[%parallel_loop3A_213, %parallel_loop3A_214] {strides = array<i32>} : memref<64x128xf32, #tpu.memory_space<vmem>>, vector<1x16xf32>,
        %parallel_loop3A_216 = vector.shape_cast %parallel_loop3A_215 : vector<1x16xf32> to vector<16xf32>
        %parallel_loop3A_217 = arith.constant 32 : i32
        %parallel_loop3A_218 = arith.addi %parallel_loop3A_174, %parallel_loop3A_217 : i32
        %parallel_loop3A_219 = arith.index_cast %parallel_loop3A_170 : i32 to index
        %parallel_loop3A_220 = arith.index_cast %parallel_loop3A_218 : i32 to index
        %parallel_loop3A_221 = tpu.vector_load %arg17[%parallel_loop3A_219, %parallel_loop3A_220] {strides = array<i32>} : memref<8x1024xf32, #tpu.memory_space<vmem>>, vector<1x16xf32>,
        %parallel_loop3A_222 = vector.shape_cast %parallel_loop3A_221 : vector<1x16xf32> to vector<16xf32>
        %parallel_loop3A_223 = arith.addf %parallel_loop3A_216, %parallel_loop3A_222 : vector<16xf32>
        %parallel_loop3A_224 = arith.constant 0.000000e+00 : f32
        %parallel_loop3A_225 = vector.broadcast %parallel_loop3A_224 : f32 to vector<16xf32>
        %parallel_loop3A_226 = arith.maximumf %parallel_loop3A_223, %parallel_loop3A_225 : vector<16xf32>
        %parallel_loop3A_227 = arith.index_cast %parallel_loop3A_168 : i32 to index
        %parallel_loop3A_228 = arith.constant 32 : index
        %parallel_loop3A_229 = tpu.vector_load %arg15[%parallel_loop3A_227, %parallel_loop3A_228] {strides = array<i32>} : memref<64x128xf32, #tpu.memory_space<vmem>>, vector<1x16xf32>,
        %parallel_loop3A_230 = vector.shape_cast %parallel_loop3A_229 : vector<1x16xf32> to vector<16xf32>
        %parallel_loop3A_231 = vector.shape_cast %parallel_loop3A_226 : vector<16xf32> to vector<1x16xf32>
        tpu.vector_store %arg15[%parallel_loop3A_227, %parallel_loop3A_228], %parallel_loop3A_231 {strides = array<i32>} : memref<64x128xf32, #tpu.memory_space<vmem>>, vector<1x16xf32>,
        %parallel_loop3A_232 = arith.index_cast %parallel_loop3A_168 : i32 to index
        %parallel_loop3A_233 = arith.constant 48 : index
        %parallel_loop3A_234 = tpu.vector_load %arg15[%parallel_loop3A_232, %parallel_loop3A_233] {strides = array<i32>} : memref<64x128xf32, #tpu.memory_space<vmem>>, vector<1x16xf32>,
        %parallel_loop3A_235 = vector.shape_cast %parallel_loop3A_234 : vector<1x16xf32> to vector<16xf32>
        %parallel_loop3A_236 = arith.constant 48 : i32
        %parallel_loop3A_237 = arith.addi %parallel_loop3A_174, %parallel_loop3A_236 : i32
        %parallel_loop3A_238 = arith.index_cast %parallel_loop3A_170 : i32 to index
        %parallel_loop3A_239 = arith.index_cast %parallel_loop3A_237 : i32 to index
        %parallel_loop3A_240 = tpu.vector_load %arg17[%parallel_loop3A_238, %parallel_loop3A_239] {strides = array<i32>} : memref<8x1024xf32, #tpu.memory_space<vmem>>, vector<1x16xf32>,
        %parallel_loop3A_241 = vector.shape_cast %parallel_loop3A_240 : vector<1x16xf32> to vector<16xf32>
        %parallel_loop3A_242 = arith.addf %parallel_loop3A_235, %parallel_loop3A_241 : vector<16xf32>
        %parallel_loop3A_243 = arith.constant 0.000000e+00 : f32
        %parallel_loop3A_244 = vector.broadcast %parallel_loop3A_243 : f32 to vector<16xf32>
        %parallel_loop3A_245 = arith.maximumf %parallel_loop3A_242, %parallel_loop3A_244 : vector<16xf32>
        %parallel_loop3A_246 = arith.index_cast %parallel_loop3A_168 : i32 to index
        %parallel_loop3A_247 = arith.constant 48 : index
        %parallel_loop3A_248 = tpu.vector_load %arg15[%parallel_loop3A_246, %parallel_loop3A_247] {strides = array<i32>} : memref<64x128xf32, #tpu.memory_space<vmem>>, vector<1x16xf32>,
        %parallel_loop3A_249 = vector.shape_cast %parallel_loop3A_248 : vector<1x16xf32> to vector<16xf32>
        %parallel_loop3A_250 = vector.shape_cast %parallel_loop3A_245 : vector<16xf32> to vector<1x16xf32>
        tpu.vector_store %arg15[%parallel_loop3A_246, %parallel_loop3A_247], %parallel_loop3A_250 {strides = array<i32>} : memref<64x128xf32, #tpu.memory_space<vmem>>, vector<1x16xf32>,
        %parallel_loop3A_251 = arith.index_cast %parallel_loop3A_168 : i32 to index
        %parallel_loop3A_252 = arith.constant 64 : index
        %parallel_loop3A_253 = tpu.vector_load %arg15[%parallel_loop3A_251, %parallel_loop3A_252] {strides = array<i32>} : memref<64x128xf32, #tpu.memory_space<vmem>>, vector<1x16xf32>,
        %parallel_loop3A_254 = vector.shape_cast %parallel_loop3A_253 : vector<1x16xf32> to vector<16xf32>
        %parallel_loop3A_255 = arith.constant 64 : i32
        %parallel_loop3A_256 = arith.addi %parallel_loop3A_174, %parallel_loop3A_255 : i32
        %parallel_loop3A_257 = arith.index_cast %parallel_loop3A_170 : i32 to index
        %parallel_loop3A_258 = arith.index_cast %parallel_loop3A_256 : i32 to index
        %parallel_loop3A_259 = tpu.vector_load %arg17[%parallel_loop3A_257, %parallel_loop3A_258] {strides = array<i32>} : memref<8x1024xf32, #tpu.memory_space<vmem>>, vector<1x16xf32>,
        %parallel_loop3A_260 = vector.shape_cast %parallel_loop3A_259 : vector<1x16xf32> to vector<16xf32>
        %parallel_loop3A_261 = arith.addf %parallel_loop3A_254, %parallel_loop3A_260 : vector<16xf32>
        %parallel_loop3A_262 = arith.constant 0.000000e+00 : f32
        %parallel_loop3A_263 = vector.broadcast %parallel_loop3A_262 : f32 to vector<16xf32>
        %parallel_loop3A_264 = arith.maximumf %parallel_loop3A_261, %parallel_loop3A_263 : vector<16xf32>
        %parallel_loop3A_265 = arith.index_cast %parallel_loop3A_168 : i32 to index
        %parallel_loop3A_266 = arith.constant 64 : index
        %parallel_loop3A_267 = tpu.vector_load %arg15[%parallel_loop3A_265, %parallel_loop3A_266] {strides = array<i32>} : memref<64x128xf32, #tpu.memory_space<vmem>>, vector<1x16xf32>,
        %parallel_loop3A_268 = vector.shape_cast %parallel_loop3A_267 : vector<1x16xf32> to vector<16xf32>
        %parallel_loop3A_269 = vector.shape_cast %parallel_loop3A_264 : vector<16xf32> to vector<1x16xf32>
        tpu.vector_store %arg15[%parallel_loop3A_265, %parallel_loop3A_266], %parallel_loop3A_269 {strides = array<i32>} : memref<64x128xf32, #tpu.memory_space<vmem>>, vector<1x16xf32>,
        %parallel_loop3A_270 = arith.index_cast %parallel_loop3A_168 : i32 to index
        %parallel_loop3A_271 = arith.constant 80 : index
        %parallel_loop3A_272 = tpu.vector_load %arg15[%parallel_loop3A_270, %parallel_loop3A_271] {strides = array<i32>} : memref<64x128xf32, #tpu.memory_space<vmem>>, vector<1x16xf32>,
        %parallel_loop3A_273 = vector.shape_cast %parallel_loop3A_272 : vector<1x16xf32> to vector<16xf32>
        %parallel_loop3A_274 = arith.constant 80 : i32
        %parallel_loop3A_275 = arith.addi %parallel_loop3A_174, %parallel_loop3A_274 : i32
        %parallel_loop3A_276 = arith.index_cast %parallel_loop3A_170 : i32 to index
        %parallel_loop3A_277 = arith.index_cast %parallel_loop3A_275 : i32 to index
        %parallel_loop3A_278 = tpu.vector_load %arg17[%parallel_loop3A_276, %parallel_loop3A_277] {strides = array<i32>} : memref<8x1024xf32, #tpu.memory_space<vmem>>, vector<1x16xf32>,
        %parallel_loop3A_279 = vector.shape_cast %parallel_loop3A_278 : vector<1x16xf32> to vector<16xf32>
        %parallel_loop3A_280 = arith.addf %parallel_loop3A_273, %parallel_loop3A_279 : vector<16xf32>
        %parallel_loop3A_281 = arith.constant 0.000000e+00 : f32
        %parallel_loop3A_282 = vector.broadcast %parallel_loop3A_281 : f32 to vector<16xf32>
        %parallel_loop3A_283 = arith.maximumf %parallel_loop3A_280, %parallel_loop3A_282 : vector<16xf32>
        %parallel_loop3A_284 = arith.index_cast %parallel_loop3A_168 : i32 to index
        %parallel_loop3A_285 = arith.constant 80 : index
        %parallel_loop3A_286 = tpu.vector_load %arg15[%parallel_loop3A_284, %parallel_loop3A_285] {strides = array<i32>} : memref<64x128xf32, #tpu.memory_space<vmem>>, vector<1x16xf32>,
        %parallel_loop3A_287 = vector.shape_cast %parallel_loop3A_286 : vector<1x16xf32> to vector<16xf32>
        %parallel_loop3A_288 = vector.shape_cast %parallel_loop3A_283 : vector<16xf32> to vector<1x16xf32>
        tpu.vector_store %arg15[%parallel_loop3A_284, %parallel_loop3A_285], %parallel_loop3A_288 {strides = array<i32>} : memref<64x128xf32, #tpu.memory_space<vmem>>, vector<1x16xf32>,
        %parallel_loop3A_289 = arith.index_cast %parallel_loop3A_168 : i32 to index
        %parallel_loop3A_290 = arith.constant 96 : index
        %parallel_loop3A_291 = tpu.vector_load %arg15[%parallel_loop3A_289, %parallel_loop3A_290] {strides = array<i32>} : memref<64x128xf32, #tpu.memory_space<vmem>>, vector<1x16xf32>,
        %parallel_loop3A_292 = vector.shape_cast %parallel_loop3A_291 : vector<1x16xf32> to vector<16xf32>
        %parallel_loop3A_293 = arith.constant 96 : i32
        %parallel_loop3A_294 = arith.addi %parallel_loop3A_174, %parallel_loop3A_293 : i32
        %parallel_loop3A_295 = arith.index_cast %parallel_loop3A_170 : i32 to index
        %parallel_loop3A_296 = arith.index_cast %parallel_loop3A_294 : i32 to index
        %parallel_loop3A_297 = tpu.vector_load %arg17[%parallel_loop3A_295, %parallel_loop3A_296] {strides = array<i32>} : memref<8x1024xf32, #tpu.memory_space<vmem>>, vector<1x16xf32>,
        %parallel_loop3A_298 = vector.shape_cast %parallel_loop3A_297 : vector<1x16xf32> to vector<16xf32>
        %parallel_loop3A_299 = arith.addf %parallel_loop3A_292, %parallel_loop3A_298 : vector<16xf32>
        %parallel_loop3A_300 = arith.constant 0.000000e+00 : f32
        %parallel_loop3A_301 = vector.broadcast %parallel_loop3A_300 : f32 to vector<16xf32>
        %parallel_loop3A_302 = arith.maximumf %parallel_loop3A_299, %parallel_loop3A_301 : vector<16xf32>
        %parallel_loop3A_303 = arith.index_cast %parallel_loop3A_168 : i32 to index
        %parallel_loop3A_304 = arith.constant 96 : index
        %parallel_loop3A_305 = tpu.vector_load %arg15[%parallel_loop3A_303, %parallel_loop3A_304] {strides = array<i32>} : memref<64x128xf32, #tpu.memory_space<vmem>>, vector<1x16xf32>,
        %parallel_loop3A_306 = vector.shape_cast %parallel_loop3A_305 : vector<1x16xf32> to vector<16xf32>
        %parallel_loop3A_307 = vector.shape_cast %parallel_loop3A_302 : vector<16xf32> to vector<1x16xf32>
        tpu.vector_store %arg15[%parallel_loop3A_303, %parallel_loop3A_304], %parallel_loop3A_307 {strides = array<i32>} : memref<64x128xf32, #tpu.memory_space<vmem>>, vector<1x16xf32>,
        %parallel_loop3A_308 = arith.index_cast %parallel_loop3A_168 : i32 to index
        %parallel_loop3A_309 = arith.constant 112 : index
        %parallel_loop3A_310 = tpu.vector_load %arg15[%parallel_loop3A_308, %parallel_loop3A_309] {strides = array<i32>} : memref<64x128xf32, #tpu.memory_space<vmem>>, vector<1x16xf32>,
        %parallel_loop3A_311 = vector.shape_cast %parallel_loop3A_310 : vector<1x16xf32> to vector<16xf32>
        %parallel_loop3A_312 = arith.constant 112 : i32
        %parallel_loop3A_313 = arith.addi %parallel_loop3A_174, %parallel_loop3A_312 : i32
        %parallel_loop3A_314 = arith.index_cast %parallel_loop3A_170 : i32 to index
        %parallel_loop3A_315 = arith.index_cast %parallel_loop3A_313 : i32 to index
        %parallel_loop3A_316 = tpu.vector_load %arg17[%parallel_loop3A_314, %parallel_loop3A_315] {strides = array<i32>} : memref<8x1024xf32, #tpu.memory_space<vmem>>, vector<1x16xf32>,
        %parallel_loop3A_317 = vector.shape_cast %parallel_loop3A_316 : vector<1x16xf32> to vector<16xf32>
        %parallel_loop3A_318 = arith.addf %parallel_loop3A_311, %parallel_loop3A_317 : vector<16xf32>
        %parallel_loop3A_319 = arith.constant 0.000000e+00 : f32
        %parallel_loop3A_320 = vector.broadcast %parallel_loop3A_319 : f32 to vector<16xf32>
        %parallel_loop3A_321 = arith.maximumf %parallel_loop3A_318, %parallel_loop3A_320 : vector<16xf32>
        %parallel_loop3A_322 = arith.index_cast %parallel_loop3A_168 : i32 to index
        %parallel_loop3A_323 = arith.constant 112 : index
        %parallel_loop3A_324 = tpu.vector_load %arg15[%parallel_loop3A_322, %parallel_loop3A_323] {strides = array<i32>} : memref<64x128xf32, #tpu.memory_space<vmem>>, vector<1x16xf32>,
        %parallel_loop3A_325 = vector.shape_cast %parallel_loop3A_324 : vector<1x16xf32> to vector<16xf32>
        %parallel_loop3A_326 = vector.shape_cast %parallel_loop3A_321 : vector<16xf32> to vector<1x16xf32>
        tpu.vector_store %arg15[%parallel_loop3A_322, %parallel_loop3A_323], %parallel_loop3A_326 {strides = array<i32>} : memref<64x128xf32, #tpu.memory_space<vmem>>, vector<1x16xf32>,
      } {sc.loop_unroll_factor = 4 : i64, sc.parallel_access}
      %dma_start3A_162 = arith.constant 0 : i32
      %dma_start3A_163 = arith.constant 0 : i32
      %dma_start3A_164 = tpu.memref_slice %arg18[%dma_start3A_162, %dma_start3A_163] : memref<10112x128xf32, #tpu.memory_space<vmem_shared>> -> memref<10112x128xf32, #tpu.memory_space<vmem_shared>>
      tpu.enqueue_indirect_dma source(%arg15 : memref<64x128xf32, #tpu.memory_space<vmem>>) target(%dma_start3A_164 : memref<10112x128xf32, #tpu.memory_space<vmem_shared>>) offsets(%arg13 : memref<64xi32, #tpu.memory_space<vmem>>) semaphore(%arg26 : memref<!tpu.dma_semaphore, #tpu.memory_space<semaphore_mem>>) {add = true}
      %convert_element_type3A_165 = arith.extui %lt3A : i1 to i32
      %cond3A_166 = arith.constant 0 : i32
      %cond3A_167 = arith.cmpi ne, %convert_element_type3A_165, %cond3A_166 : i32
      scf.if %cond3A_167 {
        %add3A_168 = arith.constant 2 : i32
        %add3A_169 = arith.addi %add3A_140, %add3A_168 : i32
        %add3A_170 = arith.addi %select_n3A_10, %add3A_169 : i32
        %mul3A_171 = arith.constant 64 : i32
        %mul3A_172 = arith.muli %add3A_170, %mul3A_171 : i32
        %dma_start3A_173 = tpu.memref_slice %arg4[%mul3A_172] : memref<327680xi32, #tpu.memory_space<hbm>> -> memref<64xi32, #tpu.memory_space<hbm>>
        %dma_start3A_174 = tpu.memref_slice %arg4[%mul3A_172] : memref<327680xi32, #tpu.memory_space<hbm>> -> memref<64xi32, #tpu.memory_space<hbm>>
        tpu.enqueue_dma source(%dma_start3A_174 : memref<64xi32, #tpu.memory_space<hbm>>) target(%arg9 : memref<64xi32, #tpu.memory_space<vmem>>) target_semaphore(%arg20 : memref<!tpu.dma_semaphore, #tpu.memory_space<semaphore_mem>>)
        %dma_start3A_175 = tpu.memref_slice %arg5[%mul3A_172] : memref<327680xi32, #tpu.memory_space<hbm>> -> memref<64xi32, #tpu.memory_space<hbm>>
        %dma_start3A_176 = tpu.memref_slice %arg5[%mul3A_172] : memref<327680xi32, #tpu.memory_space<hbm>> -> memref<64xi32, #tpu.memory_space<hbm>>
        tpu.enqueue_dma source(%dma_start3A_176 : memref<64xi32, #tpu.memory_space<hbm>>) target(%arg11 : memref<64xi32, #tpu.memory_space<vmem>>) target_semaphore(%arg20 : memref<!tpu.dma_semaphore, #tpu.memory_space<semaphore_mem>>)
      } else {
      }
    }
    %while3A_79 = arith.constant 1 : i32
    scf.for %while3A_86 = %while3A_77 to %while3A_73 step %while3A_79  : i32 {
      %mul3A_87 = arith.muli %while3A_86, %while3A : i32
      %add3A_88 = arith.addi %while3A_70, %mul3A_87 : i32
      %sub3A_89 = arith.constant 1 : i32
      %sub3A_90 = arith.subi %select_n3A_61, %sub3A_89 : i32
      %lt3A = arith.cmpi slt, %add3A_88, %sub3A_90 : i32
      %mul3A_91 = arith.constant 2 : i32
      %mul3A_92 = arith.muli %mul3A_91, %add3A_88 : i32
      %add3A_93 = arith.constant 0 : i32
      %add3A_94 = arith.addi %mul3A_92, %add3A_93 : i32
      %gt3A = arith.constant 0 : i32
      %gt3A_95 = arith.cmpi sgt, %add3A_88, %gt3A : i32
      %convert_element_type3A = arith.extui %gt3A_95 : i1 to i32
      %cond3A = arith.constant 0 : i32
      %cond3A_96 = arith.cmpi ne, %convert_element_type3A, %cond3A : i32
      scf.if %cond3A_96 {
        %dma_wait3A_168 = arith.constant 0 : i32
        %dma_wait3A_169 = arith.constant 0 : i32
        %dma_wait3A_170 = tpu.memref_slice %arg18[%dma_wait3A_168, %dma_wait3A_169] : memref<10112x128xf32, #tpu.memory_space<vmem_shared>> -> memref<10112x128xf32, #tpu.memory_space<vmem_shared>>
        tpu.wait_indirect_dma semaphore(%arg26 : memref<!tpu.dma_semaphore, #tpu.memory_space<semaphore_mem>>) src(%arg15 : memref<64x128xf32, #tpu.memory_space<vmem>>) dst(%dma_wait3A_170 : memref<10112x128xf32, #tpu.memory_space<vmem_shared>>)
      } else {
      }
      %dma_wait3A_97 = arith.constant 0 : i32
      %dma_wait3A_98 = tpu.memref_slice %arg4[%dma_wait3A_97] : memref<327680xi32, #tpu.memory_space<hbm>> -> memref<64xi32, #tpu.memory_space<hbm>>
      %dma_wait3A_99 = arith.constant 0 : i32
      %dma_wait3A_100 = tpu.memref_slice %arg4[%dma_wait3A_99] : memref<327680xi32, #tpu.memory_space<hbm>> -> memref<64xi32, #tpu.memory_space<hbm>>
      tpu.wait_dma2 semaphore(%arg20 : memref<!tpu.dma_semaphore, #tpu.memory_space<semaphore_mem>>) src(%dma_wait3A_100 : memref<64xi32, #tpu.memory_space<hbm>>) dst(%arg9 : memref<64xi32, #tpu.memory_space<vmem>>)
      %dma_wait3A_101 = arith.constant 0 : i32
      %dma_wait3A_102 = tpu.memref_slice %arg5[%dma_wait3A_101] : memref<327680xi32, #tpu.memory_space<hbm>> -> memref<64xi32, #tpu.memory_space<hbm>>
      %dma_wait3A_103 = arith.constant 0 : i32
      %dma_wait3A_104 = tpu.memref_slice %arg5[%dma_wait3A_103] : memref<327680xi32, #tpu.memory_space<hbm>> -> memref<64xi32, #tpu.memory_space<hbm>>
      tpu.wait_dma2 semaphore(%arg20 : memref<!tpu.dma_semaphore, #tpu.memory_space<semaphore_mem>>) src(%dma_wait3A_104 : memref<64xi32, #tpu.memory_space<hbm>>) dst(%arg11 : memref<64xi32, #tpu.memory_space<vmem>>)
      %add3A_105 = arith.constant 1 : i32
      %add3A_106 = arith.addi %add3A_94, %add3A_105 : i32
      %add3A_107 = arith.addi %select_n3A_10, %add3A_106 : i32
      %mul3A_108 = arith.constant 8 : i32
      %mul3A_109 = arith.muli %add3A_107, %mul3A_108 : i32
      %dma_start3A_110 = arith.constant 0 : i32
      %dma_start3A_111 = tpu.memref_slice %arg3[%mul3A_109, %dma_start3A_110] : memref<40960x1024xf32, #tpu.memory_space<hbm>> -> memref<8x1024xf32, #tpu.memory_space<hbm>>
      %dma_start3A_112 = arith.constant 0 : i32
      %dma_start3A_113 = tpu.memref_slice %arg3[%mul3A_109, %dma_start3A_112] : memref<40960x1024xf32, #tpu.memory_space<hbm>> -> memref<8x1024xf32, #tpu.memory_space<hbm>>
      tpu.enqueue_dma source(%dma_start3A_113 : memref<8x1024xf32, #tpu.memory_space<hbm>>) target(%arg17 : memref<8x1024xf32, #tpu.memory_space<vmem>>) target_semaphore(%arg24 : memref<!tpu.dma_semaphore, #tpu.memory_space<semaphore_mem>>)
      %dma_start3A_114 = arith.constant 0 : i32
      %dma_start3A_115 = arith.constant 0 : i32
      %dma_start3A_116 = tpu.memref_slice %arg2[%dma_start3A_114, %dma_start3A_115] : memref<10000x128xf32, #tpu.memory_space<hbm>> -> memref<10000x128xf32, #tpu.memory_space<hbm>>
      tpu.enqueue_indirect_dma source(%dma_start3A_116 : memref<10000x128xf32, #tpu.memory_space<hbm>>) target(%arg15 : memref<64x128xf32, #tpu.memory_space<vmem>>) offsets(%arg9 : memref<64xi32, #tpu.memory_space<vmem>>) semaphore(%arg22 : memref<!tpu.dma_semaphore, #tpu.memory_space<semaphore_mem>>)
      %dma_wait3A_117 = arith.constant 0 : i32
      %dma_wait3A_118 = arith.constant 0 : i32
      %dma_wait3A_119 = tpu.memref_slice %arg3[%dma_wait3A_117, %dma_wait3A_118] : memref<40960x1024xf32, #tpu.memory_space<hbm>> -> memref<8x1024xf32, #tpu.memory_space<hbm>>
      %dma_wait3A_120 = arith.constant 0 : i32
      %dma_wait3A_121 = arith.constant 0 : i32
      %dma_wait3A_122 = tpu.memref_slice %arg3[%dma_wait3A_120, %dma_wait3A_121] : memref<40960x1024xf32, #tpu.memory_space<hbm>> -> memref<8x1024xf32, #tpu.memory_space<hbm>>
      tpu.wait_dma2 semaphore(%arg23 : memref<!tpu.dma_semaphore, #tpu.memory_space<semaphore_mem>>) src(%dma_wait3A_122 : memref<8x1024xf32, #tpu.memory_space<hbm>>) dst(%arg16 : memref<8x1024xf32, #tpu.memory_space<vmem>>)
      %dma_wait3A_123 = arith.constant 0 : i32
      %dma_wait3A_124 = arith.constant 0 : i32
      %dma_wait3A_125 = tpu.memref_slice %arg2[%dma_wait3A_123, %dma_wait3A_124] : memref<10000x128xf32, #tpu.memory_space<hbm>> -> memref<10000x128xf32, #tpu.memory_space<hbm>>
      tpu.wait_indirect_dma semaphore(%arg21 : memref<!tpu.dma_semaphore, #tpu.memory_space<semaphore_mem>>) src(%dma_wait3A_125 : memref<10000x128xf32, #tpu.memory_space<hbm>>) dst(%arg14 : memref<64x128xf32, #tpu.memory_space<vmem>>)
      %parallel_loop3A = arith.constant 0 : i32
      %parallel_loop3A_126 = arith.constant 4 : i32
      %parallel_loop3A_127 = arith.constant 1 : i32
      scf.for %parallel_loop3A_168 = %parallel_loop3A to %parallel_loop3A_126 step %parallel_loop3A_127  : i32 {
        %parallel_loop3A_169 = arith.constant 16 : i32
        %parallel_loop3A_170 = arith.muli %parallel_loop3A_168, %parallel_loop3A_169 : i32
        %parallel_loop3A_171 = arith.index_cast %parallel_loop3A_170 : i32 to index
        %parallel_loop3A_172 = tpu.vector_load %arg10[%parallel_loop3A_171] {strides = array<i32>} : memref<64xi32, #tpu.memory_space<vmem>>, vector<16xi32>,
        %parallel_loop3A_173 = vector.shape_cast %parallel_loop3A_172 : vector<16xi32> to vector<16xi32>
        %parallel_loop3A_174 = arith.index_cast %parallel_loop3A_170 : i32 to index
        %parallel_loop3A_175 = tpu.vector_load %arg12[%parallel_loop3A_174] {strides = array<i32>} : memref<64xi32, #tpu.memory_space<vmem>>, vector<16xi32>,
        %parallel_loop3A_176 = vector.shape_cast %parallel_loop3A_175 : vector<16xi32> to vector<16xi32>
        %parallel_loop3A_177 = vector.shape_cast %parallel_loop3A_173 : vector<16xi32> to vector<16xi32>
        tpu.vector_store %arg12[%parallel_loop3A_174], %parallel_loop3A_177 {strides = array<i32>} : memref<64xi32, #tpu.memory_space<vmem>>, vector<16xi32>,
      } {sc.loop_unroll_factor = 2 : i64, sc.parallel_access}
      %parallel_loop3A_128 = arith.constant 0 : i32
      %parallel_loop3A_129 = arith.constant 64 : i32
      %parallel_loop3A_130 = arith.constant 1 : i32
      scf.for %parallel_loop3A_168 = %parallel_loop3A_128 to %parallel_loop3A_129 step %parallel_loop3A_130  : i32 {
        %parallel_loop3A_169 = arith.constant 3 : i32
        %parallel_loop3A_170 = arith.shrsi %parallel_loop3A_168, %parallel_loop3A_169 : i32
        %parallel_loop3A_171 = arith.constant 7 : i32
        %parallel_loop3A_172 = arith.andi %parallel_loop3A_168, %parallel_loop3A_171 : i32
        %parallel_loop3A_173 = arith.constant 128 : i32
        %parallel_loop3A_174 = arith.muli %parallel_loop3A_172, %parallel_loop3A_173 : i32
        %parallel_loop3A_175 = arith.index_cast %parallel_loop3A_168 : i32 to index
        %parallel_loop3A_176 = arith.constant 0 : index
        %parallel_loop3A_177 = tpu.vector_load %arg14[%parallel_loop3A_175, %parallel_loop3A_176] {strides = array<i32>} : memref<64x128xf32, #tpu.memory_space<vmem>>, vector<1x16xf32>,
        %parallel_loop3A_178 = vector.shape_cast %parallel_loop3A_177 : vector<1x16xf32> to vector<16xf32>
        %parallel_loop3A_179 = arith.constant 0 : i32
        %parallel_loop3A_180 = arith.addi %parallel_loop3A_174, %parallel_loop3A_179 : i32
        %parallel_loop3A_181 = arith.index_cast %parallel_loop3A_170 : i32 to index
        %parallel_loop3A_182 = arith.index_cast %parallel_loop3A_180 : i32 to index
        %parallel_loop3A_183 = tpu.vector_load %arg16[%parallel_loop3A_181, %parallel_loop3A_182] {strides = array<i32>} : memref<8x1024xf32, #tpu.memory_space<vmem>>, vector<1x16xf32>,
        %parallel_loop3A_184 = vector.shape_cast %parallel_loop3A_183 : vector<1x16xf32> to vector<16xf32>
        %parallel_loop3A_185 = arith.addf %parallel_loop3A_178, %parallel_loop3A_184 : vector<16xf32>
        %parallel_loop3A_186 = arith.constant 0.000000e+00 : f32
        %parallel_loop3A_187 = vector.broadcast %parallel_loop3A_186 : f32 to vector<16xf32>
        %parallel_loop3A_188 = arith.maximumf %parallel_loop3A_185, %parallel_loop3A_187 : vector<16xf32>
        %parallel_loop3A_189 = arith.index_cast %parallel_loop3A_168 : i32 to index
        %parallel_loop3A_190 = arith.constant 0 : index
        %parallel_loop3A_191 = tpu.vector_load %arg14[%parallel_loop3A_189, %parallel_loop3A_190] {strides = array<i32>} : memref<64x128xf32, #tpu.memory_space<vmem>>, vector<1x16xf32>,
        %parallel_loop3A_192 = vector.shape_cast %parallel_loop3A_191 : vector<1x16xf32> to vector<16xf32>
        %parallel_loop3A_193 = vector.shape_cast %parallel_loop3A_188 : vector<16xf32> to vector<1x16xf32>
        tpu.vector_store %arg14[%parallel_loop3A_189, %parallel_loop3A_190], %parallel_loop3A_193 {strides = array<i32>} : memref<64x128xf32, #tpu.memory_space<vmem>>, vector<1x16xf32>,
        %parallel_loop3A_194 = arith.index_cast %parallel_loop3A_168 : i32 to index
        %parallel_loop3A_195 = arith.constant 16 : index
        %parallel_loop3A_196 = tpu.vector_load %arg14[%parallel_loop3A_194, %parallel_loop3A_195] {strides = array<i32>} : memref<64x128xf32, #tpu.memory_space<vmem>>, vector<1x16xf32>,
        %parallel_loop3A_197 = vector.shape_cast %parallel_loop3A_196 : vector<1x16xf32> to vector<16xf32>
        %parallel_loop3A_198 = arith.constant 16 : i32
        %parallel_loop3A_199 = arith.addi %parallel_loop3A_174, %parallel_loop3A_198 : i32
        %parallel_loop3A_200 = arith.index_cast %parallel_loop3A_170 : i32 to index
        %parallel_loop3A_201 = arith.index_cast %parallel_loop3A_199 : i32 to index
        %parallel_loop3A_202 = tpu.vector_load %arg16[%parallel_loop3A_200, %parallel_loop3A_201] {strides = array<i32>} : memref<8x1024xf32, #tpu.memory_space<vmem>>, vector<1x16xf32>,
        %parallel_loop3A_203 = vector.shape_cast %parallel_loop3A_202 : vector<1x16xf32> to vector<16xf32>
        %parallel_loop3A_204 = arith.addf %parallel_loop3A_197, %parallel_loop3A_203 : vector<16xf32>
        %parallel_loop3A_205 = arith.constant 0.000000e+00 : f32
        %parallel_loop3A_206 = vector.broadcast %parallel_loop3A_205 : f32 to vector<16xf32>
        %parallel_loop3A_207 = arith.maximumf %parallel_loop3A_204, %parallel_loop3A_206 : vector<16xf32>
        %parallel_loop3A_208 = arith.index_cast %parallel_loop3A_168 : i32 to index
        %parallel_loop3A_209 = arith.constant 16 : index
        %parallel_loop3A_210 = tpu.vector_load %arg14[%parallel_loop3A_208, %parallel_loop3A_209] {strides = array<i32>} : memref<64x128xf32, #tpu.memory_space<vmem>>, vector<1x16xf32>,
        %parallel_loop3A_211 = vector.shape_cast %parallel_loop3A_210 : vector<1x16xf32> to vector<16xf32>
        %parallel_loop3A_212 = vector.shape_cast %parallel_loop3A_207 : vector<16xf32> to vector<1x16xf32>
        tpu.vector_store %arg14[%parallel_loop3A_208, %parallel_loop3A_209], %parallel_loop3A_212 {strides = array<i32>} : memref<64x128xf32, #tpu.memory_space<vmem>>, vector<1x16xf32>,
        %parallel_loop3A_213 = arith.index_cast %parallel_loop3A_168 : i32 to index
        %parallel_loop3A_214 = arith.constant 32 : index
        %parallel_loop3A_215 = tpu.vector_load %arg14[%parallel_loop3A_213, %parallel_loop3A_214] {strides = array<i32>} : memref<64x128xf32, #tpu.memory_space<vmem>>, vector<1x16xf32>,
        %parallel_loop3A_216 = vector.shape_cast %parallel_loop3A_215 : vector<1x16xf32> to vector<16xf32>
        %parallel_loop3A_217 = arith.constant 32 : i32
        %parallel_loop3A_218 = arith.addi %parallel_loop3A_174, %parallel_loop3A_217 : i32
        %parallel_loop3A_219 = arith.index_cast %parallel_loop3A_170 : i32 to index
        %parallel_loop3A_220 = arith.index_cast %parallel_loop3A_218 : i32 to index
        %parallel_loop3A_221 = tpu.vector_load %arg16[%parallel_loop3A_219, %parallel_loop3A_220] {strides = array<i32>} : memref<8x1024xf32, #tpu.memory_space<vmem>>, vector<1x16xf32>,
        %parallel_loop3A_222 = vector.shape_cast %parallel_loop3A_221 : vector<1x16xf32> to vector<16xf32>
        %parallel_loop3A_223 = arith.addf %parallel_loop3A_216, %parallel_loop3A_222 : vector<16xf32>
        %parallel_loop3A_224 = arith.constant 0.000000e+00 : f32
        %parallel_loop3A_225 = vector.broadcast %parallel_loop3A_224 : f32 to vector<16xf32>
        %parallel_loop3A_226 = arith.maximumf %parallel_loop3A_223, %parallel_loop3A_225 : vector<16xf32>
        %parallel_loop3A_227 = arith.index_cast %parallel_loop3A_168 : i32 to index
        %parallel_loop3A_228 = arith.constant 32 : index
        %parallel_loop3A_229 = tpu.vector_load %arg14[%parallel_loop3A_227, %parallel_loop3A_228] {strides = array<i32>} : memref<64x128xf32, #tpu.memory_space<vmem>>, vector<1x16xf32>,
        %parallel_loop3A_230 = vector.shape_cast %parallel_loop3A_229 : vector<1x16xf32> to vector<16xf32>
        %parallel_loop3A_231 = vector.shape_cast %parallel_loop3A_226 : vector<16xf32> to vector<1x16xf32>
        tpu.vector_store %arg14[%parallel_loop3A_227, %parallel_loop3A_228], %parallel_loop3A_231 {strides = array<i32>} : memref<64x128xf32, #tpu.memory_space<vmem>>, vector<1x16xf32>,
        %parallel_loop3A_232 = arith.index_cast %parallel_loop3A_168 : i32 to index
        %parallel_loop3A_233 = arith.constant 48 : index
        %parallel_loop3A_234 = tpu.vector_load %arg14[%parallel_loop3A_232, %parallel_loop3A_233] {strides = array<i32>} : memref<64x128xf32, #tpu.memory_space<vmem>>, vector<1x16xf32>,
        %parallel_loop3A_235 = vector.shape_cast %parallel_loop3A_234 : vector<1x16xf32> to vector<16xf32>
        %parallel_loop3A_236 = arith.constant 48 : i32
        %parallel_loop3A_237 = arith.addi %parallel_loop3A_174, %parallel_loop3A_236 : i32
        %parallel_loop3A_238 = arith.index_cast %parallel_loop3A_170 : i32 to index
        %parallel_loop3A_239 = arith.index_cast %parallel_loop3A_237 : i32 to index
        %parallel_loop3A_240 = tpu.vector_load %arg16[%parallel_loop3A_238, %parallel_loop3A_239] {strides = array<i32>} : memref<8x1024xf32, #tpu.memory_space<vmem>>, vector<1x16xf32>,
        %parallel_loop3A_241 = vector.shape_cast %parallel_loop3A_240 : vector<1x16xf32> to vector<16xf32>
        %parallel_loop3A_242 = arith.addf %parallel_loop3A_235, %parallel_loop3A_241 : vector<16xf32>
        %parallel_loop3A_243 = arith.constant 0.000000e+00 : f32
        %parallel_loop3A_244 = vector.broadcast %parallel_loop3A_243 : f32 to vector<16xf32>
        %parallel_loop3A_245 = arith.maximumf %parallel_loop3A_242, %parallel_loop3A_244 : vector<16xf32>
        %parallel_loop3A_246 = arith.index_cast %parallel_loop3A_168 : i32 to index
        %parallel_loop3A_247 = arith.constant 48 : index
        %parallel_loop3A_248 = tpu.vector_load %arg14[%parallel_loop3A_246, %parallel_loop3A_247] {strides = array<i32>} : memref<64x128xf32, #tpu.memory_space<vmem>>, vector<1x16xf32>,
        %parallel_loop3A_249 = vector.shape_cast %parallel_loop3A_248 : vector<1x16xf32> to vector<16xf32>
        %parallel_loop3A_250 = vector.shape_cast %parallel_loop3A_245 : vector<16xf32> to vector<1x16xf32>
        tpu.vector_store %arg14[%parallel_loop3A_246, %parallel_loop3A_247], %parallel_loop3A_250 {strides = array<i32>} : memref<64x128xf32, #tpu.memory_space<vmem>>, vector<1x16xf32>,
        %parallel_loop3A_251 = arith.index_cast %parallel_loop3A_168 : i32 to index
        %parallel_loop3A_252 = arith.constant 64 : index
        %parallel_loop3A_253 = tpu.vector_load %arg14[%parallel_loop3A_251, %parallel_loop3A_252] {strides = array<i32>} : memref<64x128xf32, #tpu.memory_space<vmem>>, vector<1x16xf32>,
        %parallel_loop3A_254 = vector.shape_cast %parallel_loop3A_253 : vector<1x16xf32> to vector<16xf32>
        %parallel_loop3A_255 = arith.constant 64 : i32
        %parallel_loop3A_256 = arith.addi %parallel_loop3A_174, %parallel_loop3A_255 : i32
        %parallel_loop3A_257 = arith.index_cast %parallel_loop3A_170 : i32 to index
        %parallel_loop3A_258 = arith.index_cast %parallel_loop3A_256 : i32 to index
        %parallel_loop3A_259 = tpu.vector_load %arg16[%parallel_loop3A_257, %parallel_loop3A_258] {strides = array<i32>} : memref<8x1024xf32, #tpu.memory_space<vmem>>, vector<1x16xf32>,
        %parallel_loop3A_260 = vector.shape_cast %parallel_loop3A_259 : vector<1x16xf32> to vector<16xf32>
        %parallel_loop3A_261 = arith.addf %parallel_loop3A_254, %parallel_loop3A_260 : vector<16xf32>
        %parallel_loop3A_262 = arith.constant 0.000000e+00 : f32
        %parallel_loop3A_263 = vector.broadcast %parallel_loop3A_262 : f32 to vector<16xf32>
        %parallel_loop3A_264 = arith.maximumf %parallel_loop3A_261, %parallel_loop3A_263 : vector<16xf32>
        %parallel_loop3A_265 = arith.index_cast %parallel_loop3A_168 : i32 to index
        %parallel_loop3A_266 = arith.constant 64 : index
        %parallel_loop3A_267 = tpu.vector_load %arg14[%parallel_loop3A_265, %parallel_loop3A_266] {strides = array<i32>} : memref<64x128xf32, #tpu.memory_space<vmem>>, vector<1x16xf32>,
        %parallel_loop3A_268 = vector.shape_cast %parallel_loop3A_267 : vector<1x16xf32> to vector<16xf32>
        %parallel_loop3A_269 = vector.shape_cast %parallel_loop3A_264 : vector<16xf32> to vector<1x16xf32>
        tpu.vector_store %arg14[%parallel_loop3A_265, %parallel_loop3A_266], %parallel_loop3A_269 {strides = array<i32>} : memref<64x128xf32, #tpu.memory_space<vmem>>, vector<1x16xf32>,
        %parallel_loop3A_270 = arith.index_cast %parallel_loop3A_168 : i32 to index
        %parallel_loop3A_271 = arith.constant 80 : index
        %parallel_loop3A_272 = tpu.vector_load %arg14[%parallel_loop3A_270, %parallel_loop3A_271] {strides = array<i32>} : memref<64x128xf32, #tpu.memory_space<vmem>>, vector<1x16xf32>,
        %parallel_loop3A_273 = vector.shape_cast %parallel_loop3A_272 : vector<1x16xf32> to vector<16xf32>
        %parallel_loop3A_274 = arith.constant 80 : i32
        %parallel_loop3A_275 = arith.addi %parallel_loop3A_174, %parallel_loop3A_274 : i32
        %parallel_loop3A_276 = arith.index_cast %parallel_loop3A_170 : i32 to index
        %parallel_loop3A_277 = arith.index_cast %parallel_loop3A_275 : i32 to index
        %parallel_loop3A_278 = tpu.vector_load %arg16[%parallel_loop3A_276, %parallel_loop3A_277] {strides = array<i32>} : memref<8x1024xf32, #tpu.memory_space<vmem>>, vector<1x16xf32>,
        %parallel_loop3A_279 = vector.shape_cast %parallel_loop3A_278 : vector<1x16xf32> to vector<16xf32>
        %parallel_loop3A_280 = arith.addf %parallel_loop3A_273, %parallel_loop3A_279 : vector<16xf32>
        %parallel_loop3A_281 = arith.constant 0.000000e+00 : f32
        %parallel_loop3A_282 = vector.broadcast %parallel_loop3A_281 : f32 to vector<16xf32>
        %parallel_loop3A_283 = arith.maximumf %parallel_loop3A_280, %parallel_loop3A_282 : vector<16xf32>
        %parallel_loop3A_284 = arith.index_cast %parallel_loop3A_168 : i32 to index
        %parallel_loop3A_285 = arith.constant 80 : index
        %parallel_loop3A_286 = tpu.vector_load %arg14[%parallel_loop3A_284, %parallel_loop3A_285] {strides = array<i32>} : memref<64x128xf32, #tpu.memory_space<vmem>>, vector<1x16xf32>,
        %parallel_loop3A_287 = vector.shape_cast %parallel_loop3A_286 : vector<1x16xf32> to vector<16xf32>
        %parallel_loop3A_288 = vector.shape_cast %parallel_loop3A_283 : vector<16xf32> to vector<1x16xf32>
        tpu.vector_store %arg14[%parallel_loop3A_284, %parallel_loop3A_285], %parallel_loop3A_288 {strides = array<i32>} : memref<64x128xf32, #tpu.memory_space<vmem>>, vector<1x16xf32>,
        %parallel_loop3A_289 = arith.index_cast %parallel_loop3A_168 : i32 to index
        %parallel_loop3A_290 = arith.constant 96 : index
        %parallel_loop3A_291 = tpu.vector_load %arg14[%parallel_loop3A_289, %parallel_loop3A_290] {strides = array<i32>} : memref<64x128xf32, #tpu.memory_space<vmem>>, vector<1x16xf32>,
        %parallel_loop3A_292 = vector.shape_cast %parallel_loop3A_291 : vector<1x16xf32> to vector<16xf32>
        %parallel_loop3A_293 = arith.constant 96 : i32
        %parallel_loop3A_294 = arith.addi %parallel_loop3A_174, %parallel_loop3A_293 : i32
        %parallel_loop3A_295 = arith.index_cast %parallel_loop3A_170 : i32 to index
        %parallel_loop3A_296 = arith.index_cast %parallel_loop3A_294 : i32 to index
        %parallel_loop3A_297 = tpu.vector_load %arg16[%parallel_loop3A_295, %parallel_loop3A_296] {strides = array<i32>} : memref<8x1024xf32, #tpu.memory_space<vmem>>, vector<1x16xf32>,
        %parallel_loop3A_298 = vector.shape_cast %parallel_loop3A_297 : vector<1x16xf32> to vector<16xf32>
        %parallel_loop3A_299 = arith.addf %parallel_loop3A_292, %parallel_loop3A_298 : vector<16xf32>
        %parallel_loop3A_300 = arith.constant 0.000000e+00 : f32
        %parallel_loop3A_301 = vector.broadcast %parallel_loop3A_300 : f32 to vector<16xf32>
        %parallel_loop3A_302 = arith.maximumf %parallel_loop3A_299, %parallel_loop3A_301 : vector<16xf32>
        %parallel_loop3A_303 = arith.index_cast %parallel_loop3A_168 : i32 to index
        %parallel_loop3A_304 = arith.constant 96 : index
        %parallel_loop3A_305 = tpu.vector_load %arg14[%parallel_loop3A_303, %parallel_loop3A_304] {strides = array<i32>} : memref<64x128xf32, #tpu.memory_space<vmem>>, vector<1x16xf32>,
        %parallel_loop3A_306 = vector.shape_cast %parallel_loop3A_305 : vector<1x16xf32> to vector<16xf32>
        %parallel_loop3A_307 = vector.shape_cast %parallel_loop3A_302 : vector<16xf32> to vector<1x16xf32>
        tpu.vector_store %arg14[%parallel_loop3A_303, %parallel_loop3A_304], %parallel_loop3A_307 {strides = array<i32>} : memref<64x128xf32, #tpu.memory_space<vmem>>, vector<1x16xf32>,
        %parallel_loop3A_308 = arith.index_cast %parallel_loop3A_168 : i32 to index
        %parallel_loop3A_309 = arith.constant 112 : index
        %parallel_loop3A_310 = tpu.vector_load %arg14[%parallel_loop3A_308, %parallel_loop3A_309] {strides = array<i32>} : memref<64x128xf32, #tpu.memory_space<vmem>>, vector<1x16xf32>,
        %parallel_loop3A_311 = vector.shape_cast %parallel_loop3A_310 : vector<1x16xf32> to vector<16xf32>
        %parallel_loop3A_312 = arith.constant 112 : i32
        %parallel_loop3A_313 = arith.addi %parallel_loop3A_174, %parallel_loop3A_312 : i32
        %parallel_loop3A_314 = arith.index_cast %parallel_loop3A_170 : i32 to index
        %parallel_loop3A_315 = arith.index_cast %parallel_loop3A_313 : i32 to index
        %parallel_loop3A_316 = tpu.vector_load %arg16[%parallel_loop3A_314, %parallel_loop3A_315] {strides = array<i32>} : memref<8x1024xf32, #tpu.memory_space<vmem>>, vector<1x16xf32>,
        %parallel_loop3A_317 = vector.shape_cast %parallel_loop3A_316 : vector<1x16xf32> to vector<16xf32>
        %parallel_loop3A_318 = arith.addf %parallel_loop3A_311, %parallel_loop3A_317 : vector<16xf32>
        %parallel_loop3A_319 = arith.constant 0.000000e+00 : f32
        %parallel_loop3A_320 = vector.broadcast %parallel_loop3A_319 : f32 to vector<16xf32>
        %parallel_loop3A_321 = arith.maximumf %parallel_loop3A_318, %parallel_loop3A_320 : vector<16xf32>
        %parallel_loop3A_322 = arith.index_cast %parallel_loop3A_168 : i32 to index
        %parallel_loop3A_323 = arith.constant 112 : index
        %parallel_loop3A_324 = tpu.vector_load %arg14[%parallel_loop3A_322, %parallel_loop3A_323] {strides = array<i32>} : memref<64x128xf32, #tpu.memory_space<vmem>>, vector<1x16xf32>,
        %parallel_loop3A_325 = vector.shape_cast %parallel_loop3A_324 : vector<1x16xf32> to vector<16xf32>
        %parallel_loop3A_326 = vector.shape_cast %parallel_loop3A_321 : vector<16xf32> to vector<1x16xf32>
        tpu.vector_store %arg14[%parallel_loop3A_322, %parallel_loop3A_323], %parallel_loop3A_326 {strides = array<i32>} : memref<64x128xf32, #tpu.memory_space<vmem>>, vector<1x16xf32>,
      } {sc.loop_unroll_factor = 4 : i64, sc.parallel_access}
      %dma_start3A_131 = arith.constant 0 : i32
      %dma_start3A_132 = arith.constant 0 : i32
      %dma_start3A_133 = tpu.memref_slice %arg18[%dma_start3A_131, %dma_start3A_132] : memref<10112x128xf32, #tpu.memory_space<vmem_shared>> -> memref<10112x128xf32, #tpu.memory_space<vmem_shared>>
      tpu.enqueue_indirect_dma source(%arg14 : memref<64x128xf32, #tpu.memory_space<vmem>>) target(%dma_start3A_133 : memref<10112x128xf32, #tpu.memory_space<vmem_shared>>) offsets(%arg12 : memref<64xi32, #tpu.memory_space<vmem>>) semaphore(%arg25 : memref<!tpu.dma_semaphore, #tpu.memory_space<semaphore_mem>>) {add = true}
      %convert_element_type3A_134 = arith.extui %lt3A : i1 to i32
      %cond3A_135 = arith.constant 0 : i32
      %cond3A_136 = arith.cmpi ne, %convert_element_type3A_134, %cond3A_135 : i32
      scf.if %cond3A_136 {
        %add3A_168 = arith.constant 2 : i32
        %add3A_169 = arith.addi %add3A_94, %add3A_168 : i32
        %add3A_170 = arith.addi %select_n3A_10, %add3A_169 : i32
        %mul3A_171 = arith.constant 64 : i32
        %mul3A_172 = arith.muli %add3A_170, %mul3A_171 : i32
        %dma_start3A_173 = tpu.memref_slice %arg4[%mul3A_172] : memref<327680xi32, #tpu.memory_space<hbm>> -> memref<64xi32, #tpu.memory_space<hbm>>
        %dma_start3A_174 = tpu.memref_slice %arg4[%mul3A_172] : memref<327680xi32, #tpu.memory_space<hbm>> -> memref<64xi32, #tpu.memory_space<hbm>>
        tpu.enqueue_dma source(%dma_start3A_174 : memref<64xi32, #tpu.memory_space<hbm>>) target(%arg8 : memref<64xi32, #tpu.memory_space<vmem>>) target_semaphore(%arg19 : memref<!tpu.dma_semaphore, #tpu.memory_space<semaphore_mem>>)
        %dma_start3A_175 = tpu.memref_slice %arg5[%mul3A_172] : memref<327680xi32, #tpu.memory_space<hbm>> -> memref<64xi32, #tpu.memory_space<hbm>>
        %dma_start3A_176 = tpu.memref_slice %arg5[%mul3A_172] : memref<327680xi32, #tpu.memory_space<hbm>> -> memref<64xi32, #tpu.memory_space<hbm>>
        tpu.enqueue_dma source(%dma_start3A_176 : memref<64xi32, #tpu.memory_space<hbm>>) target(%arg10 : memref<64xi32, #tpu.memory_space<vmem>>) target_semaphore(%arg19 : memref<!tpu.dma_semaphore, #tpu.memory_space<semaphore_mem>>)
      } else {
      }
      %mul3A_137 = arith.constant 2 : i32
      %mul3A_138 = arith.muli %mul3A_137, %add3A_88 : i32
      %add3A_139 = arith.constant 1 : i32
      %add3A_140 = arith.addi %mul3A_138, %add3A_139 : i32
      %dma_wait3A_141 = arith.constant 0 : i32
      %dma_wait3A_142 = arith.constant 0 : i32
      %dma_wait3A_143 = tpu.memref_slice %arg18[%dma_wait3A_141, %dma_wait3A_142] : memref<10112x128xf32, #tpu.memory_space<vmem_shared>> -> memref<10112x128xf32, #tpu.memory_space<vmem_shared>>
      tpu.wait_indirect_dma semaphore(%arg25 : memref<!tpu.dma_semaphore, #tpu.memory_space<semaphore_mem>>) src(%arg14 : memref<64x128xf32, #tpu.memory_space<vmem>>) dst(%dma_wait3A_143 : memref<10112x128xf32, #tpu.memory_space<vmem_shared>>)
      %convert_element_type3A_144 = arith.extui %lt3A : i1 to i32
      %cond3A_145 = arith.constant 0 : i32
      %cond3A_146 = arith.cmpi ne, %convert_element_type3A_144, %cond3A_145 : i32
      scf.if %cond3A_146 {
        %dma_wait3A_168 = arith.constant 0 : i32
        %dma_wait3A_169 = tpu.memref_slice %arg4[%dma_wait3A_168] : memref<327680xi32, #tpu.memory_space<hbm>> -> memref<64xi32, #tpu.memory_space<hbm>>
        %dma_wait3A_170 = arith.constant 0 : i32
        %dma_wait3A_171 = tpu.memref_slice %arg4[%dma_wait3A_170] : memref<327680xi32, #tpu.memory_space<hbm>> -> memref<64xi32, #tpu.memory_space<hbm>>
        tpu.wait_dma2 semaphore(%arg19 : memref<!tpu.dma_semaphore, #tpu.memory_space<semaphore_mem>>) src(%dma_wait3A_171 : memref<64xi32, #tpu.memory_space<hbm>>) dst(%arg8 : memref<64xi32, #tpu.memory_space<vmem>>)
        %dma_wait3A_172 = arith.constant 0 : i32
        %dma_wait3A_173 = tpu.memref_slice %arg5[%dma_wait3A_172] : memref<327680xi32, #tpu.memory_space<hbm>> -> memref<64xi32, #tpu.memory_space<hbm>>
        %dma_wait3A_174 = arith.constant 0 : i32
        %dma_wait3A_175 = tpu.memref_slice %arg5[%dma_wait3A_174] : memref<327680xi32, #tpu.memory_space<hbm>> -> memref<64xi32, #tpu.memory_space<hbm>>
        tpu.wait_dma2 semaphore(%arg19 : memref<!tpu.dma_semaphore, #tpu.memory_space<semaphore_mem>>) src(%dma_wait3A_175 : memref<64xi32, #tpu.memory_space<hbm>>) dst(%arg10 : memref<64xi32, #tpu.memory_space<vmem>>)
        %add3A_176 = arith.constant 1 : i32
        %add3A_177 = arith.addi %add3A_140, %add3A_176 : i32
        %add3A_178 = arith.addi %select_n3A_10, %add3A_177 : i32
        %mul3A_179 = arith.constant 8 : i32
        %mul3A_180 = arith.muli %add3A_178, %mul3A_179 : i32
        %dma_start3A_181 = arith.constant 0 : i32
        %dma_start3A_182 = tpu.memref_slice %arg3[%mul3A_180, %dma_start3A_181] : memref<40960x1024xf32, #tpu.memory_space<hbm>> -> memref<8x1024xf32, #tpu.memory_space<hbm>>
        %dma_start3A_183 = arith.constant 0 : i32
        %dma_start3A_184 = tpu.memref_slice %arg3[%mul3A_180, %dma_start3A_183] : memref<40960x1024xf32, #tpu.memory_space<hbm>> -> memref<8x1024xf32, #tpu.memory_space<hbm>>
        tpu.enqueue_dma source(%dma_start3A_184 : memref<8x1024xf32, #tpu.memory_space<hbm>>) target(%arg16 : memref<8x1024xf32, #tpu.memory_space<vmem>>) target_semaphore(%arg23 : memref<!tpu.dma_semaphore, #tpu.memory_space<semaphore_mem>>)
        %dma_start3A_185 = arith.constant 0 : i32
        %dma_start3A_186 = arith.constant 0 : i32
        %dma_start3A_187 = tpu.memref_slice %arg2[%dma_start3A_185, %dma_start3A_186] : memref<10000x128xf32, #tpu.memory_space<hbm>> -> memref<10000x128xf32, #tpu.memory_space<hbm>>
        tpu.enqueue_indirect_dma source(%dma_start3A_187 : memref<10000x128xf32, #tpu.memory_space<hbm>>) target(%arg14 : memref<64x128xf32, #tpu.memory_space<vmem>>) offsets(%arg8 : memref<64xi32, #tpu.memory_space<vmem>>) semaphore(%arg21 : memref<!tpu.dma_semaphore, #tpu.memory_space<semaphore_mem>>)
      } else {
      }
      %dma_wait3A_147 = arith.constant 0 : i32
      %dma_wait3A_148 = arith.constant 0 : i32
      %dma_wait3A_149 = tpu.memref_slice %arg3[%dma_wait3A_147, %dma_wait3A_148] : memref<40960x1024xf32, #tpu.memory_space<hbm>> -> memref<8x1024xf32, #tpu.memory_space<hbm>>
      %dma_wait3A_150 = arith.constant 0 : i32
      %dma_wait3A_151 = arith.constant 0 : i32
      %dma_wait3A_152 = tpu.memref_slice %arg3[%dma_wait3A_150, %dma_wait3A_151] : memref<40960x1024xf32, #tpu.memory_space<hbm>> -> memref<8x1024xf32, #tpu.memory_space<hbm>>
      tpu.wait_dma2 semaphore(%arg24 : memref<!tpu.dma_semaphore, #tpu.memory_space<semaphore_mem>>) src(%dma_wait3A_152 : memref<8x1024xf32, #tpu.memory_space<hbm>>) dst(%arg17 : memref<8x1024xf32, #tpu.memory_space<vmem>>)
      %dma_wait3A_153 = arith.constant 0 : i32
      %dma_wait3A_154 = arith.constant 0 : i32
      %dma_wait3A_155 = tpu.memref_slice %arg2[%dma_wait3A_153, %dma_wait3A_154] : memref<10000x128xf32, #tpu.memory_space<hbm>> -> memref<10000x128xf32, #tpu.memory_space<hbm>>
      tpu.wait_indirect_dma semaphore(%arg22 : memref<!tpu.dma_semaphore, #tpu.memory_space<semaphore_mem>>) src(%dma_wait3A_155 : memref<10000x128xf32, #tpu.memory_space<hbm>>) dst(%arg15 : memref<64x128xf32, #tpu.memory_space<vmem>>)
      %parallel_loop3A_156 = arith.constant 0 : i32
      %parallel_loop3A_157 = arith.constant 4 : i32
      %parallel_loop3A_158 = arith.constant 1 : i32
      scf.for %parallel_loop3A_168 = %parallel_loop3A_156 to %parallel_loop3A_157 step %parallel_loop3A_158  : i32 {
        %parallel_loop3A_169 = arith.constant 16 : i32
        %parallel_loop3A_170 = arith.muli %parallel_loop3A_168, %parallel_loop3A_169 : i32
        %parallel_loop3A_171 = arith.index_cast %parallel_loop3A_170 : i32 to index
        %parallel_loop3A_172 = tpu.vector_load %arg11[%parallel_loop3A_171] {strides = array<i32>} : memref<64xi32, #tpu.memory_space<vmem>>, vector<16xi32>,
        %parallel_loop3A_173 = vector.shape_cast %parallel_loop3A_172 : vector<16xi32> to vector<16xi32>
        %parallel_loop3A_174 = arith.index_cast %parallel_loop3A_170 : i32 to index
        %parallel_loop3A_175 = tpu.vector_load %arg13[%parallel_loop3A_174] {strides = array<i32>} : memref<64xi32, #tpu.memory_space<vmem>>, vector<16xi32>,
        %parallel_loop3A_176 = vector.shape_cast %parallel_loop3A_175 : vector<16xi32> to vector<16xi32>
        %parallel_loop3A_177 = vector.shape_cast %parallel_loop3A_173 : vector<16xi32> to vector<16xi32>
        tpu.vector_store %arg13[%parallel_loop3A_174], %parallel_loop3A_177 {strides = array<i32>} : memref<64xi32, #tpu.memory_space<vmem>>, vector<16xi32>,
      } {sc.loop_unroll_factor = 2 : i64, sc.parallel_access}
      %parallel_loop3A_159 = arith.constant 0 : i32
      %parallel_loop3A_160 = arith.constant 64 : i32
      %parallel_loop3A_161 = arith.constant 1 : i32
      scf.for %parallel_loop3A_168 = %parallel_loop3A_159 to %parallel_loop3A_160 step %parallel_loop3A_161  : i32 {
        %parallel_loop3A_169 = arith.constant 3 : i32
        %parallel_loop3A_170 = arith.shrsi %parallel_loop3A_168, %parallel_loop3A_169 : i32
        %parallel_loop3A_171 = arith.constant 7 : i32
        %parallel_loop3A_172 = arith.andi %parallel_loop3A_168, %parallel_loop3A_171 : i32
        %parallel_loop3A_173 = arith.constant 128 : i32
        %parallel_loop3A_174 = arith.muli %parallel_loop3A_172, %parallel_loop3A_173 : i32
        %parallel_loop3A_175 = arith.index_cast %parallel_loop3A_168 : i32 to index
        %parallel_loop3A_176 = arith.constant 0 : index
        %parallel_loop3A_177 = tpu.vector_load %arg15[%parallel_loop3A_175, %parallel_loop3A_176] {strides = array<i32>} : memref<64x128xf32, #tpu.memory_space<vmem>>, vector<1x16xf32>,
        %parallel_loop3A_178 = vector.shape_cast %parallel_loop3A_177 : vector<1x16xf32> to vector<16xf32>
        %parallel_loop3A_179 = arith.constant 0 : i32
        %parallel_loop3A_180 = arith.addi %parallel_loop3A_174, %parallel_loop3A_179 : i32
        %parallel_loop3A_181 = arith.index_cast %parallel_loop3A_170 : i32 to index
        %parallel_loop3A_182 = arith.index_cast %parallel_loop3A_180 : i32 to index
        %parallel_loop3A_183 = tpu.vector_load %arg17[%parallel_loop3A_181, %parallel_loop3A_182] {strides = array<i32>} : memref<8x1024xf32, #tpu.memory_space<vmem>>, vector<1x16xf32>,
        %parallel_loop3A_184 = vector.shape_cast %parallel_loop3A_183 : vector<1x16xf32> to vector<16xf32>
        %parallel_loop3A_185 = arith.addf %parallel_loop3A_178, %parallel_loop3A_184 : vector<16xf32>
        %parallel_loop3A_186 = arith.constant 0.000000e+00 : f32
        %parallel_loop3A_187 = vector.broadcast %parallel_loop3A_186 : f32 to vector<16xf32>
        %parallel_loop3A_188 = arith.maximumf %parallel_loop3A_185, %parallel_loop3A_187 : vector<16xf32>
        %parallel_loop3A_189 = arith.index_cast %parallel_loop3A_168 : i32 to index
        %parallel_loop3A_190 = arith.constant 0 : index
        %parallel_loop3A_191 = tpu.vector_load %arg15[%parallel_loop3A_189, %parallel_loop3A_190] {strides = array<i32>} : memref<64x128xf32, #tpu.memory_space<vmem>>, vector<1x16xf32>,
        %parallel_loop3A_192 = vector.shape_cast %parallel_loop3A_191 : vector<1x16xf32> to vector<16xf32>
        %parallel_loop3A_193 = vector.shape_cast %parallel_loop3A_188 : vector<16xf32> to vector<1x16xf32>
        tpu.vector_store %arg15[%parallel_loop3A_189, %parallel_loop3A_190], %parallel_loop3A_193 {strides = array<i32>} : memref<64x128xf32, #tpu.memory_space<vmem>>, vector<1x16xf32>,
        %parallel_loop3A_194 = arith.index_cast %parallel_loop3A_168 : i32 to index
        %parallel_loop3A_195 = arith.constant 16 : index
        %parallel_loop3A_196 = tpu.vector_load %arg15[%parallel_loop3A_194, %parallel_loop3A_195] {strides = array<i32>} : memref<64x128xf32, #tpu.memory_space<vmem>>, vector<1x16xf32>,
        %parallel_loop3A_197 = vector.shape_cast %parallel_loop3A_196 : vector<1x16xf32> to vector<16xf32>
        %parallel_loop3A_198 = arith.constant 16 : i32
        %parallel_loop3A_199 = arith.addi %parallel_loop3A_174, %parallel_loop3A_198 : i32
        %parallel_loop3A_200 = arith.index_cast %parallel_loop3A_170 : i32 to index
        %parallel_loop3A_201 = arith.index_cast %parallel_loop3A_199 : i32 to index
        %parallel_loop3A_202 = tpu.vector_load %arg17[%parallel_loop3A_200, %parallel_loop3A_201] {strides = array<i32>} : memref<8x1024xf32, #tpu.memory_space<vmem>>, vector<1x16xf32>,
        %parallel_loop3A_203 = vector.shape_cast %parallel_loop3A_202 : vector<1x16xf32> to vector<16xf32>
        %parallel_loop3A_204 = arith.addf %parallel_loop3A_197, %parallel_loop3A_203 : vector<16xf32>
        %parallel_loop3A_205 = arith.constant 0.000000e+00 : f32
        %parallel_loop3A_206 = vector.broadcast %parallel_loop3A_205 : f32 to vector<16xf32>
        %parallel_loop3A_207 = arith.maximumf %parallel_loop3A_204, %parallel_loop3A_206 : vector<16xf32>
        %parallel_loop3A_208 = arith.index_cast %parallel_loop3A_168 : i32 to index
        %parallel_loop3A_209 = arith.constant 16 : index
        %parallel_loop3A_210 = tpu.vector_load %arg15[%parallel_loop3A_208, %parallel_loop3A_209] {strides = array<i32>} : memref<64x128xf32, #tpu.memory_space<vmem>>, vector<1x16xf32>,
        %parallel_loop3A_211 = vector.shape_cast %parallel_loop3A_210 : vector<1x16xf32> to vector<16xf32>
        %parallel_loop3A_212 = vector.shape_cast %parallel_loop3A_207 : vector<16xf32> to vector<1x16xf32>
        tpu.vector_store %arg15[%parallel_loop3A_208, %parallel_loop3A_209], %parallel_loop3A_212 {strides = array<i32>} : memref<64x128xf32, #tpu.memory_space<vmem>>, vector<1x16xf32>,
        %parallel_loop3A_213 = arith.index_cast %parallel_loop3A_168 : i32 to index
        %parallel_loop3A_214 = arith.constant 32 : index
        %parallel_loop3A_215 = tpu.vector_load %arg15[%parallel_loop3A_213, %parallel_loop3A_214] {strides = array<i32>} : memref<64x128xf32, #tpu.memory_space<vmem>>, vector<1x16xf32>,
        %parallel_loop3A_216 = vector.shape_cast %parallel_loop3A_215 : vector<1x16xf32> to vector<16xf32>
        %parallel_loop3A_217 = arith.constant 32 : i32
        %parallel_loop3A_218 = arith.addi %parallel_loop3A_174, %parallel_loop3A_217 : i32
        %parallel_loop3A_219 = arith.index_cast %parallel_loop3A_170 : i32 to index
        %parallel_loop3A_220 = arith.index_cast %parallel_loop3A_218 : i32 to index
        %parallel_loop3A_221 = tpu.vector_load %arg17[%parallel_loop3A_219, %parallel_loop3A_220] {strides = array<i32>} : memref<8x1024xf32, #tpu.memory_space<vmem>>, vector<1x16xf32>,
        %parallel_loop3A_222 = vector.shape_cast %parallel_loop3A_221 : vector<1x16xf32> to vector<16xf32>
        %parallel_loop3A_223 = arith.addf %parallel_loop3A_216, %parallel_loop3A_222 : vector<16xf32>
        %parallel_loop3A_224 = arith.constant 0.000000e+00 : f32
        %parallel_loop3A_225 = vector.broadcast %parallel_loop3A_224 : f32 to vector<16xf32>
        %parallel_loop3A_226 = arith.maximumf %parallel_loop3A_223, %parallel_loop3A_225 : vector<16xf32>
        %parallel_loop3A_227 = arith.index_cast %parallel_loop3A_168 : i32 to index
        %parallel_loop3A_228 = arith.constant 32 : index
        %parallel_loop3A_229 = tpu.vector_load %arg15[%parallel_loop3A_227, %parallel_loop3A_228] {strides = array<i32>} : memref<64x128xf32, #tpu.memory_space<vmem>>, vector<1x16xf32>,
        %parallel_loop3A_230 = vector.shape_cast %parallel_loop3A_229 : vector<1x16xf32> to vector<16xf32>
        %parallel_loop3A_231 = vector.shape_cast %parallel_loop3A_226 : vector<16xf32> to vector<1x16xf32>
        tpu.vector_store %arg15[%parallel_loop3A_227, %parallel_loop3A_228], %parallel_loop3A_231 {strides = array<i32>} : memref<64x128xf32, #tpu.memory_space<vmem>>, vector<1x16xf32>,
        %parallel_loop3A_232 = arith.index_cast %parallel_loop3A_168 : i32 to index
        %parallel_loop3A_233 = arith.constant 48 : index
        %parallel_loop3A_234 = tpu.vector_load %arg15[%parallel_loop3A_232, %parallel_loop3A_233] {strides = array<i32>} : memref<64x128xf32, #tpu.memory_space<vmem>>, vector<1x16xf32>,
        %parallel_loop3A_235 = vector.shape_cast %parallel_loop3A_234 : vector<1x16xf32> to vector<16xf32>
        %parallel_loop3A_236 = arith.constant 48 : i32
        %parallel_loop3A_237 = arith.addi %parallel_loop3A_174, %parallel_loop3A_236 : i32
        %parallel_loop3A_238 = arith.index_cast %parallel_loop3A_170 : i32 to index
        %parallel_loop3A_239 = arith.index_cast %parallel_loop3A_237 : i32 to index
        %parallel_loop3A_240 = tpu.vector_load %arg17[%parallel_loop3A_238, %parallel_loop3A_239] {strides = array<i32>} : memref<8x1024xf32, #tpu.memory_space<vmem>>, vector<1x16xf32>,
        %parallel_loop3A_241 = vector.shape_cast %parallel_loop3A_240 : vector<1x16xf32> to vector<16xf32>
        %parallel_loop3A_242 = arith.addf %parallel_loop3A_235, %parallel_loop3A_241 : vector<16xf32>
        %parallel_loop3A_243 = arith.constant 0.000000e+00 : f32
        %parallel_loop3A_244 = vector.broadcast %parallel_loop3A_243 : f32 to vector<16xf32>
        %parallel_loop3A_245 = arith.maximumf %parallel_loop3A_242, %parallel_loop3A_244 : vector<16xf32>
        %parallel_loop3A_246 = arith.index_cast %parallel_loop3A_168 : i32 to index
        %parallel_loop3A_247 = arith.constant 48 : index
        %parallel_loop3A_248 = tpu.vector_load %arg15[%parallel_loop3A_246, %parallel_loop3A_247] {strides = array<i32>} : memref<64x128xf32, #tpu.memory_space<vmem>>, vector<1x16xf32>,
        %parallel_loop3A_249 = vector.shape_cast %parallel_loop3A_248 : vector<1x16xf32> to vector<16xf32>
        %parallel_loop3A_250 = vector.shape_cast %parallel_loop3A_245 : vector<16xf32> to vector<1x16xf32>
        tpu.vector_store %arg15[%parallel_loop3A_246, %parallel_loop3A_247], %parallel_loop3A_250 {strides = array<i32>} : memref<64x128xf32, #tpu.memory_space<vmem>>, vector<1x16xf32>,
        %parallel_loop3A_251 = arith.index_cast %parallel_loop3A_168 : i32 to index
        %parallel_loop3A_252 = arith.constant 64 : index
        %parallel_loop3A_253 = tpu.vector_load %arg15[%parallel_loop3A_251, %parallel_loop3A_252] {strides = array<i32>} : memref<64x128xf32, #tpu.memory_space<vmem>>, vector<1x16xf32>,
        %parallel_loop3A_254 = vector.shape_cast %parallel_loop3A_253 : vector<1x16xf32> to vector<16xf32>
        %parallel_loop3A_255 = arith.constant 64 : i32
        %parallel_loop3A_256 = arith.addi %parallel_loop3A_174, %parallel_loop3A_255 : i32
        %parallel_loop3A_257 = arith.index_cast %parallel_loop3A_170 : i32 to index
        %parallel_loop3A_258 = arith.index_cast %parallel_loop3A_256 : i32 to index
        %parallel_loop3A_259 = tpu.vector_load %arg17[%parallel_loop3A_257, %parallel_loop3A_258] {strides = array<i32>} : memref<8x1024xf32, #tpu.memory_space<vmem>>, vector<1x16xf32>,
        %parallel_loop3A_260 = vector.shape_cast %parallel_loop3A_259 : vector<1x16xf32> to vector<16xf32>
        %parallel_loop3A_261 = arith.addf %parallel_loop3A_254, %parallel_loop3A_260 : vector<16xf32>
        %parallel_loop3A_262 = arith.constant 0.000000e+00 : f32
        %parallel_loop3A_263 = vector.broadcast %parallel_loop3A_262 : f32 to vector<16xf32>
        %parallel_loop3A_264 = arith.maximumf %parallel_loop3A_261, %parallel_loop3A_263 : vector<16xf32>
        %parallel_loop3A_265 = arith.index_cast %parallel_loop3A_168 : i32 to index
        %parallel_loop3A_266 = arith.constant 64 : index
        %parallel_loop3A_267 = tpu.vector_load %arg15[%parallel_loop3A_265, %parallel_loop3A_266] {strides = array<i32>} : memref<64x128xf32, #tpu.memory_space<vmem>>, vector<1x16xf32>,
        %parallel_loop3A_268 = vector.shape_cast %parallel_loop3A_267 : vector<1x16xf32> to vector<16xf32>
        %parallel_loop3A_269 = vector.shape_cast %parallel_loop3A_264 : vector<16xf32> to vector<1x16xf32>
        tpu.vector_store %arg15[%parallel_loop3A_265, %parallel_loop3A_266], %parallel_loop3A_269 {strides = array<i32>} : memref<64x128xf32, #tpu.memory_space<vmem>>, vector<1x16xf32>,
        %parallel_loop3A_270 = arith.index_cast %parallel_loop3A_168 : i32 to index
        %parallel_loop3A_271 = arith.constant 80 : index
        %parallel_loop3A_272 = tpu.vector_load %arg15[%parallel_loop3A_270, %parallel_loop3A_271] {strides = array<i32>} : memref<64x128xf32, #tpu.memory_space<vmem>>, vector<1x16xf32>,
        %parallel_loop3A_273 = vector.shape_cast %parallel_loop3A_272 : vector<1x16xf32> to vector<16xf32>
        %parallel_loop3A_274 = arith.constant 80 : i32
        %parallel_loop3A_275 = arith.addi %parallel_loop3A_174, %parallel_loop3A_274 : i32
        %parallel_loop3A_276 = arith.index_cast %parallel_loop3A_170 : i32 to index
        %parallel_loop3A_277 = arith.index_cast %parallel_loop3A_275 : i32 to index
        %parallel_loop3A_278 = tpu.vector_load %arg17[%parallel_loop3A_276, %parallel_loop3A_277] {strides = array<i32>} : memref<8x1024xf32, #tpu.memory_space<vmem>>, vector<1x16xf32>,
        %parallel_loop3A_279 = vector.shape_cast %parallel_loop3A_278 : vector<1x16xf32> to vector<16xf32>
        %parallel_loop3A_280 = arith.addf %parallel_loop3A_273, %parallel_loop3A_279 : vector<16xf32>
        %parallel_loop3A_281 = arith.constant 0.000000e+00 : f32
        %parallel_loop3A_282 = vector.broadcast %parallel_loop3A_281 : f32 to vector<16xf32>
        %parallel_loop3A_283 = arith.maximumf %parallel_loop3A_280, %parallel_loop3A_282 : vector<16xf32>
        %parallel_loop3A_284 = arith.index_cast %parallel_loop3A_168 : i32 to index
        %parallel_loop3A_285 = arith.constant 80 : index
        %parallel_loop3A_286 = tpu.vector_load %arg15[%parallel_loop3A_284, %parallel_loop3A_285] {strides = array<i32>} : memref<64x128xf32, #tpu.memory_space<vmem>>, vector<1x16xf32>,
        %parallel_loop3A_287 = vector.shape_cast %parallel_loop3A_286 : vector<1x16xf32> to vector<16xf32>
        %parallel_loop3A_288 = vector.shape_cast %parallel_loop3A_283 : vector<16xf32> to vector<1x16xf32>
        tpu.vector_store %arg15[%parallel_loop3A_284, %parallel_loop3A_285], %parallel_loop3A_288 {strides = array<i32>} : memref<64x128xf32, #tpu.memory_space<vmem>>, vector<1x16xf32>,
        %parallel_loop3A_289 = arith.index_cast %parallel_loop3A_168 : i32 to index
        %parallel_loop3A_290 = arith.constant 96 : index
        %parallel_loop3A_291 = tpu.vector_load %arg15[%parallel_loop3A_289, %parallel_loop3A_290] {strides = array<i32>} : memref<64x128xf32, #tpu.memory_space<vmem>>, vector<1x16xf32>,
        %parallel_loop3A_292 = vector.shape_cast %parallel_loop3A_291 : vector<1x16xf32> to vector<16xf32>
        %parallel_loop3A_293 = arith.constant 96 : i32
        %parallel_loop3A_294 = arith.addi %parallel_loop3A_174, %parallel_loop3A_293 : i32
        %parallel_loop3A_295 = arith.index_cast %parallel_loop3A_170 : i32 to index
        %parallel_loop3A_296 = arith.index_cast %parallel_loop3A_294 : i32 to index
        %parallel_loop3A_297 = tpu.vector_load %arg17[%parallel_loop3A_295, %parallel_loop3A_296] {strides = array<i32>} : memref<8x1024xf32, #tpu.memory_space<vmem>>, vector<1x16xf32>,
        %parallel_loop3A_298 = vector.shape_cast %parallel_loop3A_297 : vector<1x16xf32> to vector<16xf32>
        %parallel_loop3A_299 = arith.addf %parallel_loop3A_292, %parallel_loop3A_298 : vector<16xf32>
        %parallel_loop3A_300 = arith.constant 0.000000e+00 : f32
        %parallel_loop3A_301 = vector.broadcast %parallel_loop3A_300 : f32 to vector<16xf32>
        %parallel_loop3A_302 = arith.maximumf %parallel_loop3A_299, %parallel_loop3A_301 : vector<16xf32>
        %parallel_loop3A_303 = arith.index_cast %parallel_loop3A_168 : i32 to index
        %parallel_loop3A_304 = arith.constant 96 : index
        %parallel_loop3A_305 = tpu.vector_load %arg15[%parallel_loop3A_303, %parallel_loop3A_304] {strides = array<i32>} : memref<64x128xf32, #tpu.memory_space<vmem>>, vector<1x16xf32>,
        %parallel_loop3A_306 = vector.shape_cast %parallel_loop3A_305 : vector<1x16xf32> to vector<16xf32>
        %parallel_loop3A_307 = vector.shape_cast %parallel_loop3A_302 : vector<16xf32> to vector<1x16xf32>
        tpu.vector_store %arg15[%parallel_loop3A_303, %parallel_loop3A_304], %parallel_loop3A_307 {strides = array<i32>} : memref<64x128xf32, #tpu.memory_space<vmem>>, vector<1x16xf32>,
        %parallel_loop3A_308 = arith.index_cast %parallel_loop3A_168 : i32 to index
        %parallel_loop3A_309 = arith.constant 112 : index
        %parallel_loop3A_310 = tpu.vector_load %arg15[%parallel_loop3A_308, %parallel_loop3A_309] {strides = array<i32>} : memref<64x128xf32, #tpu.memory_space<vmem>>, vector<1x16xf32>,
        %parallel_loop3A_311 = vector.shape_cast %parallel_loop3A_310 : vector<1x16xf32> to vector<16xf32>
        %parallel_loop3A_312 = arith.constant 112 : i32
        %parallel_loop3A_313 = arith.addi %parallel_loop3A_174, %parallel_loop3A_312 : i32
        %parallel_loop3A_314 = arith.index_cast %parallel_loop3A_170 : i32 to index
        %parallel_loop3A_315 = arith.index_cast %parallel_loop3A_313 : i32 to index
        %parallel_loop3A_316 = tpu.vector_load %arg17[%parallel_loop3A_314, %parallel_loop3A_315] {strides = array<i32>} : memref<8x1024xf32, #tpu.memory_space<vmem>>, vector<1x16xf32>,
        %parallel_loop3A_317 = vector.shape_cast %parallel_loop3A_316 : vector<1x16xf32> to vector<16xf32>
        %parallel_loop3A_318 = arith.addf %parallel_loop3A_311, %parallel_loop3A_317 : vector<16xf32>
        %parallel_loop3A_319 = arith.constant 0.000000e+00 : f32
        %parallel_loop3A_320 = vector.broadcast %parallel_loop3A_319 : f32 to vector<16xf32>
        %parallel_loop3A_321 = arith.maximumf %parallel_loop3A_318, %parallel_loop3A_320 : vector<16xf32>
        %parallel_loop3A_322 = arith.index_cast %parallel_loop3A_168 : i32 to index
        %parallel_loop3A_323 = arith.constant 112 : index
        %parallel_loop3A_324 = tpu.vector_load %arg15[%parallel_loop3A_322, %parallel_loop3A_323] {strides = array<i32>} : memref<64x128xf32, #tpu.memory_space<vmem>>, vector<1x16xf32>,
        %parallel_loop3A_325 = vector.shape_cast %parallel_loop3A_324 : vector<1x16xf32> to vector<16xf32>
        %parallel_loop3A_326 = vector.shape_cast %parallel_loop3A_321 : vector<16xf32> to vector<1x16xf32>
        tpu.vector_store %arg15[%parallel_loop3A_322, %parallel_loop3A_323], %parallel_loop3A_326 {strides = array<i32>} : memref<64x128xf32, #tpu.memory_space<vmem>>, vector<1x16xf32>,
      } {sc.loop_unroll_factor = 4 : i64, sc.parallel_access}
      %dma_start3A_162 = arith.constant 0 : i32
      %dma_start3A_163 = arith.constant 0 : i32
      %dma_start3A_164 = tpu.memref_slice %arg18[%dma_start3A_162, %dma_start3A_163] : memref<10112x128xf32, #tpu.memory_space<vmem_shared>> -> memref<10112x128xf32, #tpu.memory_space<vmem_shared>>
      tpu.enqueue_indirect_dma source(%arg15 : memref<64x128xf32, #tpu.memory_space<vmem>>) target(%dma_start3A_164 : memref<10112x128xf32, #tpu.memory_space<vmem_shared>>) offsets(%arg13 : memref<64xi32, #tpu.memory_space<vmem>>) semaphore(%arg26 : memref<!tpu.dma_semaphore, #tpu.memory_space<semaphore_mem>>) {add = true}
      %convert_element_type3A_165 = arith.extui %lt3A : i1 to i32
      %cond3A_166 = arith.constant 0 : i32
      %cond3A_167 = arith.cmpi ne, %convert_element_type3A_165, %cond3A_166 : i32
      scf.if %cond3A_167 {
        %add3A_168 = arith.constant 2 : i32
        %add3A_169 = arith.addi %add3A_140, %add3A_168 : i32
        %add3A_170 = arith.addi %select_n3A_10, %add3A_169 : i32
        %mul3A_171 = arith.constant 64 : i32
        %mul3A_172 = arith.muli %add3A_170, %mul3A_171 : i32
        %dma_start3A_173 = tpu.memref_slice %arg4[%mul3A_172] : memref<327680xi32, #tpu.memory_space<hbm>> -> memref<64xi32, #tpu.memory_space<hbm>>
        %dma_start3A_174 = tpu.memref_slice %arg4[%mul3A_172] : memref<327680xi32, #tpu.memory_space<hbm>> -> memref<64xi32, #tpu.memory_space<hbm>>
        tpu.enqueue_dma source(%dma_start3A_174 : memref<64xi32, #tpu.memory_space<hbm>>) target(%arg9 : memref<64xi32, #tpu.memory_space<vmem>>) target_semaphore(%arg20 : memref<!tpu.dma_semaphore, #tpu.memory_space<semaphore_mem>>)
        %dma_start3A_175 = tpu.memref_slice %arg5[%mul3A_172] : memref<327680xi32, #tpu.memory_space<hbm>> -> memref<64xi32, #tpu.memory_space<hbm>>
        %dma_start3A_176 = tpu.memref_slice %arg5[%mul3A_172] : memref<327680xi32, #tpu.memory_space<hbm>> -> memref<64xi32, #tpu.memory_space<hbm>>
        tpu.enqueue_dma source(%dma_start3A_176 : memref<64xi32, #tpu.memory_space<hbm>>) target(%arg11 : memref<64xi32, #tpu.memory_space<vmem>>) target_semaphore(%arg20 : memref<!tpu.dma_semaphore, #tpu.memory_space<semaphore_mem>>)
      } else {
      }
    }
    %dma_wait3A_80 = arith.constant 0 : i32
    %dma_wait3A_81 = arith.constant 0 : i32
    %dma_wait3A_82 = tpu.memref_slice %arg18[%dma_wait3A_80, %dma_wait3A_81] : memref<10112x128xf32, #tpu.memory_space<vmem_shared>> -> memref<10112x128xf32, #tpu.memory_space<vmem_shared>>
    tpu.wait_indirect_dma semaphore(%arg26 : memref<!tpu.dma_semaphore, #tpu.memory_space<semaphore_mem>>) src(%arg15 : memref<64x128xf32, #tpu.memory_space<vmem>>) dst(%dma_wait3A_82 : memref<10112x128xf32, #tpu.memory_space<vmem_shared>>)
    %barrier3A_83 = arith.constant 0 : index
    tpu.barrier barrier_id(%barrier3A_83)
    %mul3A_84 = arith.constant 632 : i32
    %mul3A_85 = arith.muli %arg1, %mul3A_84 : i32
    "tpu.region"() ({
      %run_scoped3A = tpu.sem_alloc : memref<!tpu.dma_semaphore, #tpu.memory_space<semaphore_mem>>
      %dma_start3A_86 = arith.constant 0 : i32
      %dma_start3A_87 = tpu.memref_slice %arg7[%arg0, %mul3A_85, %dma_start3A_86] : memref<2x10112x128xf32, #tpu.memory_space<hbm>> -> memref<1x632x128xf32, #tpu.memory_space<hbm>>
      %dma_start3A_88 = tpu.memref_squeeze %dma_start3A_87 : memref<1x632x128xf32, #tpu.memory_space<hbm>> -> memref<632x128xf32, #tpu.memory_space<hbm>>
      %dma_start3A_89 = arith.constant 0 : i32
      %dma_start3A_90 = tpu.memref_slice %arg18[%mul3A_85, %dma_start3A_89] : memref<10112x128xf32, #tpu.memory_space<vmem_shared>> -> memref<632x128xf32, #tpu.memory_space<vmem_shared>>
      tpu.enqueue_dma source(%dma_start3A_90 : memref<632x128xf32, #tpu.memory_space<vmem_shared>>) target(%dma_start3A_88 : memref<632x128xf32, #tpu.memory_space<hbm>>) target_semaphore(%run_scoped3A : memref<!tpu.dma_semaphore, #tpu.memory_space<semaphore_mem>>)
      %dma_wait3A_91 = arith.constant 0 : i32
      %dma_wait3A_92 = tpu.memref_slice %arg7[%arg0, %mul3A_85, %dma_wait3A_91] : memref<2x10112x128xf32, #tpu.memory_space<hbm>> -> memref<1x632x128xf32, #tpu.memory_space<hbm>>
      %dma_wait3A_93 = tpu.memref_squeeze %dma_wait3A_92 : memref<1x632x128xf32, #tpu.memory_space<hbm>> -> memref<632x128xf32, #tpu.memory_space<hbm>>
      %dma_wait3A_94 = arith.constant 0 : i32
      %dma_wait3A_95 = tpu.memref_slice %arg18[%mul3A_85, %dma_wait3A_94] : memref<10112x128xf32, #tpu.memory_space<vmem_shared>> -> memref<632x128xf32, #tpu.memory_space<vmem_shared>>
      tpu.wait_dma2 semaphore(%run_scoped3A : memref<!tpu.dma_semaphore, #tpu.memory_space<semaphore_mem>>) src(%dma_wait3A_95 : memref<632x128xf32, #tpu.memory_space<vmem_shared>>) dst(%dma_wait3A_93 : memref<632x128xf32, #tpu.memory_space<hbm>>)
      tpu.yield
    }) : () -> ()
    return
  }
}

module attributes {stable_mosaic.version = 14 : i64} {
  func.func @_xa_kernel(%arg0: memref<10000x128xf32, #tpu.memory_space<vmem>>, %arg1: memref<128x128xf32, #tpu.memory_space<vmem>>, %arg2: memref<10000x128xf32, #tpu.memory_space<vmem>>) attributes {dimension_semantics = [], scalar_prefetch = 0 : i64, scratch_operands = 0 : i64, tpu.core_type = #tpu.core_type<tc>} {
    %get3A = arith.constant 0 : index
    %get3A_0 = arith.constant 0 : index
    %get3A_1 = vector.load %arg0[%get3A, %get3A_0] : memref<10000x128xf32, #tpu.memory_space<vmem>>, vector<10000x128xf32>
    %get3A_2 = arith.constant 0 : index
    %get3A_3 = arith.constant 0 : index
    %get3A_4 = vector.load %arg1[%get3A_2, %get3A_3] : memref<128x128xf32, #tpu.memory_space<vmem>>, vector<128x128xf32>
    %dot_general3A = arith.constant dense<0.000000e+00> : vector<10000x128xf32>
    %dot_general3A_5 = tpu.matmul %get3A_1, %get3A_4, %dot_general3A {dimension_numbers = #tpu.dot_dimension_numbers<[1], [0], [0], [1], [0, 0, 1, 1], [], []>, transpose_lhs_hint = false} : vector<10000x128xf32>, vector<128x128xf32>, vector<10000x128xf32> -> vector<10000x128xf32>
    %swap3A = arith.constant 0 : index
    %swap3A_6 = arith.constant 0 : index
    %swap3A_7 = vector.load %arg2[%swap3A, %swap3A_6] : memref<10000x128xf32, #tpu.memory_space<vmem>>, vector<10000x128xf32>
    tpu.vector_store %arg2[%swap3A, %swap3A_6], %dot_general3A_5 {strides = array<i32>} : memref<10000x128xf32, #tpu.memory_space<vmem>>, vector<10000x128xf32>,
    return
  }
}

module attributes {stable_mosaic.version = 14 : i64} {
  func.func @_eb_kernel(%arg0: i32, %arg1: memref<320x128xf32, #tpu.memory_space<vmem>>, %arg2: memref<128x1024xf32, #tpu.memory_space<vmem>>, %arg3: memref<1x1024xf32, #tpu.memory_space<vmem>>, %arg4: memref<320x1024xf32, #tpu.memory_space<vmem>>) attributes {dimension_semantics = [#tpu.dimension_semantics<arbitrary>], iteration_bounds = array<i64: 128>, scalar_prefetch = 0 : i64, scratch_operands = 0 : i64, tpu.core_type = #tpu.core_type<tc>, window_params = [{transform_indices = @transform_0, window_bounds = array<i64: 320, 128>}, {pipeline_mode = #tpu.pipeline_mode<synchronous>, transform_indices = @transform_1, window_bounds = array<i64: 128, 1024>}, {pipeline_mode = #tpu.pipeline_mode<synchronous>, transform_indices = @transform_2, window_bounds = array<i64: 1, 1024>}, {transform_indices = @transform_3, window_bounds = array<i64: 320, 1024>}]} {
    %get3A = arith.constant 0 : index
    %get3A_0 = arith.constant 0 : index
    %get3A_1 = vector.load %arg1[%get3A, %get3A_0] : memref<320x128xf32, #tpu.memory_space<vmem>>, vector<320x128xf32>
    %get3A_2 = arith.constant 0 : index
    %get3A_3 = arith.constant 0 : index
    %get3A_4 = vector.load %arg2[%get3A_2, %get3A_3] : memref<128x1024xf32, #tpu.memory_space<vmem>>, vector<128x1024xf32>
    %dot_general3A = arith.constant dense<0.000000e+00> : vector<320x1024xf32>
    %dot_general3A_5 = tpu.matmul %get3A_1, %get3A_4, %dot_general3A {dimension_numbers = #tpu.dot_dimension_numbers<[1], [0], [0], [1], [0, 0, 1, 1], [], []>, transpose_lhs_hint = false} : vector<320x128xf32>, vector<128x1024xf32>, vector<320x1024xf32> -> vector<320x1024xf32>
    %get3A_6 = arith.constant 0 : index
    %get3A_7 = arith.constant 0 : index
    %get3A_8 = vector.load %arg3[%get3A_6, %get3A_7] : memref<1x1024xf32, #tpu.memory_space<vmem>>, vector<1x1024xf32>
    %add3A = vector.broadcast %get3A_8 : vector<1x1024xf32> to vector<320x1024xf32>
    %add3A_9 = arith.addf %dot_general3A_5, %add3A : vector<320x1024xf32>
    %swap3A = arith.constant 0 : index
    %swap3A_10 = arith.constant 0 : index
    %swap3A_11 = vector.load %arg4[%swap3A, %swap3A_10] : memref<320x1024xf32, #tpu.memory_space<vmem>>, vector<320x1024xf32>
    tpu.vector_store %arg4[%swap3A, %swap3A_10], %add3A_9 {strides = array<i32>} : memref<320x1024xf32, #tpu.memory_space<vmem>>, vector<320x1024xf32>,
    return
  }
  func.func @transform_0(%arg0: i32) -> (i32, i32) {
    %min3A = arith.constant 124 : i32
    %min3A_0 = arith.minsi %arg0, %min3A : i32
    %c0_i32 = arith.constant 0 : i32
    %c0_i32_1 = arith.constant 0 : i32
    return %min3A_0, %c0_i32 : i32, i32
  }
  func.func @transform_1(%arg0: i32) -> (i32, i32) {
    %c0_i32 = arith.constant 0 : i32
    %c0_i32_0 = arith.constant 0 : i32
    %c0_i32_1 = arith.constant 0 : i32
    return %c0_i32, %c0_i32_0 : i32, i32
  }
  func.func @transform_2(%arg0: i32) -> (i32, i32) {
    %c0_i32 = arith.constant 0 : i32
    %c0_i32_0 = arith.constant 0 : i32
    %c0_i32_1 = arith.constant 0 : i32
    return %c0_i32, %c0_i32_0 : i32, i32
  }
  func.func @transform_3(%arg0: i32) -> (i32, i32) {
    %c0_i32 = arith.constant 0 : i32
    %c0_i32_0 = arith.constant 0 : i32
    return %arg0, %c0_i32 : i32, i32
  }
}

module attributes {stable_mosaic.version = 14 : i64} {
  func.func @_final_kernel(%arg0: i32, %arg1: memref<2x2000x128xf32, #tpu.memory_space<vmem>>, %arg2: memref<2x2000x128xf32, #tpu.memory_space<vmem>>, %arg3: memref<128x128xf32, #tpu.memory_space<vmem>>, %arg4: memref<1x128xf32, #tpu.memory_space<vmem>>, %arg5: memref<128x128xf32, #tpu.memory_space<vmem>>, %arg6: memref<1x128xf32, #tpu.memory_space<vmem>>, %arg7: memref<128x128xf32, #tpu.memory_space<vmem>>, %arg8: memref<1x128xf32, #tpu.memory_space<vmem>>, %arg9: memref<2000x128xf32, #tpu.memory_space<vmem>>) attributes {dimension_semantics = [#tpu.dimension_semantics<arbitrary>], iteration_bounds = array<i64: 5>, scalar_prefetch = 0 : i64, scratch_operands = 0 : i64, tpu.core_type = #tpu.core_type<tc>, window_params = [{transform_indices = @transform_0, window_bounds = array<i64: 2, 2000, 128>}, {transform_indices = @transform_1, window_bounds = array<i64: 2, 2000, 128>}, {pipeline_mode = #tpu.pipeline_mode<synchronous>, transform_indices = @transform_2, window_bounds = array<i64: 128, 128>}, {pipeline_mode = #tpu.pipeline_mode<synchronous>, transform_indices = @transform_3, window_bounds = array<i64: 1, 128>}, {pipeline_mode = #tpu.pipeline_mode<synchronous>, transform_indices = @transform_4, window_bounds = array<i64: 128, 128>}, {pipeline_mode = #tpu.pipeline_mode<synchronous>, transform_indices = @transform_5, window_bounds = array<i64: 1, 128>}, {pipeline_mode = #tpu.pipeline_mode<synchronous>, transform_indices = @transform_6, window_bounds = array<i64: 128, 128>}, {pipeline_mode = #tpu.pipeline_mode<synchronous>, transform_indices = @transform_7, window_bounds = array<i64: 1, 128>}, {transform_indices = @transform_8, window_bounds = array<i64: 2000, 128>}]} {
    %get3A = arith.constant 0 : index
    %get3A_0 = arith.constant 0 : index
    %get3A_1 = arith.constant 0 : index
    %get3A_2 = vector.load %arg1[%get3A, %get3A_0, %get3A_1] : memref<2x2000x128xf32, #tpu.memory_space<vmem>>, vector<1x2000x128xf32>
    %get3A_3 = vector.shape_cast %get3A_2 : vector<1x2000x128xf32> to vector<2000x128xf32>
    %get3A_4 = arith.constant 1 : index
    %get3A_5 = arith.constant 0 : index
    %get3A_6 = arith.constant 0 : index
    %get3A_7 = vector.load %arg1[%get3A_4, %get3A_5, %get3A_6] : memref<2x2000x128xf32, #tpu.memory_space<vmem>>, vector<1x2000x128xf32>
    %get3A_8 = vector.shape_cast %get3A_7 : vector<1x2000x128xf32> to vector<2000x128xf32>
    %add3A = arith.addf %get3A_3, %get3A_8 : vector<2000x128xf32>
    %get3A_9 = arith.constant 0 : index
    %get3A_10 = arith.constant 0 : index
    %get3A_11 = arith.constant 0 : index
    %get3A_12 = vector.load %arg2[%get3A_9, %get3A_10, %get3A_11] : memref<2x2000x128xf32, #tpu.memory_space<vmem>>, vector<1x2000x1xf32>
    %get3A_13 = vector.shape_cast %get3A_12 : vector<1x2000x1xf32> to vector<2000x1xf32>
    %get3A_14 = arith.constant 1 : index
    %get3A_15 = arith.constant 0 : index
    %get3A_16 = arith.constant 0 : index
    %get3A_17 = vector.load %arg2[%get3A_14, %get3A_15, %get3A_16] : memref<2x2000x128xf32, #tpu.memory_space<vmem>>, vector<1x2000x1xf32>
    %get3A_18 = vector.shape_cast %get3A_17 : vector<1x2000x1xf32> to vector<2000x1xf32>
    %add3A_19 = arith.addf %get3A_13, %get3A_18 : vector<2000x1xf32>
    %get3A_20 = arith.constant 0 : index
    %get3A_21 = arith.constant 0 : index
    %get3A_22 = vector.load %arg3[%get3A_20, %get3A_21] : memref<128x128xf32, #tpu.memory_space<vmem>>, vector<128x128xf32>
    %dot_general3A = arith.constant dense<0.000000e+00> : vector<2000x128xf32>
    %dot_general3A_23 = tpu.matmul %add3A, %get3A_22, %dot_general3A {dimension_numbers = #tpu.dot_dimension_numbers<[1], [0], [0], [1], [0, 0, 1, 1], [], []>, transpose_lhs_hint = false} : vector<2000x128xf32>, vector<128x128xf32>, vector<2000x128xf32> -> vector<2000x128xf32>
    %get3A_24 = arith.constant 0 : index
    %get3A_25 = arith.constant 0 : index
    %get3A_26 = vector.load %arg4[%get3A_24, %get3A_25] : memref<1x128xf32, #tpu.memory_space<vmem>>, vector<1x128xf32>
    %mul3A = vector.broadcast %add3A_19 : vector<2000x1xf32> to vector<2000x128xf32>
    %mul3A_27 = vector.broadcast %get3A_26 : vector<1x128xf32> to vector<2000x128xf32>
    %mul3A_28 = arith.mulf %mul3A, %mul3A_27 : vector<2000x128xf32>
    %add3A_29 = arith.addf %dot_general3A_23, %mul3A_28 : vector<2000x128xf32>
    %max3A = arith.constant 1.000000e+00 : f32
    %max3A_30 = vector.broadcast %max3A : f32 to vector<2000x1xf32>
    %max3A_31 = arith.maximumf %add3A_19, %max3A_30 : vector<2000x1xf32>
    %div3A = vector.broadcast %max3A_31 : vector<2000x1xf32> to vector<2000x128xf32>
    %div3A_32 = arith.divf %add3A_29, %div3A : vector<2000x128xf32>
    %get3A_33 = arith.constant 0 : index
    %get3A_34 = arith.constant 0 : index
    %get3A_35 = vector.load %arg5[%get3A_33, %get3A_34] : memref<128x128xf32, #tpu.memory_space<vmem>>, vector<128x128xf32>
    %dot_general3A_36 = arith.constant dense<0.000000e+00> : vector<2000x128xf32>
    %dot_general3A_37 = tpu.matmul %div3A_32, %get3A_35, %dot_general3A_36 {dimension_numbers = #tpu.dot_dimension_numbers<[1], [0], [0], [1], [0, 0, 1, 1], [], []>, transpose_lhs_hint = false} : vector<2000x128xf32>, vector<128x128xf32>, vector<2000x128xf32> -> vector<2000x128xf32>
    %get3A_38 = arith.constant 0 : index
    %get3A_39 = arith.constant 0 : index
    %get3A_40 = vector.load %arg6[%get3A_38, %get3A_39] : memref<1x128xf32, #tpu.memory_space<vmem>>, vector<1x128xf32>
    %add3A_41 = vector.broadcast %get3A_40 : vector<1x128xf32> to vector<2000x128xf32>
    %add3A_42 = arith.addf %dot_general3A_37, %add3A_41 : vector<2000x128xf32>
    %max3A_43 = arith.constant 0.000000e+00 : f32
    %max3A_44 = vector.broadcast %max3A_43 : f32 to vector<2000x128xf32>
    %max3A_45 = arith.maximumf %add3A_42, %max3A_44 : vector<2000x128xf32>
    %get3A_46 = arith.constant 0 : index
    %get3A_47 = arith.constant 0 : index
    %get3A_48 = vector.load %arg7[%get3A_46, %get3A_47] : memref<128x128xf32, #tpu.memory_space<vmem>>, vector<128x128xf32>
    %dot_general3A_49 = arith.constant dense<0.000000e+00> : vector<2000x128xf32>
    %dot_general3A_50 = tpu.matmul %max3A_45, %get3A_48, %dot_general3A_49 {dimension_numbers = #tpu.dot_dimension_numbers<[1], [0], [0], [1], [0, 0, 1, 1], [], []>, transpose_lhs_hint = false} : vector<2000x128xf32>, vector<128x128xf32>, vector<2000x128xf32> -> vector<2000x128xf32>
    %get3A_51 = arith.constant 0 : index
    %get3A_52 = arith.constant 0 : index
    %get3A_53 = vector.load %arg8[%get3A_51, %get3A_52] : memref<1x128xf32, #tpu.memory_space<vmem>>, vector<1x128xf32>
    %add3A_54 = vector.broadcast %get3A_53 : vector<1x128xf32> to vector<2000x128xf32>
    %add3A_55 = arith.addf %dot_general3A_50, %add3A_54 : vector<2000x128xf32>
    %swap3A = arith.constant 0 : index
    %swap3A_56 = arith.constant 0 : index
    %swap3A_57 = vector.load %arg9[%swap3A, %swap3A_56] : memref<2000x128xf32, #tpu.memory_space<vmem>>, vector<2000x128xf32>
    tpu.vector_store %arg9[%swap3A, %swap3A_56], %add3A_55 {strides = array<i32>} : memref<2000x128xf32, #tpu.memory_space<vmem>>, vector<2000x128xf32>,
    return
  }
  func.func @transform_0(%arg0: i32) -> (i32, i32, i32) {
    %c0_i32 = arith.constant 0 : i32
    %c0_i32_0 = arith.constant 0 : i32
    %c0_i32_1 = arith.constant 0 : i32
    return %c0_i32, %arg0, %c0_i32_0 : i32, i32, i32
  }
  func.func @transform_1(%arg0: i32) -> (i32, i32, i32) {
    %c0_i32 = arith.constant 0 : i32
    %c0_i32_0 = arith.constant 0 : i32
    %c0_i32_1 = arith.constant 0 : i32
    return %c0_i32, %arg0, %c0_i32_0 : i32, i32, i32
  }
  func.func @transform_2(%arg0: i32) -> (i32, i32) {
    %c0_i32 = arith.constant 0 : i32
    %c0_i32_0 = arith.constant 0 : i32
    %c0_i32_1 = arith.constant 0 : i32
    return %c0_i32, %c0_i32_0 : i32, i32
  }
  func.func @transform_3(%arg0: i32) -> (i32, i32) {
    %c0_i32 = arith.constant 0 : i32
    %c0_i32_0 = arith.constant 0 : i32
    %c0_i32_1 = arith.constant 0 : i32
    return %c0_i32, %c0_i32_0 : i32, i32
  }
  func.func @transform_4(%arg0: i32) -> (i32, i32) {
    %c0_i32 = arith.constant 0 : i32
    %c0_i32_0 = arith.constant 0 : i32
    %c0_i32_1 = arith.constant 0 : i32
    return %c0_i32, %c0_i32_0 : i32, i32
  }
  func.func @transform_5(%arg0: i32) -> (i32, i32) {
    %c0_i32 = arith.constant 0 : i32
    %c0_i32_0 = arith.constant 0 : i32
    %c0_i32_1 = arith.constant 0 : i32
    return %c0_i32, %c0_i32_0 : i32, i32
  }
  func.func @transform_6(%arg0: i32) -> (i32, i32) {
    %c0_i32 = arith.constant 0 : i32
    %c0_i32_0 = arith.constant 0 : i32
    %c0_i32_1 = arith.constant 0 : i32
    return %c0_i32, %c0_i32_0 : i32, i32
  }
  func.func @transform_7(%arg0: i32) -> (i32, i32) {
    %c0_i32 = arith.constant 0 : i32
    %c0_i32_0 = arith.constant 0 : i32
    %c0_i32_1 = arith.constant 0 : i32
    return %c0_i32, %c0_i32_0 : i32, i32
  }
  func.func @transform_8(%arg0: i32) -> (i32, i32) {
    %c0_i32 = arith.constant 0 : i32
    %c0_i32_0 = arith.constant 0 : i32
    return %arg0, %c0_i32 : i32, i32
  }
}

</mosaic_0001>

<sc_bundles>
// kernel: kernel.10.cloned.1.call-start
scs
__scs_entry_jumppad:
0x0: {  	(pc) =	sbr.rel $0x88, $3  }
0x1: {  	(tag) =	ssettag $0x0;
	lr =	simm.s32 $0x1  }
0x2: {  	[smem:$0x3F96] =	sst lr;
	_ =	strace $0xD0000000  }
0x3: {  	_ = 	snop  }
0x4: {  	_ = 	snop  }
0x5: {  	_ = 	snop  }
0x6: {  	_ = 	snop  }
0x7: {  	_ = 	snop  }
__scs_overlays_trampoline_lowered:
0x8: {  	[smem:$0x3FA5] =	sst s0  }
0x9: {  	[smem:$0x3FA6] =	sst s1  }
0xa: {  	[smem:$0x3FA7] =	sst s2  }
0xb: {  	[smem:$0x3FA8] =	sst s3  }
0xc: {  	[smem:$0x3FA9] =	sst s4  }
0xd: {  	[smem:$0x3FAA] =	sst s5  }
0xe: {  	[smem:$0x3FAB] =	sst s6  }
0xf: {  	[smem:$0x3FAC] =	sst s7  }
0x10: {  	[smem:$0x3FAD] =	sst s8  }
0x11: {  	[smem:$0x3FAE] =	sst s9;
	s0 =	simm.s32 @!p0 $0x0  }
0x12: {  	s1 =	sld [smem:$0x3F94];
	s0 =	simm.s32 @p0 $0x1  }
0x13: {  	[smem:$0x3FAF] =	sst s0;
	s0 =	simm.s32 @!p1 $0x0  }
0x14: {  	s2 =	sld [smem:$0x3F93];
	s0 =	simm.s32 @p1 $0x1  }
0x15: {  	[smem:$0x3FB0] =	sst s0;
	s0 =	simm.s32 @!p2 $0x0  }
0x16: {  	s3 =	sld [smem:$0x3FDB];
	s0 =	simm.s32 @p2 $0x1  }
0x17: {  	s4 =	simm.s32 $0x1BF5;
	[smem:$0x3FB2] =	sst s0  }
0x18: {  	s0 =	sld [smem:$0x3F95];
	_ =	swait.ge [sflag:s4], $0x0  }
0x19: {  	s7 =	sld [smem:$0x3F96]  }
0x1a: {  	s8 =	sadd.s32 $0xFFFFE003, lr  }
0x1b: {  	s9 =	sadd.s32 $0xFFFFFEF7, lr;
	s5 =	simm.s32 $0xFFFFFFFF;
	p2 =	slt.u32 s8, $0xFFFFF086  }
0x1c: {  	p1 =	slt.u32 s9, $0xF7A;
	s5 =	simm.s32 @!p2 $0x0  }
0x1d: {  	s5 =	simm.s32 @p1 $0x1;
	p0 =	seq.s32 s7, s2  }
0x1e: {  	s7 =	smul.u32 @!p0 $0xF7A, s2;
	p2 =	seq.s32 @!p0 s5, $0x0  }
0x1f: {  	s9 =	smul.u32 $0xF7A, s1;
	s8 =	simm.s32 @!p0 $0x1BF5;
	p2 =	por !p2, p0  }
0x20: {  	[sflag:s8] =	ssyncset.s32 @!p0 $0xFFFFF086;
	s6 =	sadd.s32 @!p0 s3, s7;
	s7 =	simm.s32 @!p0 $0x108  }
0x21: {  	s3 =	sadd.s32 s3, s9;
	s6 =	sadd.s32 @!p0 $0x88, s6;
	s7 =	simm.s32 @p2 $0x1082  }
0x22: {  	[simem:s7], [sflag:s8] =	dma.local @!p0 [hbm:s6], $0xF7A  }
0x23: {  	s9 =	sor.u32 $0xD0000000, s2;
	s6 =	simm.s32 $0x108;
	_ =	swait.ge @!p0 [sflag:s8], $0x0  }
0x24: {  	s3 =	sadd.s32 $0x88, s3;
	s6 =	simm.s32 @!p1 $0x1082;
	[sflag:s4] =	ssyncset.s32 $0xFFFFF086  }
0x25: {  	[simem:s6], [sflag:s4] =	dma.local [hbm:s3], $0xF7A  }
0x26: {  	[smem:$0x3F96] =	sst s1;
	(tag) =	ssettag s2;
	_ =	strace s9  }
0x27: {  	s1 =	sld [smem:$0x3FA6]  }
0x28: {  	s2 =	sld [smem:$0x3FA7]  }
0x29: {  	s4 =	sld [smem:$0x3FA9]  }
0x2a: {  	p0 =	seq.s32 s5, $0x0;
	s5 =	sld [smem:$0x3FAA]  }
0x2b: {  	s6 =	sld [smem:$0x3FAB]  }
0x2c: {  	s7 =	sld [smem:$0x3FAC]  }
0x2d: {  	s3 =	simm.s32 $0x108;
	s8 =	sld [smem:$0x3FAD]  }
0x2e: {  	s3 =	simm.s32 @!p0 $0x1082;
	s9 =	sld [smem:$0x3FAE]  }
0x2f: {  	lr =	sadd.s32 s0, s3;
	s0 =	sld [smem:$0x3FA5]  }
0x30: {  	s3 =	sld [smem:$0x3FA8]  }
0x31: {  	[smem:$0x3FB1] =	sst s10  }
0x32: {  	s10 =	sld [smem:$0x3FAF];
	_ =	sdelay $0x3  }
0x33: {  	p0 =	seq.s32 s10, $0x1;
	s10 =	sld [smem:$0x3FB1];
	_ =	sdelay $0x3  }
0x34: {  	[smem:$0x3FB1] =	sst s10  }
0x35: {  	s10 =	sld [smem:$0x3FB0];
	_ =	sdelay $0x3  }
0x36: {  	p1 =	seq.s32 s10, $0x1;
	s10 =	sld [smem:$0x3FB1];
	_ =	sdelay $0x3  }
0x37: {  	[smem:$0x3FB1] =	sst s10  }
0x38: {  	s10 =	sld [smem:$0x3FB2]  }
0x39: {  	_ = 	snop;
	(pc) =	sbr.ind lr, $3  }
0x3a: {  	_ = 	snop  }
0x3b: {  	_ = 	snop  }
0x3c: {  	p2 =	seq.s32 s10, $0x1;
	s10 =	sld [smem:$0x3FB1]  }
0x3d: {  	_ =	shalt  }
0x3e: {  	_ =	shalt  }
0x3f: {  	_ =	shalt  }
0x40: {  	_ =	shalt  }
0x41: {  	_ =	shalt  }
0x42: {  	_ =	shalt  }
0x43: {  	_ =	shalt  }
0x44: {  	_ =	shalt  }
0x45: {  	_ =	shalt  }
0x46: {  	_ =	shalt  }
0x47: {  	_ =	shalt  }
0x48: {  	_ =	shalt  }
0x49: {  	_ =	shalt  }
0x4a: {  	_ =	shalt  }
0x4b: {  	_ =	shalt  }
0x4c: {  	_ =	shalt  }
0x4d: {  	_ =	shalt  }
0x4e: {  	_ =	shalt  }
0x4f: {  	_ =	shalt  }
0x50: {  	_ =	shalt  }
0x51: {  	_ =	shalt  }
0x52: {  	_ =	shalt  }
0x53: {  	_ =	shalt  }
0x54: {  	_ =	shalt  }
0x55: {  	_ =	shalt  }
0x56: {  	_ =	shalt  }
0x57: {  	_ =	shalt  }
0x58: {  	_ =	shalt  }
0x59: {  	_ =	shalt  }
0x5a: {  	_ =	shalt  }
0x5b: {  	_ =	shalt  }
0x5c: {  	_ =	shalt  }
0x5d: {  	_ =	shalt  }
0x5e: {  	_ =	shalt  }
0x5f: {  	_ =	shalt  }
0x60: {  	_ =	shalt  }
0x61: {  	_ =	shalt  }
0x62: {  	_ =	shalt  }
0x63: {  	_ =	shalt  }
0x64: {  	_ =	shalt  }
0x65: {  	_ =	shalt  }
0x66: {  	_ =	shalt  }
0x67: {  	_ =	shalt  }
0x68: {  	_ =	shalt  }
0x69: {  	_ =	shalt  }
0x6a: {  	_ =	shalt  }
0x6b: {  	_ =	shalt  }
0x6c: {  	_ =	shalt  }
0x6d: {  	_ =	shalt  }
0x6e: {  	_ =	shalt  }
0x6f: {  	_ =	shalt  }
0x70: {  	_ =	shalt  }
0x71: {  	_ =	shalt  }
0x72: {  	_ =	shalt  }
0x73: {  	_ =	shalt  }
0x74: {  	_ =	shalt  }
0x75: {  	_ =	shalt  }
0x76: {  	_ =	shalt  }
0x77: {  	_ =	shalt  }
0x78: {  	_ =	shalt  }
0x79: {  	_ =	shalt  }
0x7a: {  	_ =	shalt  }
0x7b: {  	_ =	shalt  }
0x7c: {  	_ =	shalt  }
0x7d: {  	_ =	shalt  }
0x7e: {  	_ =	shalt  }
0x7f: {  	_ =	shalt  }
0x80: {  	_ =	shalt  }
0x81: {  	_ =	shalt  }
0x82: {  	_ =	shalt  }
0x83: {  	_ =	shalt  }
0x84: {  	_ =	shalt  }
0x85: {  	_ =	shalt  }
0x86: {  	_ =	shalt  }
0x87: {  	_ =	shalt  }
.Lfunc_end0:
.L_simem_size_0:
called_computation.1_lowered:
.L_overlay_start_0:
0x88: {  	s2 =	sld [smem:$0x3FD9]  }
0x89: {  	s3 =	sld [smem:$0x3FFE];
	_ =	sdelay $0x1  }
0x8a: {  	s1 =	srdreg.scid  }
0x8b: {  	s0 =	sand.u32 $0x1, s1  }
0x8c: {  	s17 =	sshll.u32 s0, $0xA;
	s2 =	sadd.s32 s3, s2  }
0x8d: {  	s2 =	sadd.s32 s2, s17  }
0x8e: {  	[smem:$0x3FBD] =	sst s2  }
0x8f: {  	_ = 	snop  }
0x90: {  	s2 =	sld [smem:$0x3FD0];
	(tm) =	ssettm $0x1  }
0x91: {  	s18 =	sld [smem:$0x3FFB];
	_ =	sdelay $0x3  }
0x92: {  	_ =	strace s18  }
0x93: {  	s3 =	sld [smem:$0x3FFC];
	_ =	sdelay $0x3  }
0x94: {  	_ =	strace s3  }
0x95: {  	s3 =	sld [smem:$0x3FFD];
	_ =	sdelay $0x3  }
0x96: {  	_ =	strace s3  }
0x97: {  	_ =	strace $0x8FFFFFFF  }
0x98: {  	s19 =	sld [smem:$0x3FDB];
	_ =	sdelay $0x1  }
0x99: {  	s4 =	simm.s32 $_scs_section_size  }
0x9a: {  	s5 =	simm.s32 $_size__tile_overlayer_lowered;
	s6 =	simm.s32 $_tile_overlayer_lowered  }
0x9b: {  	s22 =	simm.s32 $0x1BFF;
	s21 =	sshll.u32 s6, $0x1;
	s3 =	sadd.s32 s4, s19  }
0x9c: {  	s7 =	simm.s32 $0x0;
	s20 =	sshll.u32 s5, $0x1;
	s5 =	sadd.s32 s21, s3  }
0x9d: {  	[timem:s7], [sflag:s22] =	dma.local [hbm:s5], s20  }
0x9e: {  	_ =	swait.ge [sflag:s22], s20  }
0x9f: {  	s4 =	ssub.s32 $0x0, s20;
	[sflag:s22] =	ssyncset.done $0x0  }
0xa0: {  	[sflag:s22] =	ssyncadd.s32 s4;
	_ =	sdelay $0x1  }
0xa1: {  	s23 =	simm.s32 $0x1B8B  }
0xa2: {  	_ =	swait.ge [sflag:s23], $0x1  }
0xa3: {  	[sflag:s23] =	ssyncset.done $0x0  }
0xa4: {  	s25 =	simm.s32 $0x1B8E;
	s24 =	sld [smem:$0x3FFE];
	[sflag:s23] =	ssyncadd.s32 $0xFFFFFFFF  }
0xa5: {  	s26 =	simm.s32 $execute0_lowered;
	[smem:$0x3FD2] =	sst s25  }
0xa6: {  	s5 =	sshll.u32 s26, $0x1;
	_ =	strace $0x80000046;
	[dreg:$0x1] =	wrdreg $0xFFFFFFFF  }
0xa7: {  	s28 =	simm.s32 $_size_execute0_lowered;
	s3 =	sadd.s32 s3, s5;
	[dreg:$0x0] =	wrdreg $0x0  }
0xa8: {  	s5 =	sshll.u32 s28, $0x1;
	[dreg:$0x2] =	wrdreg s3  }
0xa9: {  	[dreg:$0x3] =	wrdreg s5  }
0xaa: {  	[dreg:$0x4] =	wrdreg $0xC0  }
0xab: {  	_ =	task [dreg:s7], $0x5FFFF  }
0xac: {  	[dreg:$0x1] =	wrdreg $0xFFFFFFFF  }
0xad: {  	[dreg:$0x0] =	wrdreg $0x60  }
0xae: {  	[dreg:$0x2] =	wrdreg s2  }
0xaf: {  	[dreg:$0x3] =	wrdreg s24  }
0xb0: {  	[dreg:$0x4] =	wrdreg $0x83000  }
0xb1: {  	[dreg:$0x5] =	wrdreg $0xA  }
0xb2: {  	_ =	task.clear_ibuf [dreg:s7], $0x6FFFF;
	_ =	strace $0x90000046  }
0xb3: {  	s29 =	simm.s32 $0xA;
	_ =	strace $0x80000048  }
0xb4: {  	_ =	swait.ge [sflag:s29], $0x1  }
0xb5: {  	[sflag:s29] =	ssyncadd.s32 $0xFFFFFFFF  }
0xb6: {  	_ =	strace $0x90000048  }
0xb7: {  	_ =	sfence  }
0xb8: {  	s30 =	sld [smem:$0x0];
	_ =	sdelay $0x2  }
0xb9: {  	s31 =	sshll.u32 s1, $0xD;
	s1 =	sshrl.u32 s1, $0x2  }
0xba: {  	s3 =	sand.u32 $0x4000, s31;
	s1 =	sadd.s32 s1, s30  }
0xbb: {  	s0 =	sor.u32 s3, s0;
	s1 =	sshll.u32 s1, $0x11  }
0xbc: {  	s0 =	sor.u32 s1, s0  }
0xbd: {  	s0 =	sadd.s32 $0x8F2B, s0  }
0xbe: {  	[sflag:s0] =	ssyncadd.remote.s32 $0x1  }
0xbf: {  	_ =	sfence.sel $0xFFFF  }
0xc0: {  	[dreg:$0x0] =	wrdreg $0xFFFFFFFF;
	(pc) =	sbr.abs _section_cstart, $3  }
0xc1: {  	[dreg:$0x1] =	wrdreg $0xFFFFFFFF  }
0xc2: {  	_ =	task.clear_ibuf [dreg:s7], $0x2FFFF;
	_ =	strace $0x9FFFFFFF  }
0xc3: {  	(tm) =	ssettm $0x7FFFFFFF  }
tec
execute0_lowered:
.L_overlay_start_1:
0x0: {  	(tag) =	ssettag $0x1  }
0x1: {  	s1 =	rddreg [dreg:$0x1];
	s2 =	srdreg.scid  }
0x2: {  	s11 =	rddreg [dreg:$0x2];
	s0 =	stileid.u32  }
0x3: {  	s5 =	simm.s32 $0x0;
	s30 =	simm.s32 $0x40;
	s29 =	simm.s32 $0x3  }
0x4: {  	s2 =	sand.u32 $0x1, s2;
	s4 =	smul.u32 $0x13C00, s0;
	[smem:$0x7FF] =	sst s5  }
0x5: {  	s5 =	sadd.s32 $0x15C00, s1;
	s6 =	sadd.s32 $0xBC00, s1;
	s18 =	smul.u32 $0x4F000, s0  }
0x6: {  	s7 =	sadd.s32 $0x1C00, s1;
	s17 =	sadd.s32 $0x515C00, s1;
	s8 =	smul.u32 $0x120, s0  }
0x7: {  	s9 =	sshll.u32 s0, $0x5;
	s20 =	sshll.u32 s0, $0x6;
	s0 =	simm.s32 $0x90  }
0x8: {  	s3 =	smul.u32 $0x13C000, s2;
	_ =	strace $0x80000047;
	[dreg:$0x4] =	wrdreg s17  }
0x9: {  	s19 =	ssub.s32 $0x2, s2;
	p0 =	seq.s32 s2, $0x0;
	s2 =	sor.u32 $0x1200, s9  }
0xa: {  	s12 =	sor.u32 $0x1C09, s20;
	s10 =	sshrl.u32 s19, $0x1;
	s2 =	smov.u32 @p0 s8  }
0xb: {  	s0 =	simm.s32 @!p0 $0x10;
	[dreg:$0x5] =	wrdreg s12;
	s3 =	sadd.s32 s4, s3  }
0xc: {  	s4 =	ssub.s32 s19, s10;
	s21 =	sshll.u32 s2, $0x3;
	s26 =	sshll.u32 s2, $0xA  }
0xd: {  	s13 =	smov.u32 s0;
	s16 =	sadd.s32 $0xFFFFFFFF, s0;
	s17 =	sor.u32 $0x1, s2  }
0xe: {  	s19 =	sor.u32 $0x3, s2;
	s10 =	simm.s32 $0x6;
	s3 =	sshrl.u32 s3, $0x3  }
0xf: {  	s22 =	sadd.s32 s6, s21;
	s23 =	sor.u32 $0x8, s21;
	s24 =	sadd.s32 s7, s21  }
0x10: {  	s31 =	smax.u32 s4, $0x1;
	s4 =	simm.s32 $0x0;
	[dreg:$0x6] =	wrdreg s22  }
0x11: {  	s1 =	sadd.s32 s3, s1;
	s3 =	sshrl.u32 s18, $0x2;
	[dreg:$0x7] =	wrdreg s24  }
0x12: {  	s25 =	sadd.s32 s6, s23;
	s8 =	sadd.s32 s7, s23;
	[dreg:$0xc] =	wrdreg s31  }
0x13: {  	s18 =	sor.u32 $0x2, s2;
	s24 =	simm.s32 $0x2300;
	[dreg:$0x8] =	wrdreg s25  }
0x14: {  	s3 =	sadd.s32 s3, s11;
	[dreg:$0x9] =	wrdreg s8;
	s8 =	sadd.s32 s5, s26  }
0x15: {  	s28 =	sadd.s32 $0x518400, s1;
	s1 =	simm.s32 $0x2;
	[dreg:$0xa] =	wrdreg s8  }
0x16: {  	s26 =	simm.s32 $0x5;
	[dreg:$0xb] =	wrdreg s28;
	s2 =	sshrl.u32 s3, $0x3  }
0x17: {  	s11 =	simm.s32 $0x4;
	s3 =	simm.s32 $0x9;
	[dreg:$0xd] =	wrdreg s2  }
.LBB2_1:
0x18: {  	[dreg:$0xe] =	wrdreg s4  }
0x19: {  	s0 =	rddreg [dreg:$0x4]  }
0x1a: {  	[spmem:s2], [sflag:s12] =	dma.local [hbm:s0], $0x2780  }
0x1b: {  	_ =	swait.ge [sflag:s3], $0x2780  }
0x1c: {  	[sflag:s3] =	ssyncset.done $0x0  }
0x1d: {  	[sflag:s3] =	ssyncadd.s32 $0xFFFFD880  }
0x1e: {  	[bflag:$0x0] =	sbarrier.arrive $0xFFFF  }
0x1f: {  	s4 =	simm.s32 $0x0;
	s8 =	rddreg [dreg:$0x6]  }
0x20: {  	[tilespmem:s4], [sflag:$0x1] =	stream.linear.gather [hbm4b:s8+s4], $0x40, $0x38;
	[tilespmem:$0x1BF00] =	vst v63  }
0x21: {  	s12 =	simm.s32 $0x100;
	s9 =	rddreg [dreg:$0x7]  }
0x22: {  	[tilespmem:s12], [sflag:$0x1] =	stream.linear.gather [hbm4b:s9+s4], $0x40, $0x38;
	[tilespmem:$0x1BF00] =	vst v63  }
0x23: {  	s15 =	simm.s32 $0x80;
	s14 =	rddreg [dreg:$0x8]  }
0x24: {  	[tilespmem:s15], [sflag:$0x2] =	stream.linear.gather [hbm4b:s14+s4], $0x40, $0x38;
	[tilespmem:$0x1BF00] =	vst v63  }
0x25: {  	s21 =	simm.s32 $0x180;
	s22 =	simm.s32 $0x1;
	s20 =	rddreg [dreg:$0x9]  }
0x26: {  	[tilespmem:s21], [sflag:$0x2] =	stream.linear.gather [hbm4b:s20+s4], $0x40, $0x38;
	[tilespmem:$0x1BF00] =	vst v63  }
0x27: {  	_ =	swait.ge [sflag:s22], $0x40  }
0x28: {  	[sflag:s22] =	ssyncset.done $0x0  }
0x29: {  	[sflag:s22] =	ssyncadd.s32 $0xFFFFFFC0  }
0x2a: {  	_ =	swait.ge [sflag:s22], $0x40  }
0x2b: {  	[sflag:s22] =	ssyncset.done $0x0  }
0x2c: {  	s25 =	simm.s32 $0x4300;
	s23 =	rddreg [dreg:$0xa];
	[sflag:s22] =	ssyncadd.s32 $0xFFFFFFC0  }
0x2d: {  	[tilespmem:s25], [sflag:$0x5] =	stream.linear.gather [hbm4b:s23+s4], $0x2000, $0x38;
	[tilespmem:$0x1BF00] =	vst v63  }
0x2e: {  	s31 =	simm.s32 $0x300;
	s20 =	simm.s32 $0x0;
	s28 =	rddreg [dreg:$0x0]  }
0x2f: {  	[tilespmem:s31], [sflag:$0x3] =	stream.indirect.gather [hbm4b:s28+s30], $0x80, s4, s30, $0xb8;
	[tilespmem:$0x1BF00] =	vst v63  }
.LBB2_2:
0x30: {  	p0 =	seq.s32 s20, $0x0  }
0x31: {  	s2 =	simm.s32 @!p0 $0x8  }
0x32: {  	_ =	swait.ge @!p0 [sflag:s2], $0x2000  }
0x33: {  	[sflag:s2] =	ssyncset.done @!p0 $0x0  }
0x34: {  	[sflag:s2] =	ssyncadd.s32 @!p0 $0xFFFFE000  }
0x35: {  	_ =	swait.ge [sflag:s1], $0x40  }
0x36: {  	[sflag:s1] =	ssyncset.done $0x0  }
0x37: {  	s21 =	sshll.u32 s20, $0x1;
	[sflag:s1] =	ssyncadd.s32 $0xFFFFFFC0  }
0x38: {  	s9 =	sadd.s32 s21, s17;
	_ =	swait.ge [sflag:s1], $0x40  }
0x39: {  	s3 =	simm.s32 $0x0;
	s2 =	sshll.u32 s9, $0xA;
	[sflag:s1] =	ssyncset.done $0x0  }
0x3a: {  	s0 =	simm.s32 $0x6300;
	s2 =	sadd.s32 s5, s2;
	[sflag:s1] =	ssyncadd.s32 $0xFFFFFFC0  }
0x3b: {  	[tilespmem:s0], [sflag:$0x6] =	stream.linear.gather [hbm4b:s2+s3], $0x2000, $0x38;
	[tilespmem:$0x1BF00] =	vst v63  }
0x3c: {  	s14 =	simm.s32 $0x80;
	s12 =	rddreg [dreg:$0x0]  }
0x3d: {  	[tilespmem:s24], [sflag:$0x4] =	stream.indirect.gather [hbm4b:s12+s30], $0x80, s14, s30, $0xb8;
	[tilespmem:$0x1BF00] =	vst v63  }
0x3e: {  	_ =	swait.ge [sflag:s26], $0x2000  }
0x3f: {  	[sflag:s26] =	ssyncset.done $0x0  }
0x40: {  	[sflag:s26] =	ssyncadd.s32 $0xFFFFE000  }
0x41: {  	_ =	swait.ge [sflag:s29], $0x2000  }
0x42: {  	[sflag:s29] =	ssyncset.done $0x0  }
0x43: {  	[sflag:s29] =	ssyncadd.s32 $0xFFFFE000  }
0x44: {  	v0 =	vld [tilespmem:$0x100]  }
0x45: {  	v1 =	vld [tilespmem:$0x110]  }
0x46: {  	v2 =	vld [tilespmem:$0x120]  }
0x47: {  	v3 =	vld [tilespmem:$0x130];
	_ =	sdelay $0x1  }
0x48: {  	[tilespmem:$0x200] =	vst v0  }
0x49: {  	s15 =	simm.s32 $0x3000;
	[tilespmem:$0x210] =	vst v1  }
0x4a: {  	s22 =	simm.s32 $0x1000;
	s2 =	sand.u32 $0x7000, s15;
	[tilespmem:$0x220] =	vst v2  }
0x4b: {  	s4 =	sand.u32 $0x380, s3;
	s2 =	sshrl.u32 s2, $0x2;
	s14 =	simm.s32 $0x400;
	[tilespmem:$0x230] =	vst v3  }
0x4c: {  	s8 =	simm.s32 $0x2000;
	s25 =	sor.u32 s4, s2;
	s2 =	sand.u32 $0x5000, s22;
	v0 =	vld [tilespmem:s14+$0x80]  }
0x4d: {  	s8 =	sand.u32 $0x6000, s8;
	s2 =	sshrl.u32 s2, $0x2;
	v1 =	vld [tilespmem:s25+$0x4300]  }
0x4e: {  	s23 =	sshrl.u32 s8, $0x2;
	s12 =	sor.u32 s4, s2;
	v2 =	vld [tilespmem:s14+$0xFFFFFF80]  }
0x4f: {  	s8 =	sor.u32 s4, s23;
	v3 =	vld [tilespmem:s12+$0x4300]  }
0x50: {  	v4 =	vld [tilespmem:s8+$0x4300]  }
0x51: {  	v5 =	vld [tilespmem:s14+$0x0]  }
0x52: {  	v6 =	vld [tilespmem:s14+$0xFFFFFF00]  }
0x53: {  	v7 =	vld [tilespmem:s14+$0xFFFFFF10]  }
0x54: {  	v9 =	vld [tilespmem:s14+$0x30]  }
0x55: {  	s3 =	sand.u32 $0x4000, s3;
	v10 =	vld [tilespmem:s14+$0xFFFFFF50]  }
0x56: {  	s9 =	simm.s32 $0x600;
	s3 =	sshrl.u32 s3, $0x2;
	v11 =	vld [tilespmem:s14+$0x50];
	v0 =	vadd.f32 v1, v0  }
0x57: {  	s31 =	simm.s32 $0x7000;
	s2 =	sor.u32 s4, s3;
	v12 =	vld [tilespmem:s9+$0x80]  }
0x58: {  	s22 =	simm.s32 $0x40;
	s3 =	sand.u32 $0x7000, s31;
	v1 =	vld [tilespmem:s2+$0x4300];
	v0 =	vmax.f32 v0, $0.0e+00  }
0x59: {  	s28 =	sand.u32 $0x380, s22;
	s3 =	sshrl.u32 s3, $0x2;
	[tilespmem:s14+$0x80] =	vst v0;
	v0 =	vadd.f32 v3, v2;
	v2 =	vld [tilespmem:s14+$0x90]  }
0x5a: {  	s0 =	simm.s32 $0x5000;
	s4 =	sor.u32 s28, s3;
	v3 =	vld [tilespmem:s25+$0x4310]  }
0x5b: {  	s3 =	sand.u32 $0x5000, s0;
	v13 =	vld [tilespmem:s4+$0x4300];
	v0 =	vmax.f32 v0, $0.0e+00  }
0x5c: {  	s23 =	simm.s32 $0x4000;
	s3 =	sshrl.u32 s3, $0x2;
	v4 =	vadd.f32 v4, v5;
	[tilespmem:s14+$0xFFFFFF80] =	vst v0;
	v0 =	vld [tilespmem:s14+$0xFFFFFF90]  }
0x5d: {  	s31 =	sand.u32 $0x4000, s23;
	s23 =	sor.u32 s28, s3;
	v1 =	vadd.f32 v1, v6;
	v5 =	vld [tilespmem:s12+$0x4310]  }
0x5e: {  	v14 =	vld [tilespmem:s23+$0x4300];
	v4 =	vmax.f32 v4, $0.0e+00  }
0x5f: {  	[tilespmem:s14+$0x0] =	vst v4;
	v6 =	vld [tilespmem:s14+$0x10];
	v1 =	vmax.f32 v1, $0.0e+00;
	v2 =	vadd.f32 v3, v2  }
0x60: {  	s15 =	simm.s32 $0x6000;
	[tilespmem:s14+$0xFFFFFF00] =	vst v1;
	v1 =	vld [tilespmem:s8+$0x4310]  }
0x61: {  	s15 =	sand.u32 $0x6000, s15;
	v4 =	vld [tilespmem:s2+$0x4310];
	v2 =	vmax.f32 v2, $0.0e+00  }
0x62: {  	s15 =	sshrl.u32 s15, $0x2;
	[tilespmem:s14+$0x90] =	vst v2;
	v2 =	vld [tilespmem:s14+$0xA0];
	v0 =	vadd.f32 v5, v0  }
0x63: {  	s15 =	sor.u32 s28, s15;
	v8 =	vld [tilespmem:s25+$0x4320]  }
0x64: {  	v15 =	vld [tilespmem:s15+$0x4300];
	v0 =	vmax.f32 v0, $0.0e+00  }
0x65: {  	v5 =	vld [tilespmem:s14+$0xFFFFFFA0];
	v1 =	vadd.f32 v1, v6;
	[tilespmem:s14+$0xFFFFFF90] =	vst v0  }
0x66: {  	v4 =	vadd.f32 v4, v7;
	v6 =	vld [tilespmem:s12+$0x4320]  }
0x67: {  	v3 =	vld [tilespmem:s14+$0xFFFFFF20];
	v1 =	vmax.f32 v1, $0.0e+00  }
0x68: {  	v0 =	vld [tilespmem:s14+$0x20];
	v4 =	vmax.f32 v4, $0.0e+00;
	[tilespmem:s14+$0x10] =	vst v1;
	v2 =	vadd.f32 v8, v2  }
0x69: {  	[tilespmem:s14+$0xFFFFFF10] =	vst v4;
	v1 =	vld [tilespmem:s8+$0x4320]  }
0x6a: {  	v4 =	vld [tilespmem:s2+$0x4320];
	v2 =	vmax.f32 v2, $0.0e+00  }
0x6b: {  	s31 =	sshrl.u32 s31, $0x2;
	[tilespmem:s14+$0xA0] =	vst v2;
	v2 =	vld [tilespmem:s14+$0xB0];
	v5 =	vadd.f32 v6, v5  }
0x6c: {  	s28 =	sor.u32 s28, s31;
	v6 =	vld [tilespmem:s25+$0x4330]  }
0x6d: {  	v38 =	vld [tilespmem:s28+$0x4300];
	v5 =	vmax.f32 v5, $0.0e+00  }
0x6e: {  	v8 =	vld [tilespmem:s14+$0xFFFFFFB0];
	v0 =	vadd.f32 v1, v0;
	[tilespmem:s14+$0xFFFFFFA0] =	vst v5  }
0x6f: {  	v1 =	vadd.f32 v4, v3;
	v3 =	vld [tilespmem:s12+$0x4330]  }
0x70: {  	v16 =	vld [tilespmem:s9+$0x0];
	v0 =	vmax.f32 v0, $0.0e+00  }
0x71: {  	v7 =	vld [tilespmem:s14+$0xFFFFFF30];
	v1 =	vmax.f32 v1, $0.0e+00;
	[tilespmem:s14+$0x20] =	vst v0;
	v2 =	vadd.f32 v6, v2  }
0x72: {  	[tilespmem:s14+$0xFFFFFF20] =	vst v1;
	v0 =	vld [tilespmem:s8+$0x4330]  }
0x73: {  	v1 =	vmax.f32 v2, $0.0e+00;
	v2 =	vld [tilespmem:s2+$0x4330]  }
0x74: {  	[tilespmem:s14+$0xB0] =	vst v1;
	v1 =	vadd.f32 v3, v8;
	v3 =	vld [tilespmem:s14+$0xC0]  }
0x75: {  	v6 =	vld [tilespmem:s25+$0x4340]  }
0x76: {  	v17 =	vld [tilespmem:s9+$0xFFFFFF00];
	v1 =	vmax.f32 v1, $0.0e+00  }
0x77: {  	v5 =	vld [tilespmem:s14+$0xFFFFFFC0];
	v0 =	vadd.f32 v0, v9;
	[tilespmem:s14+$0xFFFFFFB0] =	vst v1  }
0x78: {  	v2 =	vadd.f32 v2, v7;
	v7 =	vld [tilespmem:s12+$0x4340]  }
0x79: {  	v4 =	vld [tilespmem:s14+$0xFFFFFF40];
	v9 =	vmax.f32 v0, $0.0e+00  }
0x7a: {  	v8 =	vld [tilespmem:s14+$0x40];
	[tilespmem:s14+$0x30] =	vst v9;
	v3 =	vadd.f32 v6, v3;
	v2 =	vmax.f32 v2, $0.0e+00  }
0x7b: {  	v6 =	vld [tilespmem:s8+$0x4340];
	[tilespmem:s14+$0xFFFFFF30] =	vst v2  }
0x7c: {  	v2 =	vmax.f32 v3, $0.0e+00;
	v3 =	vld [tilespmem:s2+$0x4340]  }
0x7d: {  	v39 =	vld [tilespmem:s9+$0x90];
	v5 =	vadd.f32 v7, v5  }
0x7e: {  	v19 =	vld [tilespmem:s9+$0xFFFFFF10]  }
0x7f: {  	v42 =	vld [tilespmem:s9+$0x10];
	v5 =	vmax.f32 v5, $0.0e+00  }
0x80: {  	v43 =	vld [tilespmem:s9+$0xFFFFFF20];
	[tilespmem:s14+$0xFFFFFFC0] =	vst v5;
	v5 =	vadd.f32 v6, v8  }
0x81: {  	v44 =	vld [tilespmem:s9+$0xA0];
	v3 =	vadd.f32 v3, v4  }
0x82: {  	v46 =	vld [tilespmem:s14+$0xF0];
	v5 =	vmax.f32 v5, $0.0e+00  }
0x83: {  	v20 =	vld [tilespmem:s9+$0xFFFFFFA0];
	v3 =	vmax.f32 v3, $0.0e+00;
	[tilespmem:s14+$0x40] =	vst v5  }
0x84: {  	[tilespmem:s14+$0xFFFFFF40] =	vst v3;
	v3 =	vld [tilespmem:s8+$0x4350]  }
0x85: {  	v48 =	vld [tilespmem:s9+$0xFFFFFF30]  }
0x86: {  	[tilespmem:s14+$0xC0] =	vst v2;
	v7 =	vld [tilespmem:s14+$0xD0]  }
0x87: {  	v9 =	vld [tilespmem:s25+$0x4350]  }
0x88: {  	v51 =	vld [tilespmem:s9+$0xFFFFFFB0]  }
0x89: {  	v52 =	vld [tilespmem:s9+$0x30];
	v3 =	vadd.f32 v3, v11  }
0x8a: {  	v53 =	vld [tilespmem:s9+$0xFFFFFFC0]  }
0x8b: {  	v55 =	vld [tilespmem:s9+$0x40];
	v12 =	vadd.f32 v13, v12;
	v3 =	vmax.f32 v3, $0.0e+00  }
0x8c: {  	v7 =	vadd.f32 v9, v7;
	[tilespmem:s14+$0x50] =	vst v3;
	v3 =	vld [tilespmem:s9+$0xFFFFFF80]  }
0x8d: {  	v21 =	vld [tilespmem:s9+$0xFFFFFF50];
	v12 =	vmax.f32 v12, $0.0e+00  }
0x8e: {  	v13 =	vadd.f32 v38, v17;
	[tilespmem:s9+$0x80] =	vst v12;
	v5 =	vmax.f32 v7, $0.0e+00;
	v7 =	vld [tilespmem:s2+$0x4350]  }
0x8f: {  	v15 =	vadd.f32 v15, v16;
	v40 =	vld [tilespmem:s4+$0x4310]  }
0x90: {  	v56 =	vld [tilespmem:s9+$0x50];
	v13 =	vmax.f32 v13, $0.0e+00  }
0x91: {  	v58 =	vld [tilespmem:s9+$0xD0];
	v15 =	vmax.f32 v15, $0.0e+00;
	[tilespmem:s9+$0xFFFFFF00] =	vst v13;
	v3 =	vadd.f32 v14, v3  }
0x92: {  	[tilespmem:s9+$0x0] =	vst v15;
	v13 =	vld [tilespmem:s28+$0x4310]  }
0x93: {  	v7 =	vadd.f32 v7, v10;
	v10 =	vld [tilespmem:s15+$0x4310];
	v3 =	vmax.f32 v3, $0.0e+00  }
0x94: {  	v12 =	vadd.f32 v40, v39;
	[tilespmem:s9+$0xFFFFFF80] =	vst v3;
	v3 =	vld [tilespmem:s9+$0xFFFFFF90]  }
0x95: {  	v41 =	vld [tilespmem:s23+$0x4310]  }
0x96: {  	v12 =	vmax.f32 v12, $0.0e+00;
	v1 =	vld [tilespmem:s14+$0xFFFFFFD0]  }
0x97: {  	[tilespmem:s9+$0x90] =	vst v12;
	v0 =	vld [tilespmem:s14+$0xFFFFFF60]  }
0x98: {  	v13 =	vadd.f32 v13, v19;
	v8 =	vld [tilespmem:s14+$0xE0];
	[tilespmem:s14+$0xD0] =	vst v5;
	v7 =	vmax.f32 v7, $0.0e+00  }
0x99: {  	[tilespmem:s14+$0xFFFFFF50] =	vst v7;
	v7 =	vld [tilespmem:s4+$0x4320];
	v10 =	vadd.f32 v10, v42  }
0x9a: {  	v13 =	vmax.f32 v13, $0.0e+00;
	v9 =	vld [tilespmem:s25+$0x4360];
	v3 =	vadd.f32 v41, v3  }
0x9b: {  	[tilespmem:s9+$0xFFFFFF10] =	vst v13;
	v2 =	vld [tilespmem:s14+$0xFFFFFFE0];
	v10 =	vmax.f32 v10, $0.0e+00  }
0x9c: {  	v6 =	vld [tilespmem:s12+$0x4350];
	[tilespmem:s9+$0x10] =	vst v10;
	v3 =	vmax.f32 v3, $0.0e+00  }
0x9d: {  	v10 =	vld [tilespmem:s28+$0x4320];
	[tilespmem:s9+$0xFFFFFF90] =	vst v3  }
0x9e: {  	v7 =	vadd.f32 v7, v44;
	v47 =	vld [tilespmem:s23+$0x4320]  }
0x9f: {  	v8 =	vadd.f32 v9, v8;
	v9 =	vld [tilespmem:s15+$0x4320]  }
0xa0: {  	v7 =	vmax.f32 v7, $0.0e+00;
	v3 =	vld [tilespmem:s9+$0x20]  }
0xa1: {  	[tilespmem:s9+$0xA0] =	vst v7;
	v7 =	vmax.f32 v8, $0.0e+00;
	v8 =	vld [tilespmem:s9+$0xB0]  }
0xa2: {  	v1 =	vadd.f32 v6, v1;
	v49 =	vld [tilespmem:s4+$0x4330]  }
0xa3: {  	v4 =	vld [tilespmem:s14+$0x60];
	[tilespmem:s14+$0xE0] =	vst v7;
	v7 =	vadd.f32 v47, v20  }
0xa4: {  	v6 =	vld [tilespmem:s14+$0xFFFFFFF0];
	v5 =	vmax.f32 v1, $0.0e+00  }
0xa5: {  	v1 =	vld [tilespmem:s14+$0xFFFFFF70];
	[tilespmem:s14+$0xFFFFFFD0] =	vst v5;
	v3 =	vadd.f32 v9, v3;
	v7 =	vmax.f32 v7, $0.0e+00  }
0xa6: {  	v5 =	vld [tilespmem:s14+$0x70];
	[tilespmem:s9+$0xFFFFFFA0] =	vst v7;
	v7 =	vadd.f32 v10, v43  }
0xa7: {  	v8 =	vadd.f32 v49, v8;
	v3 =	vmax.f32 v3, $0.0e+00;
	v9 =	vld [tilespmem:s23+$0x4330]  }
0xa8: {  	v18 =	vld [tilespmem:s8+$0x4360];
	[tilespmem:s9+$0x20] =	vst v3;
	v7 =	vmax.f32 v7, $0.0e+00  }
0xa9: {  	v3 =	vld [tilespmem:s15+$0x4330];
	[tilespmem:s9+$0xFFFFFF20] =	vst v7;
	v7 =	vmax.f32 v8, $0.0e+00  }
0xaa: {  	v8 =	vld [tilespmem:s28+$0x4330];
	[tilespmem:s9+$0xB0] =	vst v7  }
0xab: {  	v54 =	vld [tilespmem:s4+$0x4340]  }
0xac: {  	v7 =	vadd.f32 v9, v51;
	v9 =	vld [tilespmem:s9+$0xC0]  }
0xad: {  	v11 =	vld [tilespmem:s12+$0x4360]  }
0xae: {  	v45 =	vld [tilespmem:s2+$0x4360];
	v3 =	vadd.f32 v3, v52;
	v7 =	vmax.f32 v7, $0.0e+00  }
0xaf: {  	v18 =	vadd.f32 v18, v4;
	v4 =	vld [tilespmem:s9+$0x60];
	[tilespmem:s9+$0xFFFFFFB0] =	vst v7  }
0xb0: {  	v3 =	vmax.f32 v3, $0.0e+00;
	v8 =	vadd.f32 v8, v48;
	v7 =	vld [tilespmem:s23+$0x4340]  }
0xb1: {  	v50 =	vld [tilespmem:s25+$0x4370];
	[tilespmem:s9+$0x30] =	vst v3;
	v9 =	vadd.f32 v54, v9  }
0xb2: {  	v57 =	vld [tilespmem:s15+$0x4340];
	v8 =	vmax.f32 v8, $0.0e+00  }
0xb3: {  	v10 =	vld [tilespmem:s9+$0xFFFFFF40];
	[tilespmem:s9+$0xFFFFFF30] =	vst v8;
	v9 =	vmax.f32 v9, $0.0e+00  }
0xb4: {  	[tilespmem:s9+$0xC0] =	vst v9;
	v9 =	vld [tilespmem:s28+$0x4340]  }
0xb5: {  	v3 =	vld [tilespmem:s9+$0xFFFFFF60];
	v13 =	vadd.f32 v7, v53  }
0xb6: {  	v2 =	vadd.f32 v11, v2;
	v11 =	vld [tilespmem:s4+$0x4350]  }
0xb7: {  	v8 =	vld [tilespmem:s9+$0xFFFFFFD0];
	v14 =	vadd.f32 v57, v55;
	v13 =	vmax.f32 v13, $0.0e+00  }
0xb8: {  	v2 =	vmax.f32 v2, $0.0e+00;
	v7 =	vld [tilespmem:s9+$0xFFFFFFE0];
	[tilespmem:s9+$0xFFFFFFC0] =	vst v13  }
0xb9: {  	[tilespmem:s14+$0xFFFFFFE0] =	vst v2;
	v2 =	vadd.f32 v9, v10;
	v9 =	vld [tilespmem:s23+$0x4350];
	v10 =	vmax.f32 v14, $0.0e+00  }
0xba: {  	v0 =	vadd.f32 v45, v0;
	v59 =	vmax.f32 v18, $0.0e+00;
	[tilespmem:s9+$0x40] =	vst v10;
	v10 =	vld [tilespmem:s12+$0x4370]  }
0xbb: {  	[tilespmem:s14+$0x60] =	vst v59;
	v11 =	vadd.f32 v11, v58;
	v2 =	vmax.f32 v2, $0.0e+00;
	v60 =	vld [tilespmem:s15+$0x4350]  }
0xbc: {  	v0 =	vmax.f32 v0, $0.0e+00;
	[tilespmem:s9+$0xFFFFFF40] =	vst v2;
	v2 =	vld [tilespmem:s8+$0x4370]  }
0xbd: {  	[tilespmem:s14+$0xFFFFFF60] =	vst v0;
	v0 =	vadd.f32 v50, v46;
	v11 =	vmax.f32 v11, $0.0e+00;
	v61 =	vld [tilespmem:s28+$0x4350]  }
0xbe: {  	[tilespmem:s9+$0xD0] =	vst v11;
	v8 =	vadd.f32 v9, v8;
	v9 =	vld [tilespmem:s2+$0x4370]  }
0xbf: {  	v0 =	vmax.f32 v0, $0.0e+00;
	v11 =	vld [tilespmem:s4+$0x4360];
	v6 =	vadd.f32 v10, v6  }
0xc0: {  	[tilespmem:s14+$0xF0] =	vst v0;
	v10 =	vld [tilespmem:s9+$0xE0];
	v0 =	vmax.f32 v8, $0.0e+00;
	v8 =	vadd.f32 v60, v56  }
0xc1: {  	v2 =	vadd.f32 v2, v5;
	v5 =	vld [tilespmem:s9+$0xFFFFFF70];
	[tilespmem:s9+$0xFFFFFFD0] =	vst v0;
	v0 =	vmax.f32 v6, $0.0e+00  }
0xc2: {  	v62 =	vadd.f32 v61, v21;
	v6 =	vld [tilespmem:s23+$0x4360];
	[tilespmem:s14+$0xFFFFFFF0] =	vst v0;
	v8 =	vmax.f32 v8, $0.0e+00  }
0xc3: {  	v0 =	vld [tilespmem:s9+$0xFFFFFFF0];
	v2 =	vmax.f32 v2, $0.0e+00;
	v63 =	vadd.f32 v9, v1;
	[tilespmem:s9+$0x50] =	vst v8  }
0xc4: {  	v1 =	vld [tilespmem:s9+$0x70];
	[tilespmem:s14+$0x70] =	vst v2;
	v2 =	vmax.f32 v62, $0.0e+00  }
0xc5: {  	s12 =	simm.s32 $0x600;
	s8 =	simm.s32 $0x8000;
	s2 =	simm.s32 $0x4;
	v8 =	vld [tilespmem:s15+$0x4360];
	v9 =	vadd.f32 v11, v10;
	[tilespmem:s9+$0xFFFFFF50] =	vst v2;
	v2 =	vmax.f32 v63, $0.0e+00  }
.LBB2_3:
0xc6: {  	s3 =	sadd.s32 $0x3000, s8;
	s2 =	sadd.s32 $0x4, s2;
	v10 =	vld [tilespmem:s28+$0x4360];
	s22 =	sadd.s32 $0x40, s22;
	[tilespmem:s14+$0xFFFFFF70] =	vst v2;
	v2 =	vmov v5  }
0xc7: {  	s12 =	sadd.s32 $0x200, s12;
	s3 =	sand.u32 $0x7000, s3;
	p0 =	slt.u32 s2, $0x3C;
	v5 =	vadd.f32 v6, v7;
	v6 =	vmax.f32 v9, $0.0e+00;
	v7 =	vld [tilespmem:s9+$0xF0]  }
0xc8: {  	s25 =	sadd.s32 $0x1000, s8;
	s14 =	sand.u32 $0x380, s22;
	v9 =	vld [tilespmem:s12+$0x80];
	s3 =	sshrl.u32 s3, $0x2;
	[tilespmem:s9+$0xE0] =	vst v6  }
0xc9: {  	s31 =	sadd.s32 $0x2000, s8;
	s25 =	sand.u32 $0x5000, s25;
	v5 =	vmax.f32 v5, $0.0e+00;
	v6 =	vld [tilespmem:s4+$0x4370];
	s4 =	sor.u32 s14, s3  }
0xca: {  	s0 =	sand.u32 $0x6000, s31;
	s25 =	sshrl.u32 s25, $0x2;
	s3 =	sand.u32 $0x4000, s8;
	v11 =	vld [tilespmem:s4+$0x4300];
	[tilespmem:s9+$0xFFFFFFE0] =	vst v5;
	v4 =	vadd.f32 v8, v4  }
0xcb: {  	s0 =	sshrl.u32 s0, $0x2;
	s31 =	sor.u32 s14, s25;
	s3 =	sshrl.u32 s3, $0x2;
	v5 =	vld [tilespmem:s12+$0xFFFFFF80];
	v3 =	vadd.f32 v10, v3  }
0xcc: {  	s25 =	sor.u32 s14, s3;
	s3 =	sor.u32 s14, s0;
	s14 =	smov.u32 s9;
	v8 =	vld [tilespmem:s31+$0x4300];
	v4 =	vmax.f32 v4, $0.0e+00  }
0xcd: {  	s9 =	smov.u32 s12;
	v10 =	vld [tilespmem:s3+$0x4300];
	v3 =	vmax.f32 v3, $0.0e+00;
	[tilespmem:s14+$0x60] =	vst v4  }
0xce: {  	v4 =	vld [tilespmem:s25+$0x4300];
	[tilespmem:s14+$0xFFFFFF60] =	vst v3;
	v3 =	vadd.f32 v6, v7  }
0xcf: {  	v6 =	vld [tilespmem:s12+$0x0];
	v7 =	vadd.f32 v11, v9  }
0xd0: {  	v9 =	vld [tilespmem:s12+$0xFFFFFF00];
	v3 =	vmax.f32 v3, $0.0e+00  }
0xd1: {  	v11 =	vld [tilespmem:s12+$0xFFFFFF10];
	v5 =	vadd.f32 v8, v5;
	v7 =	vmax.f32 v7, $0.0e+00;
	[tilespmem:s14+$0xF0] =	vst v3  }
0xd2: {  	[tilespmem:s12+$0x80] =	vst v7;
	v3 =	vld [tilespmem:s12+$0x90]  }
0xd3: {  	v5 =	vmax.f32 v5, $0.0e+00;
	v7 =	vld [tilespmem:s4+$0x4310]  }
0xd4: {  	[tilespmem:s12+$0xFFFFFF80] =	vst v5;
	v5 =	vld [tilespmem:s12+$0xFFFFFF90];
	v6 =	vadd.f32 v10, v6  }
0xd5: {  	v4 =	vadd.f32 v4, v9;
	v8 =	vld [tilespmem:s31+$0x4310]  }
0xd6: {  	v6 =	vmax.f32 v6, $0.0e+00;
	v9 =	vld [tilespmem:s12+$0x10]  }
0xd7: {  	v4 =	vmax.f32 v4, $0.0e+00;
	v10 =	vld [tilespmem:s12+$0xFFFFFF20];
	[tilespmem:s12+$0x0] =	vst v6  }
0xd8: {  	[tilespmem:s12+$0xFFFFFF00] =	vst v4;
	v4 =	vld [tilespmem:s3+$0x4310];
	v3 =	vadd.f32 v7, v3  }
0xd9: {  	v6 =	vld [tilespmem:s25+$0x4310]  }
0xda: {  	v5 =	vadd.f32 v8, v5;
	v7 =	vld [tilespmem:s12+$0xFFFFFFA0];
	v3 =	vmax.f32 v3, $0.0e+00  }
0xdb: {  	[tilespmem:s12+$0x90] =	vst v3;
	v3 =	vld [tilespmem:s12+$0xA0]  }
0xdc: {  	v5 =	vmax.f32 v5, $0.0e+00;
	v8 =	vld [tilespmem:s4+$0x4320]  }
0xdd: {  	[tilespmem:s12+$0xFFFFFF90] =	vst v5;
	v4 =	vadd.f32 v4, v9;
	v5 =	vld [tilespmem:s12+$0x20]  }
0xde: {  	v6 =	vadd.f32 v6, v11;
	v9 =	vld [tilespmem:s31+$0x4320]  }
0xdf: {  	v11 =	vld [tilespmem:s12+$0xFFFFFF30];
	v4 =	vmax.f32 v4, $0.0e+00  }
0xe0: {  	v6 =	vmax.f32 v6, $0.0e+00;
	v12 =	vld [tilespmem:s12+$0xFFFFFFB0];
	[tilespmem:s12+$0x10] =	vst v4  }
0xe1: {  	[tilespmem:s12+$0xFFFFFF10] =	vst v6;
	v4 =	vld [tilespmem:s3+$0x4320];
	v3 =	vadd.f32 v8, v3  }
0xe2: {  	v6 =	vld [tilespmem:s25+$0x4320]  }
0xe3: {  	v7 =	vadd.f32 v9, v7;
	v8 =	vld [tilespmem:s12+$0x30];
	v3 =	vmax.f32 v3, $0.0e+00  }
0xe4: {  	[tilespmem:s12+$0xA0] =	vst v3;
	v3 =	vld [tilespmem:s12+$0xB0]  }
0xe5: {  	v7 =	vmax.f32 v7, $0.0e+00;
	v9 =	vld [tilespmem:s4+$0x4330]  }
0xe6: {  	v13 =	vld [tilespmem:s12+$0xFFFFFF40];
	[tilespmem:s12+$0xFFFFFFA0] =	vst v7;
	v4 =	vadd.f32 v4, v5  }
0xe7: {  	v5 =	vadd.f32 v6, v10;
	v6 =	vld [tilespmem:s31+$0x4330]  }
0xe8: {  	v7 =	vld [tilespmem:s12+$0xFFFFFFC0];
	v4 =	vmax.f32 v4, $0.0e+00  }
0xe9: {  	v5 =	vmax.f32 v5, $0.0e+00;
	[tilespmem:s12+$0x20] =	vst v4;
	v4 =	vld [tilespmem:s12+$0x40]  }
0xea: {  	[tilespmem:s12+$0xFFFFFF20] =	vst v5;
	v5 =	vld [tilespmem:s3+$0x4330];
	v3 =	vadd.f32 v9, v3  }
0xeb: {  	v9 =	vld [tilespmem:s25+$0x4330]  }
0xec: {  	v10 =	vld [tilespmem:s12+$0xFFFFFF50];
	v6 =	vadd.f32 v6, v12;
	v3 =	vmax.f32 v3, $0.0e+00  }
0xed: {  	[tilespmem:s12+$0xB0] =	vst v3;
	v12 =	vld [tilespmem:s12+$0xC0]  }
0xee: {  	v3 =	vmax.f32 v6, $0.0e+00;
	v6 =	vld [tilespmem:s4+$0x4340]  }
0xef: {  	[tilespmem:s12+$0xFFFFFFB0] =	vst v3;
	v14 =	vld [tilespmem:s12+$0xFFFFFFD0];
	v3 =	vadd.f32 v5, v8  }
0xf0: {  	v5 =	vadd.f32 v9, v11;
	v8 =	vld [tilespmem:s31+$0x4340]  }
0xf1: {  	v9 =	vmax.f32 v3, $0.0e+00;
	v11 =	vld [tilespmem:s12+$0x50]  }
0xf2: {  	v5 =	vmax.f32 v5, $0.0e+00;
	v3 =	vld [tilespmem:s12+$0xFFFFFF60];
	[tilespmem:s12+$0x30] =	vst v9  }
0xf3: {  	[tilespmem:s12+$0xFFFFFF30] =	vst v5;
	v5 =	vld [tilespmem:s3+$0x4340];
	v6 =	vadd.f32 v6, v12  }
0xf4: {  	v9 =	vld [tilespmem:s25+$0x4340]  }
0xf5: {  	v8 =	vadd.f32 v8, v7;
	v7 =	vld [tilespmem:s12+$0xFFFFFFE0];
	v6 =	vmax.f32 v6, $0.0e+00  }
0xf6: {  	[tilespmem:s12+$0xC0] =	vst v6;
	v6 =	vld [tilespmem:s12+$0xD0]  }
0xf7: {  	v8 =	vmax.f32 v8, $0.0e+00;
	v12 =	vld [tilespmem:s4+$0x4350]  }
0xf8: {  	[tilespmem:s12+$0xFFFFFFC0] =	vst v8;
	v5 =	vadd.f32 v5, v4;
	v4 =	vld [tilespmem:s12+$0x60]  }
0xf9: {  	v8 =	vadd.f32 v9, v13;
	v9 =	vld [tilespmem:s31+$0x4350]  }
0xfa: {  	v5 =	vmax.f32 v5, $0.0e+00;
	v13 =	vld [tilespmem:s23+$0x4370];
	s23 =	smov.u32 s31  }
0xfb: {  	v8 =	vmax.f32 v8, $0.0e+00;
	[tilespmem:s12+$0x40] =	vst v5;
	v5 =	vld [tilespmem:s15+$0x4370];
	s15 =	smov.u32 s3  }
0xfc: {  	[tilespmem:s12+$0xFFFFFF40] =	vst v8;
	v8 =	vld [tilespmem:s15+$0x4350];
	v6 =	vadd.f32 v12, v6  }
0xfd: {  	v12 =	vld [tilespmem:s25+$0x4350]  }
0xfe: {  	v9 =	vadd.f32 v9, v14;
	v6 =	vmax.f32 v6, $0.0e+00;
	v14 =	vld [tilespmem:s28+$0x4370];
	s28 =	smov.u32 s25  }
0xff: {  	[tilespmem:s12+$0xD0] =	vst v6;
	v15 =	vld [tilespmem:s12+$0xE0];
	v0 =	vadd.f32 v13, v0  }
0x100: {  	v6 =	vmax.f32 v9, $0.0e+00;
	v9 =	vld [tilespmem:s4+$0x4360];
	v1 =	vadd.f32 v5, v1  }
.Ltmp0:
0x101: {  	v5 =	vld [tilespmem:s12+$0xFFFFFF70];
	[tilespmem:s12+$0xFFFFFFD0] =	vst v6;
	v8 =	vadd.f32 v8, v11;
	v0 =	vmax.f32 v0, $0.0e+00;
	(pc) =	sbr.rel @p0 .LBB2_3-.Ltmp0, $4  }
0x102: {  	v10 =	vadd.f32 v12, v10;
	v6 =	vld [tilespmem:s23+$0x4360];
	[tilespmem:s14+$0xFFFFFFF0] =	vst v0;
	v1 =	vmax.f32 v1, $0.0e+00  }
0x103: {  	v0 =	vld [tilespmem:s12+$0xFFFFFFF0];
	v8 =	vmax.f32 v8, $0.0e+00;
	v2 =	vadd.f32 v14, v2;
	[tilespmem:s14+$0x70] =	vst v1  }
0x104: {  	v10 =	vmax.f32 v10, $0.0e+00;
	[tilespmem:s12+$0x50] =	vst v8;
	v1 =	vld [tilespmem:s12+$0x70]  }
0x105: {  	s8 =	sadd.s32 $0x4000, s8;
	[tilespmem:s12+$0xFFFFFF50] =	vst v10;
	v8 =	vld [tilespmem:s15+$0x4360];
	v9 =	vadd.f32 v9, v15;
	v2 =	vmax.f32 v2, $0.0e+00  }
0x106: {  	v10 =	vld [tilespmem:s28+$0x4360];
	_ =	sdelay $0x2  }
0x107: {  	v6 =	vadd.f32 v6, v7  }
0x108: {  	v7 =	vmax.f32 v9, $0.0e+00;
	v4 =	vadd.f32 v8, v4  }
0x109: {  	v9 =	vld [tilespmem:s9+$0xF0];
	[tilespmem:s9+$0xE0] =	vst v7;
	v6 =	vmax.f32 v6, $0.0e+00;
	v3 =	vadd.f32 v10, v3  }
0x10a: {  	v7 =	vld [tilespmem:s4+$0x4370];
	[tilespmem:s9+$0xFFFFFFE0] =	vst v6;
	v4 =	vmax.f32 v4, $0.0e+00  }
0x10b: {  	v3 =	vmax.f32 v3, $0.0e+00;
	[tilespmem:s9+$0x60] =	vst v4;
	v4 =	vld [tilespmem:s23+$0x4370]  }
0x10c: {  	[tilespmem:s9+$0xFFFFFF60] =	vst v3;
	v3 =	vld [tilespmem:s15+$0x4370]  }
0x10d: {  	v6 =	vld [tilespmem:s28+$0x4370];
	_ =	sdelay $0x1  }
0x10e: {  	v7 =	vadd.f32 v7, v9  }
0x10f: {  	v0 =	vadd.f32 v4, v0  }
0x110: {  	[tilespmem:s14+$0xFFFFFF70] =	vst v2;
	v2 =	vmax.f32 v7, $0.0e+00;
	v1 =	vadd.f32 v3, v1  }
0x111: {  	[tilespmem:s9+$0xF0] =	vst v2;
	v0 =	vmax.f32 v0, $0.0e+00;
	v2 =	vadd.f32 v6, v5  }
0x112: {  	[tilespmem:s9+$0xFFFFFFF0] =	vst v0;
	v0 =	vmax.f32 v1, $0.0e+00  }
0x113: {  	p0 =	sge.u32 s20, s16;
	[tilespmem:s9+$0x70] =	vst v0;
	v0 =	vmax.f32 v2, $0.0e+00  }
0x114: {  	s0 =	rddreg [dreg:$0x2];
	s2 =	simm.s32 $0x300;
	s3 =	simm.s32 $0x200;
	[tilespmem:s9+$0xFFFFFF70] =	vst v0  }
0x115: {  	[spmem:s0] =	stream.indirect.scatter.add.f32 [tilespmem:s2], [sflag:$0x7], $0x80, s3, s30, $0xb8;
	[tilespmem:$0x1BF00] =	vst v63  }
0x116: {  	s0 =	simm.s32 @p0 $0x7  }
0x117: {  	s2 =	sadd.s32 @!p0 s21, s18;
	_ =	swait.ge @p0 [sflag:s0], $0x2000  }
0x118: {  	s3 =	sshll.u32 @!p0 s2, $0x3;
	[sflag:s0] =	ssyncset.done @p0 $0x0  }
0x119: {  	s4 =	simm.s32 @!p0 $0x0;
	[sflag:s0] =	ssyncadd.s32 @p0 $0xFFFFE000;
	s0 =	sadd.s32 @!p0 s6, s3  }
0x11a: {  	[tilespmem:s4], [sflag:$0x1] =	stream.linear.gather @!p0 [hbm4b:s0+s4], $0x40, $0x38;
	[tilespmem:$0x1BF00] =	vst v63  }
0x11b: {  	s0 =	sadd.s32 @!p0 s7, s3;
	s3 =	simm.s32 @!p0 $0x100  }
0x11c: {  	[tilespmem:s3], [sflag:$0x1] =	stream.linear.gather @!p0 [hbm4b:s0+s4], $0x40, $0x38;
	[tilespmem:$0x1BF00] =	vst v63  }
0x11d: {  	s0 =	simm.s32 @!p0 $0x7  }
0x11e: {  	_ =	swait.ge @!p0 [sflag:s0], $0x2000  }
0x11f: {  	[sflag:s0] =	ssyncset.done @!p0 $0x0  }
0x120: {  	[sflag:s0] =	ssyncadd.s32 @!p0 $0xFFFFE000;
	s0 =	simm.s32 @!p0 $0x1  }
0x121: {  	_ =	swait.ge @!p0 [sflag:s0], $0x40  }
0x122: {  	[sflag:s0] =	ssyncset.done @!p0 $0x0  }
0x123: {  	[sflag:s0] =	ssyncadd.s32 @!p0 $0xFFFFFFC0  }
0x124: {  	_ =	swait.ge @!p0 [sflag:s0], $0x40  }
0x125: {  	s2 =	sshll.u32 @!p0 s2, $0xA;
	[sflag:s0] =	ssyncset.done @!p0 $0x0  }
0x126: {  	[sflag:s0] =	ssyncadd.s32 @!p0 $0xFFFFFFC0;
	s0 =	sadd.s32 @!p0 s5, s2;
	s2 =	simm.s32 @!p0 $0x4300  }
0x127: {  	[tilespmem:s2], [sflag:$0x5] =	stream.linear.gather @!p0 [hbm4b:s0+s4], $0x2000, $0x38;
	[tilespmem:$0x1BF00] =	vst v63  }
0x128: {  	s0 =	simm.s32 @!p0 $0x40;
	s2 =	simm.s32 @!p0 $0x300;
	s3 =	rddreg [dreg:$0x0]  }
0x129: {  	[tilespmem:s2], [sflag:$0x3] =	stream.indirect.gather @!p0 [hbm4b:s3+s0], $0x80, s4, s0, $0xb8;
	[tilespmem:$0x1BF00] =	vst v63  }
0x12a: {  	_ =	swait.ge [sflag:s10], $0x2000  }
0x12b: {  	[sflag:s10] =	ssyncset.done $0x0  }
0x12c: {  	[sflag:s10] =	ssyncadd.s32 $0xFFFFE000  }
0x12d: {  	_ =	swait.ge [sflag:s11], $0x2000  }
0x12e: {  	[sflag:s11] =	ssyncset.done $0x0  }
0x12f: {  	[sflag:s11] =	ssyncadd.s32 $0xFFFFE000  }
0x130: {  	v0 =	vld [tilespmem:$0x180]  }
0x131: {  	v1 =	vld [tilespmem:$0x190]  }
0x132: {  	v2 =	vld [tilespmem:$0x1A0]  }
0x133: {  	v3 =	vld [tilespmem:$0x1B0];
	_ =	sdelay $0x1  }
0x134: {  	[tilespmem:$0x280] =	vst v0  }
0x135: {  	s22 =	simm.s32 $0x3000;
	[tilespmem:$0x290] =	vst v1  }
0x136: {  	s23 =	simm.s32 $0x0;
	s0 =	sand.u32 $0x7000, s22;
	[tilespmem:$0x2A0] =	vst v2  }
0x137: {  	s14 =	simm.s32 $0x2400;
	s25 =	sand.u32 $0x380, s23;
	s0 =	sshrl.u32 s0, $0x2;
	[tilespmem:$0x2B0] =	vst v3  }
0x138: {  	s31 =	sor.u32 s25, s0;
	v0 =	vld [tilespmem:s14+$0x80]  }
0x139: {  	s9 =	simm.s32 $0x1000;
	v1 =	vld [tilespmem:s31+$0x6300]  }
0x13a: {  	s0 =	sand.u32 $0x5000, s9  }
0x13b: {  	s12 =	simm.s32 $0x2000;
	s0 =	sshrl.u32 s0, $0x2  }
0x13c: {  	s8 =	sor.u32 s25, s0;
	s0 =	sand.u32 $0x6000, s12  }
0x13d: {  	s0 =	sshrl.u32 s0, $0x2  }
0x13e: {  	s12 =	sor.u32 s25, s0;
	v2 =	vld [tilespmem:s8+$0x6300];
	v0 =	vadd.f32 v1, v0  }
0x13f: {  	v4 =	vld [tilespmem:s12+$0x6300]  }
0x140: {  	v1 =	vld [tilespmem:s14+$0xFFFFFF80];
	v0 =	vmax.f32 v0, $0.0e+00  }
0x141: {  	[tilespmem:s14+$0x80] =	vst v0;
	v0 =	vld [tilespmem:s14+$0x90]  }
0x142: {  	v3 =	vld [tilespmem:s31+$0x6310]  }
0x143: {  	s2 =	sand.u32 $0x4000, s23;
	v5 =	vld [tilespmem:s14+$0x0]  }
0x144: {  	s2 =	sshrl.u32 s2, $0x2;
	v8 =	vld [tilespmem:s14+$0xFFFFFF20]  }
0x145: {  	s2 =	sor.u32 s25, s2;
	v9 =	vld [tilespmem:s14+$0xFFFFFFB0]  }
0x146: {  	v1 =	vadd.f32 v2, v1;
	v2 =	vld [tilespmem:s2+$0x6300]  }
0x147: {  	v0 =	vadd.f32 v3, v0;
	v3 =	vld [tilespmem:s14+$0xFFFFFF00]  }
0x148: {  	v10 =	vld [tilespmem:s14+$0x50];
	v1 =	vmax.f32 v1, $0.0e+00  }
0x149: {  	[tilespmem:s14+$0xFFFFFF80] =	vst v1;
	v1 =	vld [tilespmem:s14+$0xFFFFFF90]  }
0x14a: {  	v6 =	vld [tilespmem:s8+$0x6310];
	v0 =	vmax.f32 v0, $0.0e+00  }
0x14b: {  	v4 =	vadd.f32 v4, v5;
	[tilespmem:s14+$0x90] =	vst v0;
	v0 =	vld [tilespmem:s14+$0xA0]  }
0x14c: {  	v7 =	vld [tilespmem:s31+$0x6320];
	v2 =	vadd.f32 v2, v3  }
0x14d: {  	v5 =	vld [tilespmem:s14+$0xFFFFFF10];
	v3 =	vmax.f32 v4, $0.0e+00  }
0x14e: {  	v4 =	vld [tilespmem:s14+$0x10];
	[tilespmem:s14+$0x0] =	vst v3;
	v2 =	vmax.f32 v2, $0.0e+00  }
0x14f: {  	v1 =	vadd.f32 v6, v1;
	v3 =	vld [tilespmem:s12+$0x6310];
	[tilespmem:s14+$0xFFFFFF00] =	vst v2  }
0x150: {  	s15 =	simm.s32 $0x7000;
	s9 =	simm.s32 $0x2600;
	v6 =	vld [tilespmem:s2+$0x6310]  }
0x151: {  	s22 =	simm.s32 $0x40;
	s0 =	sand.u32 $0x7000, s15;
	v13 =	vld [tilespmem:s9+$0xFFFFFF80];
	v1 =	vmax.f32 v1, $0.0e+00;
	v0 =	vadd.f32 v7, v0  }
0x152: {  	s23 =	simm.s32 $0x5000;
	s15 =	sand.u32 $0x380, s22;
	s0 =	sshrl.u32 s0, $0x2;
	v2 =	vld [tilespmem:s14+$0xFFFFFFA0];
	[tilespmem:s14+$0xFFFFFF90] =	vst v1  }
0x153: {  	s4 =	sor.u32 s15, s0;
	s0 =	sand.u32 $0x5000, s23;
	v1 =	vld [tilespmem:s8+$0x6320];
	v0 =	vmax.f32 v0, $0.0e+00  }
0x154: {  	s0 =	sshrl.u32 s0, $0x2;
	[tilespmem:s14+$0xA0] =	vst v0;
	v0 =	vld [tilespmem:s14+$0xB0];
	v3 =	vadd.f32 v3, v4  }
0x155: {  	s23 =	sor.u32 s15, s0;
	v7 =	vld [tilespmem:s31+$0x6330];
	v5 =	vadd.f32 v6, v5  }
0x156: {  	v14 =	vld [tilespmem:s23+$0x6300];
	v3 =	vmax.f32 v3, $0.0e+00  }
0x157: {  	v4 =	vld [tilespmem:s14+$0x20];
	[tilespmem:s14+$0x10] =	vst v3;
	v5 =	vmax.f32 v5, $0.0e+00  }
0x158: {  	v1 =	vadd.f32 v1, v2;
	v2 =	vld [tilespmem:s12+$0x6320];
	[tilespmem:s14+$0xFFFFFF10] =	vst v5  }
0x159: {  	v3 =	vld [tilespmem:s2+$0x6320]  }
0x15a: {  	v16 =	vld [tilespmem:s9+$0x0];
	v1 =	vmax.f32 v1, $0.0e+00;
	v0 =	vadd.f32 v7, v0  }
0x15b: {  	v17 =	vld [tilespmem:s9+$0xFFFFFF00];
	[tilespmem:s14+$0xFFFFFFA0] =	vst v1  }
0x15c: {  	v1 =	vld [tilespmem:s8+$0x6330];
	v0 =	vmax.f32 v0, $0.0e+00  }
0x15d: {  	[tilespmem:s14+$0xB0] =	vst v0;
	v0 =	vld [tilespmem:s14+$0xC0];
	v2 =	vadd.f32 v2, v4  }
0x15e: {  	v4 =	vld [tilespmem:s31+$0x6340];
	v3 =	vadd.f32 v3, v8  }
0x15f: {  	v6 =	vld [tilespmem:s14+$0xFFFFFF30];
	v2 =	vmax.f32 v2, $0.0e+00  }
0x160: {  	v5 =	vld [tilespmem:s14+$0x30];
	[tilespmem:s14+$0x20] =	vst v2;
	v3 =	vmax.f32 v3, $0.0e+00  }
0x161: {  	v2 =	vld [tilespmem:s12+$0x6330];
	[tilespmem:s14+$0xFFFFFF20] =	vst v3  }
0x162: {  	v1 =	vadd.f32 v1, v9;
	v3 =	vld [tilespmem:s2+$0x6330]  }
0x163: {  	v39 =	vld [tilespmem:s9+$0x90];
	v0 =	vadd.f32 v4, v0  }
0x164: {  	v7 =	vld [tilespmem:s14+$0xFFFFFF40];
	v1 =	vmax.f32 v1, $0.0e+00  }
0x165: {  	v8 =	vld [tilespmem:s14+$0xFFFFFFC0];
	[tilespmem:s14+$0xFFFFFFB0] =	vst v1;
	v0 =	vmax.f32 v0, $0.0e+00  }
0x166: {  	v1 =	vld [tilespmem:s8+$0x6340];
	[tilespmem:s14+$0xC0] =	vst v0;
	v0 =	vadd.f32 v2, v5  }
0x167: {  	v2 =	vld [tilespmem:s14+$0xD0];
	v3 =	vadd.f32 v3, v6  }
0x168: {  	v5 =	vld [tilespmem:s31+$0x6350];
	v6 =	vmax.f32 v0, $0.0e+00  }
0x169: {  	v4 =	vld [tilespmem:s14+$0x40];
	[tilespmem:s14+$0x30] =	vst v6;
	v3 =	vmax.f32 v3, $0.0e+00  }
0x16a: {  	[tilespmem:s14+$0xFFFFFF30] =	vst v3;
	v3 =	vld [tilespmem:s12+$0x6340]  }
0x16b: {  	v1 =	vadd.f32 v1, v8;
	v6 =	vld [tilespmem:s2+$0x6340]  }
0x16c: {  	v18 =	vld [tilespmem:s14+$0xFFFFFFF0]  }
0x16d: {  	v19 =	vld [tilespmem:s9+$0xFFFFFF10];
	v1 =	vmax.f32 v1, $0.0e+00;
	v11 =	vadd.f32 v5, v2  }
0x16e: {  	v8 =	vld [tilespmem:s14+$0xFFFFFFD0];
	[tilespmem:s14+$0xFFFFFFC0] =	vst v1  }
0x16f: {  	v1 =	vmax.f32 v11, $0.0e+00;
	v3 =	vadd.f32 v3, v4;
	v4 =	vld [tilespmem:s8+$0x6350]  }
0x170: {  	[tilespmem:s14+$0xD0] =	vst v1;
	v1 =	vadd.f32 v6, v7;
	v6 =	vld [tilespmem:s14+$0xE0]  }
0x171: {  	v7 =	vld [tilespmem:s31+$0x6360]  }
0x172: {  	v42 =	vld [tilespmem:s9+$0x10]  }
0x173: {  	v43 =	vld [tilespmem:s9+$0xFFFFFF20]  }
0x174: {  	v45 =	vld [tilespmem:s14+$0x70];
	v8 =	vadd.f32 v4, v8  }
0x175: {  	v20 =	vld [tilespmem:s9+$0xFFFFFFA0]  }
0x176: {  	v6 =	vadd.f32 v7, v6;
	v7 =	vmax.f32 v8, $0.0e+00;
	v8 =	vld [tilespmem:s9+$0x80]  }
0x177: {  	[tilespmem:s14+$0xFFFFFFD0] =	vst v7;
	v7 =	vld [tilespmem:s4+$0x6300]  }
0x178: {  	v50 =	vld [tilespmem:s9+$0xFFFFFFB0];
	v6 =	vmax.f32 v6, $0.0e+00  }
0x179: {  	s25 =	simm.s32 $0x6000;
	v51 =	vld [tilespmem:s9+$0x30];
	[tilespmem:s14+$0xE0] =	vst v6  }
0x17a: {  	s25 =	sand.u32 $0x6000, s25;
	v6 =	vld [tilespmem:s31+$0x6370];
	s31 =	simm.s32 $0x4000  }
0x17b: {  	v52 =	vld [tilespmem:s9+$0xFFFFFFC0];
	s3 =	sand.u32 $0x4000, s31;
	s31 =	sshrl.u32 s25, $0x2  }
0x17c: {  	v54 =	vld [tilespmem:s9+$0x40];
	s3 =	sshrl.u32 s3, $0x2;
	s28 =	sor.u32 s15, s31;
	v7 =	vadd.f32 v7, v8  }
0x17d: {  	s15 =	sor.u32 s15, s3;
	v15 =	vld [tilespmem:s28+$0x6300]  }
0x17e: {  	v8 =	vld [tilespmem:s15+$0x6300];
	v7 =	vmax.f32 v7, $0.0e+00  }
0x17f: {  	v21 =	vld [tilespmem:s9+$0xFFFFFF50];
	v3 =	vmax.f32 v3, $0.0e+00;
	[tilespmem:s9+$0x80] =	vst v7  }
0x180: {  	[tilespmem:s14+$0x40] =	vst v3;
	v7 =	vadd.f32 v14, v13;
	v40 =	vld [tilespmem:s4+$0x6310]  }
0x181: {  	v3 =	vld [tilespmem:s12+$0x6350]  }
0x182: {  	v56 =	vld [tilespmem:s9+$0xD0];
	v7 =	vmax.f32 v7, $0.0e+00;
	v15 =	vadd.f32 v15, v16  }
0x183: {  	[tilespmem:s9+$0xFFFFFF80] =	vst v7;
	v7 =	vld [tilespmem:s9+$0xFFFFFF90];
	v8 =	vadd.f32 v8, v17  }
0x184: {  	v41 =	vld [tilespmem:s23+$0x6310];
	v15 =	vmax.f32 v15, $0.0e+00  }
0x185: {  	v9 =	vld [tilespmem:s14+$0xFFFFFF50];
	v8 =	vmax.f32 v8, $0.0e+00;
	[tilespmem:s9+$0x0] =	vst v15;
	v13 =	vadd.f32 v40, v39  }
0x186: {  	v1 =	vmax.f32 v1, $0.0e+00;
	v3 =	vadd.f32 v3, v10;
	[tilespmem:s9+$0xFFFFFF00] =	vst v8;
	v8 =	vld [tilespmem:s28+$0x6310]  }
0x187: {  	[tilespmem:s14+$0xFFFFFF40] =	vst v1;
	v44 =	vld [tilespmem:s15+$0x6310];
	v10 =	vmax.f32 v13, $0.0e+00  }
0x188: {  	v3 =	vmax.f32 v3, $0.0e+00;
	[tilespmem:s9+$0x90] =	vst v10;
	v10 =	vld [tilespmem:s9+$0xA0]  }
0x189: {  	[tilespmem:s14+$0x50] =	vst v3;
	v7 =	vadd.f32 v41, v7;
	v3 =	vld [tilespmem:s4+$0x6320]  }
0x18a: {  	v11 =	vld [tilespmem:s2+$0x6350]  }
0x18b: {  	v62 =	vld [tilespmem:s9+$0xE0];
	v7 =	vmax.f32 v7, $0.0e+00  }
0x18c: {  	v0 =	vld [tilespmem:s14+$0xFFFFFF60];
	v8 =	vadd.f32 v8, v42;
	[tilespmem:s9+$0xFFFFFF90] =	vst v7  }
0x18d: {  	v13 =	vadd.f32 v44, v19;
	v47 =	vld [tilespmem:s23+$0x6320]  }
0x18e: {  	v5 =	vld [tilespmem:s14+$0xFFFFFFE0];
	v8 =	vmax.f32 v8, $0.0e+00;
	v3 =	vadd.f32 v3, v10  }
0x18f: {  	v7 =	vld [tilespmem:s9+$0x20];
	v13 =	vmax.f32 v13, $0.0e+00;
	[tilespmem:s9+$0x10] =	vst v8;
	v8 =	vadd.f32 v11, v9  }
0x190: {  	[tilespmem:s9+$0xFFFFFF10] =	vst v13;
	v9 =	vld [tilespmem:s28+$0x6320];
	v3 =	vmax.f32 v3, $0.0e+00  }
0x191: {  	v11 =	vld [tilespmem:s15+$0x6320];
	[tilespmem:s9+$0xA0] =	vst v3;
	v3 =	vmax.f32 v8, $0.0e+00  }
0x192: {  	v8 =	vld [tilespmem:s9+$0xB0];
	[tilespmem:s14+$0xFFFFFF50] =	vst v3;
	v3 =	vadd.f32 v47, v20  }
0x193: {  	v48 =	vld [tilespmem:s4+$0x6330]  }
0x194: {  	v2 =	vld [tilespmem:s14+$0x60];
	v3 =	vmax.f32 v3, $0.0e+00  }
0x195: {  	v1 =	vld [tilespmem:s14+$0xFFFFFF70];
	[tilespmem:s9+$0xFFFFFFA0] =	vst v3;
	v3 =	vadd.f32 v9, v7  }
0x196: {  	v7 =	vadd.f32 v11, v43;
	v9 =	vld [tilespmem:s23+$0x6330]  }
0x197: {  	v12 =	vld [tilespmem:s8+$0x6360];
	v3 =	vmax.f32 v3, $0.0e+00  }
0x198: {  	v10 =	vld [tilespmem:s9+$0xFFFFFF30];
	v8 =	vadd.f32 v48, v8;
	v7 =	vmax.f32 v7, $0.0e+00;
	[tilespmem:s9+$0x20] =	vst v3  }
0x199: {  	[tilespmem:s9+$0xFFFFFF20] =	vst v7;
	v3 =	vld [tilespmem:s28+$0x6330]  }
0x19a: {  	v7 =	vmax.f32 v8, $0.0e+00;
	v8 =	vld [tilespmem:s15+$0x6330]  }
0x19b: {  	[tilespmem:s9+$0xB0] =	vst v7;
	v7 =	vadd.f32 v9, v50;
	v9 =	vld [tilespmem:s9+$0xC0]  }
0x19c: {  	v53 =	vld [tilespmem:s4+$0x6340]  }
0x19d: {  	v4 =	vld [tilespmem:s14+$0xF0];
	v5 =	vadd.f32 v12, v5  }
0x19e: {  	v46 =	vld [tilespmem:s12+$0x6360];
	v7 =	vmax.f32 v7, $0.0e+00;
	v3 =	vadd.f32 v3, v51  }
0x19f: {  	v58 =	vmax.f32 v5, $0.0e+00;
	v5 =	vld [tilespmem:s9+$0x60];
	[tilespmem:s9+$0xFFFFFFB0] =	vst v7  }
0x1a0: {  	[tilespmem:s14+$0xFFFFFFE0] =	vst v58;
	v8 =	vadd.f32 v8, v10;
	v7 =	vld [tilespmem:s23+$0x6340];
	v3 =	vmax.f32 v3, $0.0e+00  }
0x1a1: {  	v60 =	vld [tilespmem:s8+$0x6370];
	v9 =	vadd.f32 v53, v9;
	[tilespmem:s9+$0x30] =	vst v3  }
0x1a2: {  	v8 =	vmax.f32 v8, $0.0e+00;
	v55 =	vld [tilespmem:s28+$0x6340]  }
0x1a3: {  	v11 =	vld [tilespmem:s9+$0xFFFFFF40];
	[tilespmem:s9+$0xFFFFFF30] =	vst v8;
	v9 =	vmax.f32 v9, $0.0e+00  }
0x1a4: {  	[tilespmem:s9+$0xC0] =	vst v9;
	v9 =	vld [tilespmem:s15+$0x6340]  }
0x1a5: {  	v49 =	vld [tilespmem:s2+$0x6360];
	v13 =	vadd.f32 v7, v52  }
0x1a6: {  	v10 =	vld [tilespmem:s9+$0x50]  }
0x1a7: {  	v57 =	vld [tilespmem:s4+$0x6350];
	v13 =	vmax.f32 v13, $0.0e+00;
	v14 =	vadd.f32 v55, v54  }
0x1a8: {  	v2 =	vadd.f32 v46, v2;
	v8 =	vld [tilespmem:s9+$0xFFFFFFD0];
	[tilespmem:s9+$0xFFFFFFC0] =	vst v13  }
0x1a9: {  	v9 =	vadd.f32 v9, v11;
	v11 =	vld [tilespmem:s23+$0x6350];
	v59 =	vmax.f32 v14, $0.0e+00  }
0x1aa: {  	v2 =	vmax.f32 v2, $0.0e+00;
	v0 =	vadd.f32 v49, v0;
	v3 =	vld [tilespmem:s9+$0xFFFFFF60];
	[tilespmem:s9+$0x40] =	vst v59  }
0x1ab: {  	[tilespmem:s14+$0x60] =	vst v2;
	v2 =	vmax.f32 v9, $0.0e+00;
	v61 =	vld [tilespmem:s28+$0x6350]  }
0x1ac: {  	v0 =	vmax.f32 v0, $0.0e+00;
	v9 =	vadd.f32 v57, v56;
	[tilespmem:s9+$0xFFFFFF40] =	vst v2;
	v2 =	vld [tilespmem:s12+$0x6370]  }
0x1ad: {  	[tilespmem:s14+$0xFFFFFF60] =	vst v0;
	v0 =	vadd.f32 v6, v4;
	v6 =	vld [tilespmem:s15+$0x6350]  }
0x1ae: {  	v4 =	vmax.f32 v9, $0.0e+00;
	v9 =	vld [tilespmem:s2+$0x6370];
	v8 =	vadd.f32 v11, v8  }
0x1af: {  	v0 =	vmax.f32 v0, $0.0e+00;
	v7 =	vld [tilespmem:s9+$0xFFFFFFE0];
	[tilespmem:s9+$0xD0] =	vst v4;
	v11 =	vadd.f32 v60, v18  }
0x1b0: {  	[tilespmem:s14+$0xF0] =	vst v0;
	v63 =	vld [tilespmem:s4+$0x6360];
	v0 =	vmax.f32 v8, $0.0e+00;
	v8 =	vadd.f32 v61, v10  }
0x1b1: {  	v4 =	vld [tilespmem:s9+$0xFFFFFF70];
	v2 =	vadd.f32 v2, v45;
	[tilespmem:s9+$0xFFFFFFD0] =	vst v0;
	v0 =	vmax.f32 v11, $0.0e+00  }
0x1b2: {  	v10 =	vadd.f32 v6, v21;
	v6 =	vld [tilespmem:s23+$0x6360];
	[tilespmem:s14+$0xFFFFFFF0] =	vst v0;
	v8 =	vmax.f32 v8, $0.0e+00  }
0x1b3: {  	v0 =	vld [tilespmem:s9+$0xFFFFFFF0];
	v11 =	vadd.f32 v9, v1;
	v2 =	vmax.f32 v2, $0.0e+00;
	[tilespmem:s9+$0x50] =	vst v8  }
0x1b4: {  	v1 =	vld [tilespmem:s9+$0x70];
	[tilespmem:s14+$0x70] =	vst v2;
	v2 =	vmax.f32 v10, $0.0e+00  }
0x1b5: {  	s8 =	simm.s32 $0x8000;
	s12 =	simm.s32 $0x2600;
	s2 =	simm.s32 $0x4;
	v9 =	vadd.f32 v63, v62;
	[tilespmem:s9+$0xFFFFFF50] =	vst v2;
	v8 =	vld [tilespmem:s28+$0x6360];
	v2 =	vmax.f32 v11, $0.0e+00  }
.LBB2_5:
0x1b6: {  	s0 =	sadd.s32 $0x3000, s8;
	s2 =	sadd.s32 $0x4, s2;
	v10 =	vld [tilespmem:s15+$0x6360];
	s22 =	sadd.s32 $0x40, s22;
	[tilespmem:s14+$0xFFFFFF70] =	vst v2;
	v2 =	vmov v4  }
0x1b7: {  	s12 =	sadd.s32 $0x200, s12;
	s0 =	sand.u32 $0x7000, s0;
	p1 =	slt.u32 s2, $0x3C;
	v4 =	vadd.f32 v6, v7;
	v6 =	vmax.f32 v9, $0.0e+00;
	v7 =	vld [tilespmem:s9+$0xF0]  }
0x1b8: {  	s14 =	sadd.s32 $0x1000, s8;
	s3 =	sand.u32 $0x380, s22;
	v9 =	vld [tilespmem:s12+$0x80];
	s0 =	sshrl.u32 s0, $0x2;
	[tilespmem:s9+$0xE0] =	vst v6  }
0x1b9: {  	s25 =	sadd.s32 $0x2000, s8;
	s14 =	sand.u32 $0x5000, s14;
	v4 =	vmax.f32 v4, $0.0e+00;
	v6 =	vld [tilespmem:s4+$0x6370];
	s4 =	sor.u32 s3, s0  }
0x1ba: {  	s25 =	sand.u32 $0x6000, s25;
	s14 =	sshrl.u32 s14, $0x2;
	s0 =	sand.u32 $0x4000, s8;
	v11 =	vld [tilespmem:s4+$0x6300];
	[tilespmem:s9+$0xFFFFFFE0] =	vst v4;
	v4 =	vadd.f32 v8, v5  }
0x1bb: {  	s31 =	sor.u32 s3, s14;
	s14 =	sshrl.u32 s25, $0x2;
	s0 =	sshrl.u32 s0, $0x2;
	v5 =	vld [tilespmem:s12+$0xFFFFFF80];
	v3 =	vadd.f32 v10, v3  }
0x1bc: {  	s25 =	sor.u32 s3, s0;
	s3 =	sor.u32 s3, s14;
	s14 =	smov.u32 s9;
	v8 =	vld [tilespmem:s31+$0x6300];
	v4 =	vmax.f32 v4, $0.0e+00  }
0x1bd: {  	s9 =	smov.u32 s12;
	v10 =	vld [tilespmem:s3+$0x6300];
	v3 =	vmax.f32 v3, $0.0e+00;
	[tilespmem:s14+$0x60] =	vst v4  }
0x1be: {  	v4 =	vld [tilespmem:s25+$0x6300];
	[tilespmem:s14+$0xFFFFFF60] =	vst v3;
	v3 =	vadd.f32 v6, v7  }
0x1bf: {  	v6 =	vld [tilespmem:s12+$0x0];
	v7 =	vadd.f32 v11, v9  }
0x1c0: {  	v9 =	vld [tilespmem:s12+$0xFFFFFF00];
	v3 =	vmax.f32 v3, $0.0e+00  }
0x1c1: {  	v11 =	vld [tilespmem:s12+$0xFFFFFF10];
	v5 =	vadd.f32 v8, v5;
	v7 =	vmax.f32 v7, $0.0e+00;
	[tilespmem:s14+$0xF0] =	vst v3  }
0x1c2: {  	[tilespmem:s12+$0x80] =	vst v7;
	v3 =	vld [tilespmem:s12+$0x90]  }
0x1c3: {  	v5 =	vmax.f32 v5, $0.0e+00;
	v7 =	vld [tilespmem:s4+$0x6310]  }
0x1c4: {  	[tilespmem:s12+$0xFFFFFF80] =	vst v5;
	v5 =	vld [tilespmem:s12+$0xFFFFFF90];
	v6 =	vadd.f32 v10, v6  }
0x1c5: {  	v4 =	vadd.f32 v4, v9;
	v8 =	vld [tilespmem:s31+$0x6310]  }
0x1c6: {  	v6 =	vmax.f32 v6, $0.0e+00;
	v9 =	vld [tilespmem:s12+$0x10]  }
0x1c7: {  	v4 =	vmax.f32 v4, $0.0e+00;
	v10 =	vld [tilespmem:s12+$0xFFFFFF20];
	[tilespmem:s12+$0x0] =	vst v6  }
0x1c8: {  	[tilespmem:s12+$0xFFFFFF00] =	vst v4;
	v4 =	vld [tilespmem:s3+$0x6310];
	v3 =	vadd.f32 v7, v3  }
0x1c9: {  	v6 =	vld [tilespmem:s25+$0x6310]  }
0x1ca: {  	v5 =	vadd.f32 v8, v5;
	v7 =	vld [tilespmem:s12+$0xFFFFFFA0];
	v3 =	vmax.f32 v3, $0.0e+00  }
0x1cb: {  	[tilespmem:s12+$0x90] =	vst v3;
	v3 =	vld [tilespmem:s12+$0xA0]  }
0x1cc: {  	v5 =	vmax.f32 v5, $0.0e+00;
	v8 =	vld [tilespmem:s4+$0x6320]  }
0x1cd: {  	[tilespmem:s12+$0xFFFFFF90] =	vst v5;
	v4 =	vadd.f32 v4, v9;
	v5 =	vld [tilespmem:s12+$0x20]  }
0x1ce: {  	v6 =	vadd.f32 v6, v11;
	v9 =	vld [tilespmem:s31+$0x6320]  }
0x1cf: {  	v11 =	vld [tilespmem:s12+$0xFFFFFF30];
	v4 =	vmax.f32 v4, $0.0e+00  }
0x1d0: {  	v6 =	vmax.f32 v6, $0.0e+00;
	v12 =	vld [tilespmem:s12+$0xFFFFFFB0];
	[tilespmem:s12+$0x10] =	vst v4  }
0x1d1: {  	[tilespmem:s12+$0xFFFFFF10] =	vst v6;
	v4 =	vld [tilespmem:s3+$0x6320];
	v3 =	vadd.f32 v8, v3  }
0x1d2: {  	v6 =	vld [tilespmem:s25+$0x6320]  }
0x1d3: {  	v7 =	vadd.f32 v9, v7;
	v8 =	vld [tilespmem:s12+$0x30];
	v3 =	vmax.f32 v3, $0.0e+00  }
0x1d4: {  	[tilespmem:s12+$0xA0] =	vst v3;
	v3 =	vld [tilespmem:s12+$0xB0]  }
0x1d5: {  	v7 =	vmax.f32 v7, $0.0e+00;
	v9 =	vld [tilespmem:s4+$0x6330]  }
0x1d6: {  	v13 =	vld [tilespmem:s12+$0xFFFFFF40];
	[tilespmem:s12+$0xFFFFFFA0] =	vst v7;
	v4 =	vadd.f32 v4, v5  }
0x1d7: {  	v5 =	vadd.f32 v6, v10;
	v6 =	vld [tilespmem:s31+$0x6330]  }
0x1d8: {  	v7 =	vld [tilespmem:s12+$0xFFFFFFC0];
	v4 =	vmax.f32 v4, $0.0e+00  }
0x1d9: {  	v5 =	vmax.f32 v5, $0.0e+00;
	[tilespmem:s12+$0x20] =	vst v4;
	v4 =	vld [tilespmem:s12+$0x40]  }
0x1da: {  	[tilespmem:s12+$0xFFFFFF20] =	vst v5;
	v5 =	vld [tilespmem:s3+$0x6330];
	v3 =	vadd.f32 v9, v3  }
0x1db: {  	v9 =	vld [tilespmem:s25+$0x6330]  }
0x1dc: {  	v10 =	vld [tilespmem:s12+$0xFFFFFF50];
	v6 =	vadd.f32 v6, v12;
	v3 =	vmax.f32 v3, $0.0e+00  }
0x1dd: {  	[tilespmem:s12+$0xB0] =	vst v3;
	v12 =	vld [tilespmem:s12+$0xC0]  }
0x1de: {  	v3 =	vmax.f32 v6, $0.0e+00;
	v6 =	vld [tilespmem:s4+$0x6340]  }
0x1df: {  	[tilespmem:s12+$0xFFFFFFB0] =	vst v3;
	v14 =	vld [tilespmem:s12+$0xFFFFFFD0];
	v3 =	vadd.f32 v5, v8  }
0x1e0: {  	v5 =	vadd.f32 v9, v11;
	v8 =	vld [tilespmem:s31+$0x6340]  }
0x1e1: {  	v9 =	vmax.f32 v3, $0.0e+00;
	v11 =	vld [tilespmem:s12+$0x50]  }
0x1e2: {  	v5 =	vmax.f32 v5, $0.0e+00;
	v3 =	vld [tilespmem:s12+$0xFFFFFF60];
	[tilespmem:s12+$0x30] =	vst v9  }
0x1e3: {  	[tilespmem:s12+$0xFFFFFF30] =	vst v5;
	v5 =	vld [tilespmem:s3+$0x6340];
	v6 =	vadd.f32 v6, v12  }
0x1e4: {  	v9 =	vld [tilespmem:s25+$0x6340]  }
0x1e5: {  	v8 =	vadd.f32 v8, v7;
	v7 =	vld [tilespmem:s12+$0xFFFFFFE0];
	v6 =	vmax.f32 v6, $0.0e+00  }
0x1e6: {  	[tilespmem:s12+$0xC0] =	vst v6;
	v6 =	vld [tilespmem:s12+$0xD0]  }
0x1e7: {  	v8 =	vmax.f32 v8, $0.0e+00;
	v12 =	vld [tilespmem:s4+$0x6350]  }
0x1e8: {  	[tilespmem:s12+$0xFFFFFFC0] =	vst v8;
	v4 =	vadd.f32 v5, v4;
	v5 =	vld [tilespmem:s12+$0x60]  }
0x1e9: {  	v8 =	vadd.f32 v9, v13;
	v9 =	vld [tilespmem:s31+$0x6350]  }
0x1ea: {  	v4 =	vmax.f32 v4, $0.0e+00;
	v13 =	vld [tilespmem:s23+$0x6370];
	s23 =	smov.u32 s31  }
0x1eb: {  	v8 =	vmax.f32 v8, $0.0e+00;
	[tilespmem:s12+$0x40] =	vst v4;
	v4 =	vld [tilespmem:s28+$0x6370];
	s28 =	smov.u32 s3  }
0x1ec: {  	[tilespmem:s12+$0xFFFFFF40] =	vst v8;
	v8 =	vld [tilespmem:s28+$0x6350];
	v6 =	vadd.f32 v12, v6  }
0x1ed: {  	v12 =	vld [tilespmem:s25+$0x6350]  }
0x1ee: {  	v9 =	vadd.f32 v9, v14;
	v6 =	vmax.f32 v6, $0.0e+00;
	v14 =	vld [tilespmem:s15+$0x6370];
	s15 =	smov.u32 s25  }
0x1ef: {  	[tilespmem:s12+$0xD0] =	vst v6;
	v15 =	vld [tilespmem:s12+$0xE0];
	v0 =	vadd.f32 v13, v0  }
0x1f0: {  	v6 =	vmax.f32 v9, $0.0e+00;
	v9 =	vld [tilespmem:s4+$0x6360];
	v1 =	vadd.f32 v4, v1  }
.Ltmp1:
0x1f1: {  	v4 =	vld [tilespmem:s12+$0xFFFFFF70];
	[tilespmem:s12+$0xFFFFFFD0] =	vst v6;
	v8 =	vadd.f32 v8, v11;
	v0 =	vmax.f32 v0, $0.0e+00;
	(pc) =	sbr.rel @p1 .LBB2_5-.Ltmp1, $4  }
0x1f2: {  	v10 =	vadd.f32 v12, v10;
	v6 =	vld [tilespmem:s23+$0x6360];
	[tilespmem:s14+$0xFFFFFFF0] =	vst v0;
	v1 =	vmax.f32 v1, $0.0e+00  }
0x1f3: {  	v0 =	vld [tilespmem:s12+$0xFFFFFFF0];
	v8 =	vmax.f32 v8, $0.0e+00;
	v2 =	vadd.f32 v14, v2;
	[tilespmem:s14+$0x70] =	vst v1  }
0x1f4: {  	v10 =	vmax.f32 v10, $0.0e+00;
	[tilespmem:s12+$0x50] =	vst v8;
	v1 =	vld [tilespmem:s12+$0x70]  }
0x1f5: {  	s8 =	sadd.s32 $0x4000, s8;
	[tilespmem:s12+$0xFFFFFF50] =	vst v10;
	v8 =	vld [tilespmem:s28+$0x6360];
	v9 =	vadd.f32 v9, v15;
	v2 =	vmax.f32 v2, $0.0e+00  }
0x1f6: {  	v10 =	vld [tilespmem:s15+$0x6360];
	_ =	sdelay $0x2  }
0x1f7: {  	v6 =	vadd.f32 v6, v7  }
0x1f8: {  	v55 =	vmax.f32 v9, $0.0e+00;
	v5 =	vadd.f32 v8, v5  }
0x1f9: {  	v56 =	vld [tilespmem:s9+$0xF0];
	[tilespmem:s9+$0xE0] =	vst v55;
	v6 =	vmax.f32 v6, $0.0e+00;
	v3 =	vadd.f32 v10, v3  }
0x1fa: {  	v7 =	vld [tilespmem:s4+$0x6370];
	[tilespmem:s9+$0xFFFFFFE0] =	vst v6;
	v5 =	vmax.f32 v5, $0.0e+00  }
0x1fb: {  	v57 =	vld [tilespmem:s23+$0x6370];
	v3 =	vmax.f32 v3, $0.0e+00;
	[tilespmem:s9+$0x60] =	vst v5  }
0x1fc: {  	[tilespmem:s9+$0xFFFFFF60] =	vst v3;
	v58 =	vld [tilespmem:s28+$0x6370]  }
0x1fd: {  	v59 =	vld [tilespmem:s15+$0x6370];
	_ =	sdelay $0x1  }
0x1fe: {  	v7 =	vadd.f32 v7, v56  }
0x1ff: {  	v0 =	vadd.f32 v57, v0  }
0x200: {  	[tilespmem:s14+$0xFFFFFF70] =	vst v2;
	v60 =	vmax.f32 v7, $0.0e+00;
	v1 =	vadd.f32 v58, v1  }
0x201: {  	[tilespmem:s9+$0xF0] =	vst v60;
	v0 =	vmax.f32 v0, $0.0e+00;
	v61 =	vadd.f32 v59, v4  }
0x202: {  	[tilespmem:s9+$0xFFFFFFF0] =	vst v0;
	v62 =	vmax.f32 v1, $0.0e+00  }
0x203: {  	[tilespmem:s9+$0x70] =	vst v62;
	v63 =	vmax.f32 v61, $0.0e+00  }
0x204: {  	s0 =	rddreg [dreg:$0x2];
	s2 =	simm.s32 $0x280;
	[tilespmem:s9+$0xFFFFFF70] =	vst v63  }
0x205: {  	[spmem:s0] =	stream.indirect.scatter.add.f32 [tilespmem:s24], [sflag:$0x8], $0x80, s2, s30, $0xb8;
	[tilespmem:$0x1BF00] =	vst v63  }
0x206: {  	s0 =	sadd.s32 @!p0 s21, s19  }
0x207: {  	s0 =	sshll.u32 @!p0 s0, $0x3  }
0x208: {  	s3 =	simm.s32 @!p0 $0x0;
	s4 =	simm.s32 @!p0 $0x80;
	s2 =	sadd.s32 @!p0 s6, s0  }
0x209: {  	[tilespmem:s4], [sflag:$0x2] =	stream.linear.gather @!p0 [hbm4b:s2+s3], $0x40, $0x38;
	[tilespmem:$0x1BF00] =	vst v63  }
0x20a: {  	s20 =	sadd.s32 $0x1, s20;
	s0 =	sadd.s32 @!p0 s7, s0;
	s2 =	simm.s32 @!p0 $0x180  }
0x20b: {  	[tilespmem:s2], [sflag:$0x2] =	stream.linear.gather @!p0 [hbm4b:s0+s3], $0x40, $0x38;
	[tilespmem:$0x1BF00] =	vst v63  }
0x20c: {  	p0 =	sne.s32 s20, s13  }
.Ltmp2:
0x20d: {  	_ = 	snop;
	(pc) =	sbr.rel @p0 .LBB2_2-.Ltmp2, $1  }
0x20e: {  	_ =	sdelay $0x3  }
0x20f: {  	s0 =	simm.s32 $0x8  }
0x210: {  	_ =	swait.ge [sflag:s0], $0x2000  }
0x211: {  	[sflag:s0] =	ssyncset.done $0x0  }
0x212: {  	[sflag:s0] =	ssyncadd.s32 $0xFFFFE000  }
0x213: {  	[bflag:$0x0] =	sbarrier.arrive $0xFFFF  }
0x214: {  	s12 =	rddreg [dreg:$0x5]  }
0x215: {  	s28 =	rddreg [dreg:$0xb]  }
0x216: {  	s3 =	simm.s32 $0x9;
	s2 =	rddreg [dreg:$0xd]  }
0x217: {  	[hbm:s28], [sflag:s12] =	dma.local [spmem:s2], $0x2780  }
0x218: {  	_ =	swait.ge [sflag:s3], $0x2780  }
0x219: {  	s4 =	rddreg [dreg:$0xe]  }
0x21a: {  	s31 =	rddreg [dreg:$0xc];
	s4 =	sadd.s32 $0x1, s4  }
0x21b: {  	p0 =	sne.s32 s4, s31  }
.Ltmp3:
0x21c: {  	_ = 	snop;
	(pc) =	sbr.rel @p0 .LBB2_1-.Ltmp3, $3  }
0x21d: {  	_ =	sdelay $0x1  }
0x21e: {  	[sflag:s3] =	ssyncset.done $0x0  }
0x21f: {  	[sflag:s3] =	ssyncadd.s32 $0xFFFFD880  }
0x220: {  	_ =	sfence.sel $0x180000  }
0x221: {  	[bflag:$0x0] =	sbarrier.arrive $0xFFFF  }
0x222: {  	_ =	strace $0x90000047  }
0x223: {  	s0 =	stileid.u32;
	[bflag:$0x2] =	sbarrier.arrive $0xFFFF  }
0x224: {  	p0 =	sne.s32 s0, $0x0;
	s0 =	rddreg [dreg:$0x3]  }
0x225: {  	s0 =	sadd.s32 @!p0 $0x100000, s0  }
0x226: {  	[sflag:s0] =	ssyncadd.tile.s32 @!p0 $0x1;
	_ =	shalt  }
.Lfunc_end2:
_tile_overlayer_lowered:
.L_overlay_start_2:
0x227: {  	(tag) =	ssettag $0x2  }
0x228: {  	s0 =	rddreg [dreg:$0x0];
	s2 =	stileid.u32  }
0x229: {  	s1 =	rddreg [dreg:$0x1];
	p0 =	sne.s32 s2, $0x0  }
0x22a: {  	s3 =	rddreg [dreg:$0x2];
	[bflag:$0x3] =	sbarrier.arrive $0xFFFF;
	s2 =	simm.s32 @!p0 $0x1C09  }
0x22b: {  	[timem:s3], [sflag:s2] =	dma.local @!p0 [hbm:s0], s1  }
0x22c: {  	s0 =	simm.s32 @!p0 $0x9  }
0x22d: {  	_ =	swait.ge @!p0 [sflag:s0], s1  }
0x22e: {  	s1 =	ssub.s32 @!p0 $0x0, s1;
	[sflag:s0] =	ssyncset.done @!p0 $0x0  }
0x22f: {  	[sflag:s0] =	ssyncadd.s32 @!p0 s1  }
0x230: {  	[bflag:$0x3] =	sbarrier.arrive $0xFFFF  }
0x231: {  	_ =	shalt  }

// kernel: kernel.7.cloned.1.call-start
scs
__scs_entry_jumppad:
0x0: {  	(pc) =	sbr.rel $0x88, $3  }
0x1: {  	(tag) =	ssettag $0x0;
	lr =	simm.s32 $0x1  }
0x2: {  	[smem:$0x3F96] =	sst lr;
	_ =	strace $0xD0000000  }
0x3: {  	_ = 	snop  }
0x4: {  	_ = 	snop  }
0x5: {  	_ = 	snop  }
0x6: {  	_ = 	snop  }
0x7: {  	_ = 	snop  }
__scs_overlays_trampoline_lowered:
0x8: {  	[smem:$0x3FA5] =	sst s0  }
0x9: {  	[smem:$0x3FA6] =	sst s1  }
0xa: {  	[smem:$0x3FA7] =	sst s2  }
0xb: {  	[smem:$0x3FA8] =	sst s3  }
0xc: {  	[smem:$0x3FA9] =	sst s4  }
0xd: {  	[smem:$0x3FAA] =	sst s5  }
0xe: {  	[smem:$0x3FAB] =	sst s6  }
0xf: {  	[smem:$0x3FAC] =	sst s7  }
0x10: {  	[smem:$0x3FAD] =	sst s8  }
0x11: {  	[smem:$0x3FAE] =	sst s9;
	s0 =	simm.s32 @!p0 $0x0  }
0x12: {  	s1 =	sld [smem:$0x3F94];
	s0 =	simm.s32 @p0 $0x1  }
0x13: {  	[smem:$0x3FAF] =	sst s0;
	s0 =	simm.s32 @!p1 $0x0  }
0x14: {  	s2 =	sld [smem:$0x3F93];
	s0 =	simm.s32 @p1 $0x1  }
0x15: {  	[smem:$0x3FB0] =	sst s0;
	s0 =	simm.s32 @!p2 $0x0  }
0x16: {  	s3 =	sld [smem:$0x3FDB];
	s0 =	simm.s32 @p2 $0x1  }
0x17: {  	s4 =	simm.s32 $0x1BF5;
	[smem:$0x3FB2] =	sst s0  }
0x18: {  	s0 =	sld [smem:$0x3F95];
	_ =	swait.ge [sflag:s4], $0x0  }
0x19: {  	s7 =	sld [smem:$0x3F96]  }
0x1a: {  	s8 =	sadd.s32 $0xFFFFE003, lr  }
0x1b: {  	s9 =	sadd.s32 $0xFFFFFEF7, lr;
	s5 =	simm.s32 $0xFFFFFFFF;
	p2 =	slt.u32 s8, $0xFFFFF086  }
0x1c: {  	p1 =	slt.u32 s9, $0xF7A;
	s5 =	simm.s32 @!p2 $0x0  }
0x1d: {  	s5 =	simm.s32 @p1 $0x1;
	p0 =	seq.s32 s7, s2  }
0x1e: {  	s7 =	smul.u32 @!p0 $0xF7A, s2;
	p2 =	seq.s32 @!p0 s5, $0x0  }
0x1f: {  	s9 =	smul.u32 $0xF7A, s1;
	s8 =	simm.s32 @!p0 $0x1BF5;
	p2 =	por !p2, p0  }
0x20: {  	[sflag:s8] =	ssyncset.s32 @!p0 $0xFFFFF086;
	s6 =	sadd.s32 @!p0 s3, s7;
	s7 =	simm.s32 @!p0 $0x108  }
0x21: {  	s3 =	sadd.s32 s3, s9;
	s6 =	sadd.s32 @!p0 $0x88, s6;
	s7 =	simm.s32 @p2 $0x1082  }
0x22: {  	[simem:s7], [sflag:s8] =	dma.local @!p0 [hbm:s6], $0xF7A  }
0x23: {  	s9 =	sor.u32 $0xD0000000, s2;
	s6 =	simm.s32 $0x108;
	_ =	swait.ge @!p0 [sflag:s8], $0x0  }
0x24: {  	s3 =	sadd.s32 $0x88, s3;
	s6 =	simm.s32 @!p1 $0x1082;
	[sflag:s4] =	ssyncset.s32 $0xFFFFF086  }
0x25: {  	[simem:s6], [sflag:s4] =	dma.local [hbm:s3], $0xF7A  }
0x26: {  	[smem:$0x3F96] =	sst s1;
	(tag) =	ssettag s2;
	_ =	strace s9  }
0x27: {  	s1 =	sld [smem:$0x3FA6]  }
0x28: {  	s2 =	sld [smem:$0x3FA7]  }
0x29: {  	s4 =	sld [smem:$0x3FA9]  }
0x2a: {  	p0 =	seq.s32 s5, $0x0;
	s5 =	sld [smem:$0x3FAA]  }
0x2b: {  	s6 =	sld [smem:$0x3FAB]  }
0x2c: {  	s7 =	sld [smem:$0x3FAC]  }
0x2d: {  	s3 =	simm.s32 $0x108;
	s8 =	sld [smem:$0x3FAD]  }
0x2e: {  	s3 =	simm.s32 @!p0 $0x1082;
	s9 =	sld [smem:$0x3FAE]  }
0x2f: {  	lr =	sadd.s32 s0, s3;
	s0 =	sld [smem:$0x3FA5]  }
0x30: {  	s3 =	sld [smem:$0x3FA8]  }
0x31: {  	[smem:$0x3FB1] =	sst s10  }
0x32: {  	s10 =	sld [smem:$0x3FAF];
	_ =	sdelay $0x3  }
0x33: {  	p0 =	seq.s32 s10, $0x1;
	s10 =	sld [smem:$0x3FB1];
	_ =	sdelay $0x3  }
0x34: {  	[smem:$0x3FB1] =	sst s10  }
0x35: {  	s10 =	sld [smem:$0x3FB0];
	_ =	sdelay $0x3  }
0x36: {  	p1 =	seq.s32 s10, $0x1;
	s10 =	sld [smem:$0x3FB1];
	_ =	sdelay $0x3  }
0x37: {  	[smem:$0x3FB1] =	sst s10  }
0x38: {  	s10 =	sld [smem:$0x3FB2]  }
0x39: {  	_ = 	snop;
	(pc) =	sbr.ind lr, $3  }
0x3a: {  	_ = 	snop  }
0x3b: {  	_ = 	snop  }
0x3c: {  	p2 =	seq.s32 s10, $0x1;
	s10 =	sld [smem:$0x3FB1]  }
0x3d: {  	_ =	shalt  }
0x3e: {  	_ =	shalt  }
0x3f: {  	_ =	shalt  }
0x40: {  	_ =	shalt  }
0x41: {  	_ =	shalt  }
0x42: {  	_ =	shalt  }
0x43: {  	_ =	shalt  }
0x44: {  	_ =	shalt  }
0x45: {  	_ =	shalt  }
0x46: {  	_ =	shalt  }
0x47: {  	_ =	shalt  }
0x48: {  	_ =	shalt  }
0x49: {  	_ =	shalt  }
0x4a: {  	_ =	shalt  }
0x4b: {  	_ =	shalt  }
0x4c: {  	_ =	shalt  }
0x4d: {  	_ =	shalt  }
0x4e: {  	_ =	shalt  }
0x4f: {  	_ =	shalt  }
0x50: {  	_ =	shalt  }
0x51: {  	_ =	shalt  }
0x52: {  	_ =	shalt  }
0x53: {  	_ =	shalt  }
0x54: {  	_ =	shalt  }
0x55: {  	_ =	shalt  }
0x56: {  	_ =	shalt  }
0x57: {  	_ =	shalt  }
0x58: {  	_ =	shalt  }
0x59: {  	_ =	shalt  }
0x5a: {  	_ =	shalt  }
0x5b: {  	_ =	shalt  }
0x5c: {  	_ =	shalt  }
0x5d: {  	_ =	shalt  }
0x5e: {  	_ =	shalt  }
0x5f: {  	_ =	shalt  }
0x60: {  	_ =	shalt  }
0x61: {  	_ =	shalt  }
0x62: {  	_ =	shalt  }
0x63: {  	_ =	shalt  }
0x64: {  	_ =	shalt  }
0x65: {  	_ =	shalt  }
0x66: {  	_ =	shalt  }
0x67: {  	_ =	shalt  }
0x68: {  	_ =	shalt  }
0x69: {  	_ =	shalt  }
0x6a: {  	_ =	shalt  }
0x6b: {  	_ =	shalt  }
0x6c: {  	_ =	shalt  }
0x6d: {  	_ =	shalt  }
0x6e: {  	_ =	shalt  }
0x6f: {  	_ =	shalt  }
0x70: {  	_ =	shalt  }
0x71: {  	_ =	shalt  }
0x72: {  	_ =	shalt  }
0x73: {  	_ =	shalt  }
0x74: {  	_ =	shalt  }
0x75: {  	_ =	shalt  }
0x76: {  	_ =	shalt  }
0x77: {  	_ =	shalt  }
0x78: {  	_ =	shalt  }
0x79: {  	_ =	shalt  }
0x7a: {  	_ =	shalt  }
0x7b: {  	_ =	shalt  }
0x7c: {  	_ =	shalt  }
0x7d: {  	_ =	shalt  }
0x7e: {  	_ =	shalt  }
0x7f: {  	_ =	shalt  }
0x80: {  	_ =	shalt  }
0x81: {  	_ =	shalt  }
0x82: {  	_ =	shalt  }
0x83: {  	_ =	shalt  }
0x84: {  	_ =	shalt  }
0x85: {  	_ =	shalt  }
0x86: {  	_ =	shalt  }
0x87: {  	_ =	shalt  }
.Lfunc_end0:
.L_simem_size_0:
called_computation_lowered:
.L_overlay_start_0:
0x88: {  	s2 =	sld [smem:$0x3FD9]  }
0x89: {  	s3 =	sld [smem:$0x3FFE];
	_ =	sdelay $0x1  }
0x8a: {  	s1 =	srdreg.scid  }
0x8b: {  	s0 =	sand.u32 $0x1, s1  }
0x8c: {  	s17 =	sshll.u32 s0, $0xA;
	s2 =	sadd.s32 s3, s2  }
0x8d: {  	s2 =	sadd.s32 s2, s17  }
0x8e: {  	[smem:$0x3FBD] =	sst s2  }
0x8f: {  	_ = 	snop  }
0x90: {  	(tm) =	ssettm $0x1  }
0x91: {  	s18 =	sld [smem:$0x3FFB];
	_ =	sdelay $0x3  }
0x92: {  	_ =	strace s18  }
0x93: {  	s2 =	sld [smem:$0x3FFC];
	_ =	sdelay $0x3  }
0x94: {  	_ =	strace s2  }
0x95: {  	s2 =	sld [smem:$0x3FFD];
	_ =	sdelay $0x3  }
0x96: {  	_ =	strace s2  }
0x97: {  	_ =	strace $0x8FFFFFFF  }
0x98: {  	s19 =	sld [smem:$0x3FDB];
	_ =	sdelay $0x1  }
0x99: {  	s20 =	simm.s32 $_scs_section_size  }
0x9a: {  	s4 =	simm.s32 $_size__tile_overlayer_lowered;
	s5 =	simm.s32 $_tile_overlayer_lowered  }
0x9b: {  	s6 =	simm.s32 $0x1BFF;
	s21 =	sshll.u32 s5, $0x1;
	s3 =	sadd.s32 s20, s19  }
0x9c: {  	s22 =	simm.s32 $0x0;
	s4 =	sshll.u32 s4, $0x1;
	s5 =	sadd.s32 s21, s3  }
0x9d: {  	[timem:s22], [sflag:s6] =	dma.local [hbm:s5], s4  }
0x9e: {  	_ =	swait.ge [sflag:s6], s4  }
0x9f: {  	s4 =	ssub.s32 $0x0, s4;
	[sflag:s6] =	ssyncset.done $0x0  }
0xa0: {  	[sflag:s6] =	ssyncadd.s32 s4;
	_ =	sdelay $0x1  }
0xa1: {  	s23 =	simm.s32 $0x1B8B  }
0xa2: {  	_ =	swait.ge [sflag:s23], $0x1  }
0xa3: {  	[sflag:s23] =	ssyncset.done $0x0  }
0xa4: {  	[sflag:s23] =	ssyncadd.s32 $0xFFFFFFFF  }
0xa5: {  	s4 =	sld [smem:$0x0]  }
0xa6: {  	s5 =	sand.u32 $0xFFFFFFFE, s1  }
0xa7: {  	p0 =	sne.s32 s1, s5  }
0xa8: {  	s5 =	sshll.u32 @p0 s5, $0xE  }
0xa9: {  	s5 =	sadd.s32 @p0 $0x11B8D, s5;
	s6 =	sshll.u32 @p0 s4, $0x11  }
0xaa: {  	s5 =	sor.u32 @p0 s6, s5  }
0xab: {  	[sflag:s5] =	ssyncadd.remote.s32 @p0 $0x1;
	_ =	sdelay $0x1  }
0xac: {  	s5 =	simm.s32 @p0 $0x1B8D  }
0xad: {  	_ =	swait.eq @p0 [sflag:s5], $0x1  }
0xae: {  	[sflag:s5] =	ssyncadd.s32 @p0 $0xFFFFFFFF  }
0xaf: {  	s6 =	sshll.u32 @!p0 s1, $0xE  }
0xb0: {  	s6 =	sor.u32 @!p0 $0x4000, s6;
	s5 =	simm.s32 @!p0 $0x1B8D  }
0xb1: {  	s4 =	sshll.u32 @!p0 s4, $0x11;
	s6 =	sadd.s32 @!p0 $0x11B8D, s6;
	_ =	swait.eq @!p0 [sflag:s5], $0x1  }
0xb2: {  	s4 =	sor.u32 @!p0 s4, s6;
	[sflag:s5] =	ssyncadd.s32 @!p0 $0xFFFFFFFF  }
0xb3: {  	s25 =	simm.s32 $0x1B8E;
	s24 =	sld [smem:$0x3FFE];
	[sflag:s4] =	ssyncadd.remote.s32 @!p0 $0x1  }
0xb4: {  	s26 =	simm.s32 $execute0_lowered;
	[smem:$0x3FD2] =	sst s25  }
0xb5: {  	s5 =	sshll.u32 s26, $0x1;
	_ =	strace $0x80000049;
	[dreg:$0x1] =	wrdreg $0xFFFFFFFF  }
0xb6: {  	s28 =	simm.s32 $_size_execute0_lowered;
	s3 =	sadd.s32 s3, s5;
	[dreg:$0x0] =	wrdreg $0x0  }
0xb7: {  	s5 =	sshll.u32 s28, $0x1;
	[dreg:$0x2] =	wrdreg s3  }
0xb8: {  	[dreg:$0x3] =	wrdreg s5  }
0xb9: {  	[dreg:$0x4] =	wrdreg $0xC0  }
0xba: {  	_ =	task [dreg:s22], $0x5FFFF  }
0xbb: {  	[dreg:$0x1] =	wrdreg $0xFFFFFFFF  }
0xbc: {  	[dreg:$0x0] =	wrdreg $0x60  }
0xbd: {  	[dreg:$0x2] =	wrdreg s24  }
0xbe: {  	[dreg:$0x3] =	wrdreg $0x22000  }
0xbf: {  	[dreg:$0x4] =	wrdreg $0x9  }
0xc0: {  	_ =	task.clear_ibuf [dreg:s22], $0x5FFFF;
	_ =	strace $0x90000049  }
0xc1: {  	s29 =	simm.s32 $0x9;
	_ =	strace $0x8000004B  }
0xc2: {  	_ =	swait.ge [sflag:s29], $0x1  }
0xc3: {  	[sflag:s29] =	ssyncadd.s32 $0xFFFFFFFF  }
0xc4: {  	_ =	strace $0x9000004B  }
0xc5: {  	_ =	sfence  }
0xc6: {  	s30 =	sld [smem:$0x0];
	_ =	sdelay $0x2  }
0xc7: {  	s31 =	sshll.u32 s1, $0xD;
	s1 =	sshrl.u32 s1, $0x2  }
0xc8: {  	s4 =	sand.u32 $0x4000, s31;
	s1 =	sadd.s32 s1, s30  }
0xc9: {  	s0 =	sor.u32 s4, s0;
	s1 =	sshll.u32 s1, $0x11  }
0xca: {  	s0 =	sor.u32 s1, s0  }
0xcb: {  	s0 =	sadd.s32 $0x8F2B, s0  }
0xcc: {  	[sflag:s0] =	ssyncadd.remote.s32 $0x1  }
0xcd: {  	_ =	sfence.sel $0xFFFF  }
0xce: {  	[dreg:$0x0] =	wrdreg $0xFFFFFFFF;
	(pc) =	sbr.abs _section_cstart, $3  }
0xcf: {  	[dreg:$0x1] =	wrdreg $0xFFFFFFFF  }
0xd0: {  	_ =	task.clear_ibuf [dreg:s22], $0x2FFFF;
	_ =	strace $0x9FFFFFFF  }
0xd1: {  	(tm) =	ssettm $0x7FFFFFFF  }
tec
execute0_lowered:
.L_overlay_start_1:
0x0: {  	(tag) =	ssettag $0x1  }
0x1: {  	s6 =	rddreg [dreg:$0x0]  }
0x2: {  	s1 =	rddreg [dreg:$0x1]  }
0x3: {  	s0 =	rddreg [dreg:$0x2]  }
0x4: {  	s3 =	simm.s32 $0x0;
	s2 =	srdreg.scid;
	s16 =	simm.s32 $0x5  }
0x5: {  	s17 =	simm.s32 $0x200;
	s18 =	simm.s32 $0x80;
	s19 =	simm.s32 $0x1  }
0x6: {  	s20 =	simm.s32 $0x40;
	s21 =	simm.s32 $0x100;
	s7 =	sand.u32 $0x1, s2  }
0x7: {  	s22 =	simm.s32 $0x2;
	s2 =	stileid.u32;
	s5 =	smul.u32 $0x13C000, s7  }
0x8: {  	s23 =	simm.s32 $0x180;
	s24 =	simm.s32 $0x3;
	s8 =	smul.u32 $0x13C00, s2  }
0x9: {  	[smem:$0x7FF] =	sst s3;
	s4 =	sadd.s32 $0x515C00, s6;
	s10 =	smul.u32 $0x4F000, s2  }
0xa: {  	s12 =	sadd.s32 $0x1C00, s6;
	_ =	strace $0x8000004A;
	s26 =	smul.u32 $0xA00, s7  }
0xb: {  	s9 =	sshll.u32 s7, $0x4;
	s25 =	ssub.s32 $0x2, s7;
	s13 =	smul.u32 $0xA0, s2  }
0xc: {  	s29 =	sshll.u32 s2, $0x6;
	s9 =	sor.u32 s2, s9;
	s28 =	sshrl.u32 s25, $0x1  }
0xd: {  	s8 =	sadd.s32 s8, s5;
	s5 =	sadd.s32 $0x567400, s6;
	s9 =	smul.u32 $0x500, s9  }
0xe: {  	s10 =	sshrl.u32 s10, $0x2;
	s14 =	ssub.s32 s25, s28;
	s30 =	sadd.s32 s13, s26  }
0xf: {  	s25 =	simm.s32 $0x4;
	s26 =	simm.s32 $0x0;
	s8 =	sshrl.u32 s8, $0x3  }
.Ltmp0:
0x10: {  	s15 =	sadd.s32 s10, s1;
	s13 =	sshll.u32 s30, $0x3;
	(pc) =	sbr.rel .LBB2_1-.Ltmp0, $4  }
0x11: {  	s10 =	smax.u32 s14, $0x1;
	s11 =	sadd.s32 s8, s6;
	s6 =	sor.u32 $0x1C05, s29  }
0x12: {  	s7 =	sadd.s32 s12, s9;
	s31 =	sadd.s32 s13, s12;
	s15 =	sshrl.u32 s15, $0x3  }
0x13: {  	s8 =	sadd.s32 $0x8, s7;
	s9 =	sadd.s32 $0x567800, s11;
	s11 =	sadd.s32 $0x10, s7  }
0x14: {  	s12 =	sadd.s32 $0x18, s7;
	s13 =	sadd.s32 $0x28, s31;
	s14 =	sadd.s32 $0x20, s31  }
.LBB2_4:
0x15: {  	_ =	swait.ge [sflag:s24], $0x2000  }
0x16: {  	[sflag:s24] =	ssyncset.done $0x0  }
0x17: {  	[sflag:s24] =	ssyncadd.s32 $0xFFFFE000  }
0x18: {  	_ =	swait.ge [sflag:s25], $0x2000  }
0x19: {  	s26 =	sadd.s32 $0x1, s26;
	[sflag:s25] =	ssyncset.done $0x0  }
0x1a: {  	p0 =	sne.s32 s26, s10;
	[sflag:s25] =	ssyncadd.s32 $0xFFFFE000  }
.Ltmp1:
0x1b: {  	[bflag:$0x0] =	sbarrier.arrive $0xFFFF;
	(pc) =	sbr.rel @!p0 .LBB2_5-.Ltmp1, $4  }
0x1c: {  	[hbm:s9], [sflag:s6] =	dma.local [spmem:s15], $0x2780  }
0x1d: {  	_ =	swait.ge [sflag:s16], $0x2780  }
0x1e: {  	[sflag:s16] =	ssyncset.done $0x0  }
0x1f: {  	[sflag:s16] =	ssyncadd.s32 $0xFFFFD880  }
.LBB2_1:
0x20: {  	[spmem:s15], [sflag:s6] =	dma.local [hbm:s4], $0x2780  }
0x21: {  	_ =	swait.ge [sflag:s16], $0x2780  }
0x22: {  	[sflag:s16] =	ssyncset.done $0x0  }
0x23: {  	[sflag:s16] =	ssyncadd.s32 $0xFFFFD880  }
0x24: {  	[tilespmem:s17], [sflag:$0x5] =	stream.linear.gather [hbm4b:s5+s3], $0x2000, $0x38;
	[tilespmem:$0x15E00] =	vst v63  }
0x25: {  	_ =	swait.ge [sflag:s16], $0x2000  }
0x26: {  	[sflag:s16] =	ssyncset.done $0x0  }
0x27: {  	[sflag:s16] =	ssyncadd.s32 $0xFFFFE000  }
0x28: {  	[bflag:$0x0] =	sbarrier.arrive $0xFFFF  }
0x29: {  	[tilespmem:s3], [sflag:$0x1] =	stream.linear.gather [hbm4b:s7+s3], $0x40, $0x38;
	[tilespmem:$0x15E00] =	vst v63  }
0x2a: {  	_ = 	snop  }
0x2b: {  	[tilespmem:s18], [sflag:$0x2] =	stream.linear.gather [hbm4b:s8+s3], $0x40, $0x38;
	[tilespmem:$0x15E00] =	vst v63  }
0x2c: {  	_ =	swait.ge [sflag:s19], $0x40  }
0x2d: {  	[sflag:s19] =	ssyncset.done $0x0  }
0x2e: {  	[sflag:s19] =	ssyncadd.s32 $0xFFFFFFC0  }
0x2f: {  	v0 =	vld [tilespmem:$0x0]  }
0x30: {  	v1 =	vld [tilespmem:$0x10]  }
0x31: {  	v2 =	vld [tilespmem:$0x20]  }
0x32: {  	v3 =	vld [tilespmem:$0x30];
	_ =	sdelay $0x1  }
0x33: {  	[tilespmem:$0x100] =	vst v0  }
0x34: {  	[tilespmem:$0x110] =	vst v1  }
0x35: {  	[tilespmem:$0x120] =	vst v2  }
0x36: {  	[tilespmem:$0x130] =	vst v3  }
0x37: {  	[spmem:s1] =	stream.indirect.scatter.add.f32 [tilespmem:s17], [sflag:$0x3], $0x80, s21, s20, $0xb8;
	[tilespmem:$0x15E00] =	vst v63  }
0x38: {  	_ = 	snop  }
0x39: {  	[tilespmem:s3], [sflag:$0x1] =	stream.linear.gather [hbm4b:s11+s3], $0x40, $0x38;
	[tilespmem:$0x15E00] =	vst v63  }
0x3a: {  	_ =	swait.ge [sflag:s22], $0x40  }
0x3b: {  	[sflag:s22] =	ssyncset.done $0x0  }
0x3c: {  	[sflag:s22] =	ssyncadd.s32 $0xFFFFFFC0  }
0x3d: {  	v60 =	vld [tilespmem:$0x80]  }
0x3e: {  	v61 =	vld [tilespmem:$0x90]  }
0x3f: {  	v62 =	vld [tilespmem:$0xA0]  }
0x40: {  	v63 =	vld [tilespmem:$0xB0];
	_ =	sdelay $0x1  }
0x41: {  	[tilespmem:$0x180] =	vst v60  }
0x42: {  	[tilespmem:$0x190] =	vst v61  }
0x43: {  	[tilespmem:$0x1A0] =	vst v62  }
0x44: {  	[tilespmem:$0x1B0] =	vst v63  }
0x45: {  	[spmem:s1] =	stream.indirect.scatter.add.f32 [tilespmem:s17], [sflag:$0x4], $0x80, s23, s20, $0xb8;
	[tilespmem:$0x15E00] =	vst v63  }
0x46: {  	s28 =	simm.s32 $0x0  }
0x47: {  	[tilespmem:s18], [sflag:$0x2] =	stream.linear.gather [hbm4b:s12+s3], $0x40, $0x38;
	[tilespmem:$0x15E00] =	vst v63  }
.LBB2_2:
0x48: {  	_ =	swait.ge [sflag:s19], $0x40  }
0x49: {  	[sflag:s19] =	ssyncset.done $0x0  }
0x4a: {  	[sflag:s19] =	ssyncadd.s32 $0xFFFFFFC0  }
0x4b: {  	_ =	swait.ge [sflag:s24], $0x2000  }
0x4c: {  	[sflag:s24] =	ssyncset.done $0x0  }
0x4d: {  	[sflag:s24] =	ssyncadd.s32 $0xFFFFE000  }
0x4e: {  	v0 =	vld [tilespmem:$0x0]  }
0x4f: {  	v1 =	vld [tilespmem:$0x10]  }
0x50: {  	v2 =	vld [tilespmem:$0x20]  }
0x51: {  	v3 =	vld [tilespmem:$0x30];
	_ =	sdelay $0x1  }
0x52: {  	[tilespmem:$0x100] =	vst v0  }
0x53: {  	[tilespmem:$0x110] =	vst v1  }
0x54: {  	[tilespmem:$0x120] =	vst v2  }
0x55: {  	p0 =	sne.s32 s28, $0x4E0;
	[tilespmem:$0x130] =	vst v3  }
0x56: {  	[spmem:s1] =	stream.indirect.scatter.add.f32 [tilespmem:s17], [sflag:$0x3], $0x80, s21, s20, $0xb8;
	[tilespmem:$0x15E00] =	vst v63  }
0x57: {  	s29 =	sadd.s32 @p0 s28, s14;
	s30 =	simm.s32 @p0 $0x0  }
0x58: {  	[tilespmem:s30], [sflag:$0x1] =	stream.linear.gather @p0 [hbm4b:s29+s30], $0x40, $0x38;
	[tilespmem:$0x15E00] =	vst v63  }
0x59: {  	s29 =	simm.s32 @p0 $0x2  }
0x5a: {  	_ =	swait.ge @p0 [sflag:s29], $0x40  }
0x5b: {  	[sflag:s29] =	ssyncset.done @p0 $0x0  }
0x5c: {  	[sflag:s29] =	ssyncadd.s32 @p0 $0xFFFFFFC0;
	s29 =	simm.s32 @!p0 $0x2  }
0x5d: {  	_ =	swait.ge @!p0 [sflag:s29], $0x40  }
0x5e: {  	[sflag:s29] =	ssyncset.done @!p0 $0x0  }
0x5f: {  	[sflag:s29] =	ssyncadd.s32 @!p0 $0xFFFFFFC0  }
0x60: {  	_ =	swait.ge [sflag:s25], $0x2000  }
0x61: {  	[sflag:s25] =	ssyncset.done $0x0  }
0x62: {  	[sflag:s25] =	ssyncadd.s32 $0xFFFFE000  }
0x63: {  	v60 =	vld [tilespmem:$0x80]  }
0x64: {  	v61 =	vld [tilespmem:$0x90]  }
0x65: {  	v62 =	vld [tilespmem:$0xA0]  }
0x66: {  	v63 =	vld [tilespmem:$0xB0]  }
0x67: {  	p0 =	seq.s32 s28, $0x4E0  }
.Ltmp2:
0x68: {  	[tilespmem:$0x180] =	vst v60;
	(pc) =	sbr.rel @p0 .LBB2_4-.Ltmp2, $4  }
0x69: {  	[tilespmem:$0x190] =	vst v61  }
0x6a: {  	[tilespmem:$0x1A0] =	vst v62  }
0x6b: {  	[tilespmem:$0x1B0] =	vst v63  }
0x6c: {  	[spmem:s1] =	stream.indirect.scatter.add.f32 [tilespmem:s17], [sflag:$0x4], $0x80, s23, s20, $0xb8;
	[tilespmem:$0x15E00] =	vst v63  }
.Ltmp3:
0x6d: {  	(pc) =	sbr.rel .LBB2_2-.Ltmp3, $3  }
0x6e: {  	_ =	sdelay $0x1  }
0x6f: {  	s29 =	sadd.s32 s28, s13;
	s28 =	sadd.s32 $0x10, s28  }
0x70: {  	[tilespmem:s18], [sflag:$0x2] =	stream.linear.gather [hbm4b:s29+s3], $0x40, $0x38;
	[tilespmem:$0x15E00] =	vst v63  }
.LBB2_5:
0x71: {  	_ =	sfence.sel $0x180000  }
0x72: {  	[bflag:$0x0] =	sbarrier.arrive $0xFFFF  }
0x73: {  	p0 =	sne.s32 s2, $0x0;
	_ =	strace $0x9000004A  }
0x74: {  	s0 =	sadd.s32 @!p0 $0x100000, s0;
	[bflag:$0x2] =	sbarrier.arrive $0xFFFF  }
0x75: {  	[sflag:s0] =	ssyncadd.tile.s32 @!p0 $0x1;
	_ =	shalt  }
.Lfunc_end2:
_tile_overlayer_lowered:
.L_overlay_start_2:
0x76: {  	(tag) =	ssettag $0x2  }
0x77: {  	s0 =	rddreg [dreg:$0x0];
	s2 =	stileid.u32  }
0x78: {  	s1 =	rddreg [dreg:$0x1];
	p0 =	sne.s32 s2, $0x0  }
0x79: {  	s3 =	rddreg [dreg:$0x2];
	[bflag:$0x3] =	sbarrier.arrive $0xFFFF;
	s2 =	simm.s32 @!p0 $0x1C05  }
0x7a: {  	[timem:s3], [sflag:s2] =	dma.local @!p0 [hbm:s0], s1  }
0x7b: {  	s0 =	simm.s32 @!p0 $0x5  }
0x7c: {  	_ =	swait.ge @!p0 [sflag:s0], s1  }
0x7d: {  	s1 =	ssub.s32 @!p0 $0x0, s1;
	[sflag:s0] =	ssyncset.done @!p0 $0x0  }
0x7e: {  	[sflag:s0] =	ssyncadd.s32 @!p0 s1  }
0x7f: {  	[bflag:$0x3] =	sbarrier.arrive $0xFFFF  }
0x80: {  	_ =	shalt  }

</sc_bundles>
